<compile_context>
chip_gen: v7x
topology: tpu7x:2x2x1
jax: 0.10.2.dev20260603
libtpu: 0.0.44.dev20260713+nightly
codegen_flags: <defaults>
</compile_context>

<pallas_src>
import functools

import jax
import jax.numpy as jnp
from jax import lax
from jax.experimental import pallas as pl
from jax.experimental.pallas import tpu as pltpu
from jax.experimental.pallas import tpu_sc as plsc

NC = 2
NS = 16
NW = NC * NS
NBUF = 6


def _chunk_rows(rows_per_worker: int) -> int:
    best = 1
    for c in range(1, 257):
        if rows_per_worker % c == 0:
            best = c
    return best


@functools.cache
def _build(rows_per_worker: int, chunk: int, d: int, dtype):
    n_chunks = rows_per_worker // chunk
    nbuf = min(NBUF, n_chunks)
    mesh = plsc.VectorSubcoreMesh(core_axis_name="c", subcore_axis_name="s")

    @functools.partial(
        pl.kernel,
        mesh=mesh,
        out_type=jax.ShapeDtypeStruct((NW * rows_per_worker, d), dtype),
        scratch_types=[
            pltpu.VMEM((n_chunks, chunk), jnp.int32),
            pltpu.VMEM((nbuf, chunk, d), dtype),
            [pltpu.SemaphoreType.DMA] * nbuf,
            [pltpu.SemaphoreType.DMA] * nbuf,
        ],
        compiler_params=pltpu.CompilerParams(use_tc_tiling_on_sc=False),
    )
    def gather_kernel(idx_hbm, table_hbm, out_hbm, idx_v, buf_v, gsems, ssems):
        wid = lax.axis_index("s") * NC + lax.axis_index("c")
        base = wid * rows_per_worker
        head = min(nbuf - 1, n_chunks)
        pltpu.sync_copy(
            idx_hbm.at[wid, pl.ds(0, head)], idx_v.at[pl.ds(0, head)]
        )

        def gather_start(c):
            return pltpu.async_copy(
                table_hbm.at[idx_v.at[c]], buf_v.at[c % nbuf], gsems[c % nbuf]
            )

        def store_start(c):
            return pltpu.async_copy(
                buf_v.at[c % nbuf], out_hbm.at[pl.ds(base + c * chunk, chunk)],
                ssems[c % nbuf],
            )

        gh = [None] * n_chunks
        sh = [None] * n_chunks
        for c in range(head):
            gh[c] = gather_start(c)
        if head < n_chunks:
            pltpu.sync_copy(
                idx_hbm.at[wid, pl.ds(head, n_chunks - head)],
                idx_v.at[pl.ds(head, n_chunks - head)],
            )
        for c in range(n_chunks):
            if c + nbuf - 1 < n_chunks:
                if c >= 1:
                    sh[c - 1].wait()
                gh[c + nbuf - 1] = gather_start(c + nbuf - 1)
            gh[c].wait()
            sh[c] = store_start(c)
        for c in range(max(0, n_chunks - nbuf), n_chunks):
            sh[c].wait()

    return gather_kernel


def kernel(x, table):
    n = x.shape[0]
    d = table.shape[1]
    assert n % NW == 0, n
    rows_per_worker = n // NW
    chunk = _chunk_rows(rows_per_worker)
    xi = x.astype(jnp.int32).reshape(NW, rows_per_worker // chunk, chunk)
    return _build(rows_per_worker, chunk, d, table.dtype)(xi, table)

# --- scband reference (transcript-rebuilt; emitter-appended) ---
"""Pipeline reference for scband-node-embedding-14242111554124 (READ-ONLY COPY).

The authoritative reference and input builder live on the scoring server;
editing this copy changes nothing except your own understanding.
"""

import jax, jax.numpy as jnp
import numpy as np

IN_DIM = 100000
OUT_DIM = 128
N = 100000

def setup_inputs(seed: int = 0) -> dict:
    key = jax.random.key(seed)
    k1, k2 = jax.random.split(key)
    x = jax.random.randint(k1, (N,), 0, IN_DIM, dtype=jnp.int64 if jax.config.jax_enable_x64 else jnp.int32)
    # nn.Embedding default init: N(0, 1)
    table = jax.random.normal(k2, (IN_DIM, OUT_DIM), dtype=jnp.float32)
    return {"x": x, "table": table}

def reference(x, table):
    # NodeEmbedding.forward: data.x = self.embedding(data.x)
    # Embedding lookup == row gather from the table.
    return jnp.take(table, x, axis=0)

if __name__ == "__main__":
    import jax
    _d = setup_inputs()
    print(jax.jit(kernel)(*tuple(_d.values())))

</pallas_src>

<mosaic_0001>
#map = affine_map<(d0, d1) -> (0, 0, 0)>
#map1 = affine_map<(d0, d1) -> (0, 0)>
module attributes {stable_mosaic.version = 14 : i64} {
  func.func @gather_kernel(%arg0: i32, %arg1: i32, %arg2: memref<32x25x125xi32, #tpu.memory_space<hbm>>, %arg3: memref<100000x128xf32, #tpu.memory_space<hbm>>, %arg4: memref<100000x128xf32, #tpu.memory_space<hbm>>, %arg5: memref<25x125xi32, #tpu.memory_space<vmem>>, %arg6: memref<6x125x128xf32, #tpu.memory_space<vmem>>, %arg7: memref<!tpu.dma_semaphore, #tpu.memory_space<semaphore_mem>>, %arg8: memref<!tpu.dma_semaphore, #tpu.memory_space<semaphore_mem>>, %arg9: memref<!tpu.dma_semaphore, #tpu.memory_space<semaphore_mem>>, %arg10: memref<!tpu.dma_semaphore, #tpu.memory_space<semaphore_mem>>, %arg11: memref<!tpu.dma_semaphore, #tpu.memory_space<semaphore_mem>>, %arg12: memref<!tpu.dma_semaphore, #tpu.memory_space<semaphore_mem>>, %arg13: memref<!tpu.dma_semaphore, #tpu.memory_space<semaphore_mem>>, %arg14: memref<!tpu.dma_semaphore, #tpu.memory_space<semaphore_mem>>, %arg15: memref<!tpu.dma_semaphore, #tpu.memory_space<semaphore_mem>>, %arg16: memref<!tpu.dma_semaphore, #tpu.memory_space<semaphore_mem>>, %arg17: memref<!tpu.dma_semaphore, #tpu.memory_space<semaphore_mem>>, %arg18: memref<!tpu.dma_semaphore, #tpu.memory_space<semaphore_mem>>) attributes {dimension_semantics = [#tpu.dimension_semantics<core_parallel>, #tpu.dimension_semantics<subcore_parallel>], iteration_bounds = array<i64: 2, 16>, scalar_prefetch = 0 : i64, scratch_operands = 14 : i64, tpu.core_type = #tpu.core_type<sc_vector_subcore>, window_params = [{transform_indices = #map}, {transform_indices = #map1}, {transform_indices = #map1}]} {
    %mul3A = arith.constant 2 : i32
    %mul3A_0 = arith.muli %arg1, %mul3A : i32
    %add3A = arith.addi %mul3A_0, %arg0 : i32
    %mul3A_1 = arith.constant 3125 : i32
    %mul3A_2 = arith.muli %add3A, %mul3A_1 : i32
    "tpu.region"() ({
      %run_scoped3A = tpu.sem_alloc : memref<!tpu.dma_semaphore, #tpu.memory_space<semaphore_mem>>
      %dma_start3A_1301 = arith.constant 0 : i32
      %dma_start3A_1302 = arith.constant 0 : i32
      %dma_start3A_1303 = tpu.memref_slice %arg5[%dma_start3A_1301, %dma_start3A_1302] : memref<25x125xi32, #tpu.memory_space<vmem>> -> memref<5x125xi32, #tpu.memory_space<vmem>>
      %dma_start3A_1304 = arith.constant 0 : i32
      %dma_start3A_1305 = arith.constant 0 : i32
      %dma_start3A_1306 = tpu.memref_slice %arg2[%add3A, %dma_start3A_1304, %dma_start3A_1305] : memref<32x25x125xi32, #tpu.memory_space<hbm>> -> memref<1x5x125xi32, #tpu.memory_space<hbm>>
      %dma_start3A_1307 = tpu.memref_squeeze %dma_start3A_1306 : memref<1x5x125xi32, #tpu.memory_space<hbm>> -> memref<5x125xi32, #tpu.memory_space<hbm>>
      %dma_start3A_1308 = arith.constant 0 : i32
      %dma_start3A_1309 = arith.constant 0 : i32
      %dma_start3A_1310 = tpu.memref_slice %arg5[%dma_start3A_1308, %dma_start3A_1309] : memref<25x125xi32, #tpu.memory_space<vmem>> -> memref<5x125xi32, #tpu.memory_space<vmem>>
      %dma_start3A_1311 = arith.constant 0 : i32
      %dma_start3A_1312 = arith.constant 0 : i32
      %dma_start3A_1313 = tpu.memref_slice %arg2[%add3A, %dma_start3A_1311, %dma_start3A_1312] : memref<32x25x125xi32, #tpu.memory_space<hbm>> -> memref<1x5x125xi32, #tpu.memory_space<hbm>>
      %dma_start3A_1314 = tpu.memref_squeeze %dma_start3A_1313 : memref<1x5x125xi32, #tpu.memory_space<hbm>> -> memref<5x125xi32, #tpu.memory_space<hbm>>
      tpu.enqueue_dma source(%dma_start3A_1314 : memref<5x125xi32, #tpu.memory_space<hbm>>) target(%dma_start3A_1310 : memref<5x125xi32, #tpu.memory_space<vmem>>) target_semaphore(%run_scoped3A : memref<!tpu.dma_semaphore, #tpu.memory_space<semaphore_mem>>)
      %dma_wait3A_1315 = arith.constant 0 : i32
      %dma_wait3A_1316 = arith.constant 0 : i32
      %dma_wait3A_1317 = tpu.memref_slice %arg5[%dma_wait3A_1315, %dma_wait3A_1316] : memref<25x125xi32, #tpu.memory_space<vmem>> -> memref<5x125xi32, #tpu.memory_space<vmem>>
      %dma_wait3A_1318 = arith.constant 0 : i32
      %dma_wait3A_1319 = arith.constant 0 : i32
      %dma_wait3A_1320 = tpu.memref_slice %arg2[%add3A, %dma_wait3A_1318, %dma_wait3A_1319] : memref<32x25x125xi32, #tpu.memory_space<hbm>> -> memref<1x5x125xi32, #tpu.memory_space<hbm>>
      %dma_wait3A_1321 = tpu.memref_squeeze %dma_wait3A_1320 : memref<1x5x125xi32, #tpu.memory_space<hbm>> -> memref<5x125xi32, #tpu.memory_space<hbm>>
      %dma_wait3A_1322 = arith.constant 0 : i32
      %dma_wait3A_1323 = arith.constant 0 : i32
      %dma_wait3A_1324 = tpu.memref_slice %arg5[%dma_wait3A_1322, %dma_wait3A_1323] : memref<25x125xi32, #tpu.memory_space<vmem>> -> memref<5x125xi32, #tpu.memory_space<vmem>>
      %dma_wait3A_1325 = arith.constant 0 : i32
      %dma_wait3A_1326 = arith.constant 0 : i32
      %dma_wait3A_1327 = tpu.memref_slice %arg2[%add3A, %dma_wait3A_1325, %dma_wait3A_1326] : memref<32x25x125xi32, #tpu.memory_space<hbm>> -> memref<1x5x125xi32, #tpu.memory_space<hbm>>
      %dma_wait3A_1328 = tpu.memref_squeeze %dma_wait3A_1327 : memref<1x5x125xi32, #tpu.memory_space<hbm>> -> memref<5x125xi32, #tpu.memory_space<hbm>>
      tpu.wait_dma2 semaphore(%run_scoped3A : memref<!tpu.dma_semaphore, #tpu.memory_space<semaphore_mem>>) src(%dma_wait3A_1328 : memref<5x125xi32, #tpu.memory_space<hbm>>) dst(%dma_wait3A_1324 : memref<5x125xi32, #tpu.memory_space<vmem>>)
      tpu.yield
    }) : () -> ()
    %dma_start3A = arith.constant 0 : i32
    %dma_start3A_3 = arith.constant 0 : i32
    %dma_start3A_4 = arith.constant 0 : i32
    %dma_start3A_5 = arith.constant 0 : i32
    %dma_start3A_6 = tpu.memref_slice %arg6[%dma_start3A_3, %dma_start3A_4, %dma_start3A_5] : memref<6x125x128xf32, #tpu.memory_space<vmem>> -> memref<1x125x128xf32, #tpu.memory_space<vmem>>
    %dma_start3A_7 = tpu.memref_squeeze %dma_start3A_6 : memref<1x125x128xf32, #tpu.memory_space<vmem>> -> memref<125x128xf32, #tpu.memory_space<vmem>>
    %dma_start3A_8 = arith.constant 0 : i32
    %dma_start3A_9 = tpu.memref_slice %arg5[%dma_start3A, %dma_start3A_8] : memref<25x125xi32, #tpu.memory_space<vmem>> -> memref<1x125xi32, #tpu.memory_space<vmem>>
    %dma_start3A_10 = tpu.memref_squeeze %dma_start3A_9 : memref<1x125xi32, #tpu.memory_space<vmem>> -> memref<125xi32, #tpu.memory_space<vmem>>
    %dma_start3A_11 = arith.constant 0 : i32
    %dma_start3A_12 = arith.constant 0 : i32
    %dma_start3A_13 = tpu.memref_slice %arg3[%dma_start3A_11, %dma_start3A_12] : memref<100000x128xf32, #tpu.memory_space<hbm>> -> memref<100000x128xf32, #tpu.memory_space<hbm>>
    tpu.enqueue_indirect_dma source(%dma_start3A_13 : memref<100000x128xf32, #tpu.memory_space<hbm>>) target(%dma_start3A_7 : memref<125x128xf32, #tpu.memory_space<vmem>>) offsets(%dma_start3A_10 : memref<125xi32, #tpu.memory_space<vmem>>) semaphore(%arg7 : memref<!tpu.dma_semaphore, #tpu.memory_space<semaphore_mem>>)
    %dma_start3A_14 = arith.constant 1 : i32
    %dma_start3A_15 = arith.constant 1 : i32
    %dma_start3A_16 = arith.constant 0 : i32
    %dma_start3A_17 = arith.constant 0 : i32
    %dma_start3A_18 = tpu.memref_slice %arg6[%dma_start3A_15, %dma_start3A_16, %dma_start3A_17] : memref<6x125x128xf32, #tpu.memory_space<vmem>> -> memref<1x125x128xf32, #tpu.memory_space<vmem>>
    %dma_start3A_19 = tpu.memref_squeeze %dma_start3A_18 : memref<1x125x128xf32, #tpu.memory_space<vmem>> -> memref<125x128xf32, #tpu.memory_space<vmem>>
    %dma_start3A_20 = arith.constant 0 : i32
    %dma_start3A_21 = tpu.memref_slice %arg5[%dma_start3A_14, %dma_start3A_20] : memref<25x125xi32, #tpu.memory_space<vmem>> -> memref<1x125xi32, #tpu.memory_space<vmem>>
    %dma_start3A_22 = tpu.memref_squeeze %dma_start3A_21 : memref<1x125xi32, #tpu.memory_space<vmem>> -> memref<125xi32, #tpu.memory_space<vmem>>
    %dma_start3A_23 = arith.constant 0 : i32
    %dma_start3A_24 = arith.constant 0 : i32
    %dma_start3A_25 = tpu.memref_slice %arg3[%dma_start3A_23, %dma_start3A_24] : memref<100000x128xf32, #tpu.memory_space<hbm>> -> memref<100000x128xf32, #tpu.memory_space<hbm>>
    tpu.enqueue_indirect_dma source(%dma_start3A_25 : memref<100000x128xf32, #tpu.memory_space<hbm>>) target(%dma_start3A_19 : memref<125x128xf32, #tpu.memory_space<vmem>>) offsets(%dma_start3A_22 : memref<125xi32, #tpu.memory_space<vmem>>) semaphore(%arg8 : memref<!tpu.dma_semaphore, #tpu.memory_space<semaphore_mem>>)
    %dma_start3A_26 = arith.constant 2 : i32
    %dma_start3A_27 = arith.constant 2 : i32
    %dma_start3A_28 = arith.constant 0 : i32
    %dma_start3A_29 = arith.constant 0 : i32
    %dma_start3A_30 = tpu.memref_slice %arg6[%dma_start3A_27, %dma_start3A_28, %dma_start3A_29] : memref<6x125x128xf32, #tpu.memory_space<vmem>> -> memref<1x125x128xf32, #tpu.memory_space<vmem>>
    %dma_start3A_31 = tpu.memref_squeeze %dma_start3A_30 : memref<1x125x128xf32, #tpu.memory_space<vmem>> -> memref<125x128xf32, #tpu.memory_space<vmem>>
    %dma_start3A_32 = arith.constant 0 : i32
    %dma_start3A_33 = tpu.memref_slice %arg5[%dma_start3A_26, %dma_start3A_32] : memref<25x125xi32, #tpu.memory_space<vmem>> -> memref<1x125xi32, #tpu.memory_space<vmem>>
    %dma_start3A_34 = tpu.memref_squeeze %dma_start3A_33 : memref<1x125xi32, #tpu.memory_space<vmem>> -> memref<125xi32, #tpu.memory_space<vmem>>
    %dma_start3A_35 = arith.constant 0 : i32
    %dma_start3A_36 = arith.constant 0 : i32
    %dma_start3A_37 = tpu.memref_slice %arg3[%dma_start3A_35, %dma_start3A_36] : memref<100000x128xf32, #tpu.memory_space<hbm>> -> memref<100000x128xf32, #tpu.memory_space<hbm>>
    tpu.enqueue_indirect_dma source(%dma_start3A_37 : memref<100000x128xf32, #tpu.memory_space<hbm>>) target(%dma_start3A_31 : memref<125x128xf32, #tpu.memory_space<vmem>>) offsets(%dma_start3A_34 : memref<125xi32, #tpu.memory_space<vmem>>) semaphore(%arg9 : memref<!tpu.dma_semaphore, #tpu.memory_space<semaphore_mem>>)
    %dma_start3A_38 = arith.constant 3 : i32
    %dma_start3A_39 = arith.constant 3 : i32
    %dma_start3A_40 = arith.constant 0 : i32
    %dma_start3A_41 = arith.constant 0 : i32
    %dma_start3A_42 = tpu.memref_slice %arg6[%dma_start3A_39, %dma_start3A_40, %dma_start3A_41] : memref<6x125x128xf32, #tpu.memory_space<vmem>> -> memref<1x125x128xf32, #tpu.memory_space<vmem>>
    %dma_start3A_43 = tpu.memref_squeeze %dma_start3A_42 : memref<1x125x128xf32, #tpu.memory_space<vmem>> -> memref<125x128xf32, #tpu.memory_space<vmem>>
    %dma_start3A_44 = arith.constant 0 : i32
    %dma_start3A_45 = tpu.memref_slice %arg5[%dma_start3A_38, %dma_start3A_44] : memref<25x125xi32, #tpu.memory_space<vmem>> -> memref<1x125xi32, #tpu.memory_space<vmem>>
    %dma_start3A_46 = tpu.memref_squeeze %dma_start3A_45 : memref<1x125xi32, #tpu.memory_space<vmem>> -> memref<125xi32, #tpu.memory_space<vmem>>
    %dma_start3A_47 = arith.constant 0 : i32
    %dma_start3A_48 = arith.constant 0 : i32
    %dma_start3A_49 = tpu.memref_slice %arg3[%dma_start3A_47, %dma_start3A_48] : memref<100000x128xf32, #tpu.memory_space<hbm>> -> memref<100000x128xf32, #tpu.memory_space<hbm>>
    tpu.enqueue_indirect_dma source(%dma_start3A_49 : memref<100000x128xf32, #tpu.memory_space<hbm>>) target(%dma_start3A_43 : memref<125x128xf32, #tpu.memory_space<vmem>>) offsets(%dma_start3A_46 : memref<125xi32, #tpu.memory_space<vmem>>) semaphore(%arg10 : memref<!tpu.dma_semaphore, #tpu.memory_space<semaphore_mem>>)
    %dma_start3A_50 = arith.constant 4 : i32
    %dma_start3A_51 = arith.constant 4 : i32
    %dma_start3A_52 = arith.constant 0 : i32
    %dma_start3A_53 = arith.constant 0 : i32
    %dma_start3A_54 = tpu.memref_slice %arg6[%dma_start3A_51, %dma_start3A_52, %dma_start3A_53] : memref<6x125x128xf32, #tpu.memory_space<vmem>> -> memref<1x125x128xf32, #tpu.memory_space<vmem>>
    %dma_start3A_55 = tpu.memref_squeeze %dma_start3A_54 : memref<1x125x128xf32, #tpu.memory_space<vmem>> -> memref<125x128xf32, #tpu.memory_space<vmem>>
    %dma_start3A_56 = arith.constant 0 : i32
    %dma_start3A_57 = tpu.memref_slice %arg5[%dma_start3A_50, %dma_start3A_56] : memref<25x125xi32, #tpu.memory_space<vmem>> -> memref<1x125xi32, #tpu.memory_space<vmem>>
    %dma_start3A_58 = tpu.memref_squeeze %dma_start3A_57 : memref<1x125xi32, #tpu.memory_space<vmem>> -> memref<125xi32, #tpu.memory_space<vmem>>
    %dma_start3A_59 = arith.constant 0 : i32
    %dma_start3A_60 = arith.constant 0 : i32
    %dma_start3A_61 = tpu.memref_slice %arg3[%dma_start3A_59, %dma_start3A_60] : memref<100000x128xf32, #tpu.memory_space<hbm>> -> memref<100000x128xf32, #tpu.memory_space<hbm>>
    tpu.enqueue_indirect_dma source(%dma_start3A_61 : memref<100000x128xf32, #tpu.memory_space<hbm>>) target(%dma_start3A_55 : memref<125x128xf32, #tpu.memory_space<vmem>>) offsets(%dma_start3A_58 : memref<125xi32, #tpu.memory_space<vmem>>) semaphore(%arg11 : memref<!tpu.dma_semaphore, #tpu.memory_space<semaphore_mem>>)
    "tpu.region"() ({
      %run_scoped3A = tpu.sem_alloc : memref<!tpu.dma_semaphore, #tpu.memory_space<semaphore_mem>>
      %dma_start3A_1301 = arith.constant 5 : i32
      %dma_start3A_1302 = arith.constant 0 : i32
      %dma_start3A_1303 = tpu.memref_slice %arg5[%dma_start3A_1301, %dma_start3A_1302] : memref<25x125xi32, #tpu.memory_space<vmem>> -> memref<20x125xi32, #tpu.memory_space<vmem>>
      %dma_start3A_1304 = arith.constant 5 : i32
      %dma_start3A_1305 = arith.constant 0 : i32
      %dma_start3A_1306 = tpu.memref_slice %arg2[%add3A, %dma_start3A_1304, %dma_start3A_1305] : memref<32x25x125xi32, #tpu.memory_space<hbm>> -> memref<1x20x125xi32, #tpu.memory_space<hbm>>
      %dma_start3A_1307 = tpu.memref_squeeze %dma_start3A_1306 : memref<1x20x125xi32, #tpu.memory_space<hbm>> -> memref<20x125xi32, #tpu.memory_space<hbm>>
      %dma_start3A_1308 = arith.constant 5 : i32
      %dma_start3A_1309 = arith.constant 0 : i32
      %dma_start3A_1310 = tpu.memref_slice %arg5[%dma_start3A_1308, %dma_start3A_1309] : memref<25x125xi32, #tpu.memory_space<vmem>> -> memref<20x125xi32, #tpu.memory_space<vmem>>
      %dma_start3A_1311 = arith.constant 5 : i32
      %dma_start3A_1312 = arith.constant 0 : i32
      %dma_start3A_1313 = tpu.memref_slice %arg2[%add3A, %dma_start3A_1311, %dma_start3A_1312] : memref<32x25x125xi32, #tpu.memory_space<hbm>> -> memref<1x20x125xi32, #tpu.memory_space<hbm>>
      %dma_start3A_1314 = tpu.memref_squeeze %dma_start3A_1313 : memref<1x20x125xi32, #tpu.memory_space<hbm>> -> memref<20x125xi32, #tpu.memory_space<hbm>>
      tpu.enqueue_dma source(%dma_start3A_1314 : memref<20x125xi32, #tpu.memory_space<hbm>>) target(%dma_start3A_1310 : memref<20x125xi32, #tpu.memory_space<vmem>>) target_semaphore(%run_scoped3A : memref<!tpu.dma_semaphore, #tpu.memory_space<semaphore_mem>>)
      %dma_wait3A_1315 = arith.constant 5 : i32
      %dma_wait3A_1316 = arith.constant 0 : i32
      %dma_wait3A_1317 = tpu.memref_slice %arg5[%dma_wait3A_1315, %dma_wait3A_1316] : memref<25x125xi32, #tpu.memory_space<vmem>> -> memref<20x125xi32, #tpu.memory_space<vmem>>
      %dma_wait3A_1318 = arith.constant 5 : i32
      %dma_wait3A_1319 = arith.constant 0 : i32
      %dma_wait3A_1320 = tpu.memref_slice %arg2[%add3A, %dma_wait3A_1318, %dma_wait3A_1319] : memref<32x25x125xi32, #tpu.memory_space<hbm>> -> memref<1x20x125xi32, #tpu.memory_space<hbm>>
      %dma_wait3A_1321 = tpu.memref_squeeze %dma_wait3A_1320 : memref<1x20x125xi32, #tpu.memory_space<hbm>> -> memref<20x125xi32, #tpu.memory_space<hbm>>
      %dma_wait3A_1322 = arith.constant 5 : i32
      %dma_wait3A_1323 = arith.constant 0 : i32
      %dma_wait3A_1324 = tpu.memref_slice %arg5[%dma_wait3A_1322, %dma_wait3A_1323] : memref<25x125xi32, #tpu.memory_space<vmem>> -> memref<20x125xi32, #tpu.memory_space<vmem>>
      %dma_wait3A_1325 = arith.constant 5 : i32
      %dma_wait3A_1326 = arith.constant 0 : i32
      %dma_wait3A_1327 = tpu.memref_slice %arg2[%add3A, %dma_wait3A_1325, %dma_wait3A_1326] : memref<32x25x125xi32, #tpu.memory_space<hbm>> -> memref<1x20x125xi32, #tpu.memory_space<hbm>>
      %dma_wait3A_1328 = tpu.memref_squeeze %dma_wait3A_1327 : memref<1x20x125xi32, #tpu.memory_space<hbm>> -> memref<20x125xi32, #tpu.memory_space<hbm>>
      tpu.wait_dma2 semaphore(%run_scoped3A : memref<!tpu.dma_semaphore, #tpu.memory_space<semaphore_mem>>) src(%dma_wait3A_1328 : memref<20x125xi32, #tpu.memory_space<hbm>>) dst(%dma_wait3A_1324 : memref<20x125xi32, #tpu.memory_space<vmem>>)
      tpu.yield
    }) : () -> ()
    %dma_start3A_62 = arith.constant 5 : i32
    %dma_start3A_63 = arith.constant 5 : i32
    %dma_start3A_64 = arith.constant 0 : i32
    %dma_start3A_65 = arith.constant 0 : i32
    %dma_start3A_66 = tpu.memref_slice %arg6[%dma_start3A_63, %dma_start3A_64, %dma_start3A_65] : memref<6x125x128xf32, #tpu.memory_space<vmem>> -> memref<1x125x128xf32, #tpu.memory_space<vmem>>
    %dma_start3A_67 = tpu.memref_squeeze %dma_start3A_66 : memref<1x125x128xf32, #tpu.memory_space<vmem>> -> memref<125x128xf32, #tpu.memory_space<vmem>>
    %dma_start3A_68 = arith.constant 0 : i32
    %dma_start3A_69 = tpu.memref_slice %arg5[%dma_start3A_62, %dma_start3A_68] : memref<25x125xi32, #tpu.memory_space<vmem>> -> memref<1x125xi32, #tpu.memory_space<vmem>>
    %dma_start3A_70 = tpu.memref_squeeze %dma_start3A_69 : memref<1x125xi32, #tpu.memory_space<vmem>> -> memref<125xi32, #tpu.memory_space<vmem>>
    %dma_start3A_71 = arith.constant 0 : i32
    %dma_start3A_72 = arith.constant 0 : i32
    %dma_start3A_73 = tpu.memref_slice %arg3[%dma_start3A_71, %dma_start3A_72] : memref<100000x128xf32, #tpu.memory_space<hbm>> -> memref<100000x128xf32, #tpu.memory_space<hbm>>
    tpu.enqueue_indirect_dma source(%dma_start3A_73 : memref<100000x128xf32, #tpu.memory_space<hbm>>) target(%dma_start3A_67 : memref<125x128xf32, #tpu.memory_space<vmem>>) offsets(%dma_start3A_70 : memref<125xi32, #tpu.memory_space<vmem>>) semaphore(%arg12 : memref<!tpu.dma_semaphore, #tpu.memory_space<semaphore_mem>>)
    %dma_wait3A = arith.constant 0 : i32
    %dma_wait3A_74 = arith.constant 0 : i32
    %dma_wait3A_75 = arith.constant 0 : i32
    %dma_wait3A_76 = arith.constant 0 : i32
    %dma_wait3A_77 = tpu.memref_slice %arg6[%dma_wait3A_74, %dma_wait3A_75, %dma_wait3A_76] : memref<6x125x128xf32, #tpu.memory_space<vmem>> -> memref<1x125x128xf32, #tpu.memory_space<vmem>>
    %dma_wait3A_78 = tpu.memref_squeeze %dma_wait3A_77 : memref<1x125x128xf32, #tpu.memory_space<vmem>> -> memref<125x128xf32, #tpu.memory_space<vmem>>
    %dma_wait3A_79 = arith.constant 0 : i32
    %dma_wait3A_80 = tpu.memref_slice %arg5[%dma_wait3A, %dma_wait3A_79] : memref<25x125xi32, #tpu.memory_space<vmem>> -> memref<1x125xi32, #tpu.memory_space<vmem>>
    %dma_wait3A_81 = tpu.memref_squeeze %dma_wait3A_80 : memref<1x125xi32, #tpu.memory_space<vmem>> -> memref<125xi32, #tpu.memory_space<vmem>>
    %dma_wait3A_82 = arith.constant 0 : i32
    %dma_wait3A_83 = arith.constant 0 : i32
    %dma_wait3A_84 = tpu.memref_slice %arg3[%dma_wait3A_82, %dma_wait3A_83] : memref<100000x128xf32, #tpu.memory_space<hbm>> -> memref<100000x128xf32, #tpu.memory_space<hbm>>
    tpu.wait_indirect_dma semaphore(%arg7 : memref<!tpu.dma_semaphore, #tpu.memory_space<semaphore_mem>>) src(%dma_wait3A_84 : memref<100000x128xf32, #tpu.memory_space<hbm>>) dst(%dma_wait3A_78 : memref<125x128xf32, #tpu.memory_space<vmem>>)
    %add3A_85 = arith.constant 0 : i32
    %add3A_86 = arith.addi %mul3A_2, %add3A_85 : i32
    %dma_start3A_87 = arith.constant 0 : i32
    %dma_start3A_88 = arith.constant 0 : i32
    %dma_start3A_89 = arith.constant 0 : i32
    %dma_start3A_90 = tpu.memref_slice %arg6[%dma_start3A_87, %dma_start3A_88, %dma_start3A_89] : memref<6x125x128xf32, #tpu.memory_space<vmem>> -> memref<1x125x128xf32, #tpu.memory_space<vmem>>
    %dma_start3A_91 = tpu.memref_squeeze %dma_start3A_90 : memref<1x125x128xf32, #tpu.memory_space<vmem>> -> memref<125x128xf32, #tpu.memory_space<vmem>>
    %dma_start3A_92 = arith.constant 0 : i32
    %dma_start3A_93 = tpu.memref_slice %arg4[%add3A_86, %dma_start3A_92] : memref<100000x128xf32, #tpu.memory_space<hbm>> -> memref<125x128xf32, #tpu.memory_space<hbm>>
    %dma_start3A_94 = arith.constant 0 : i32
    %dma_start3A_95 = tpu.memref_slice %arg4[%add3A_86, %dma_start3A_94] : memref<100000x128xf32, #tpu.memory_space<hbm>> -> memref<125x128xf32, #tpu.memory_space<hbm>>
    %dma_start3A_96 = arith.constant 0 : i32
    %dma_start3A_97 = arith.constant 0 : i32
    %dma_start3A_98 = tpu.memref_slice %arg6[%dma_start3A_87, %dma_start3A_96, %dma_start3A_97] : memref<6x125x128xf32, #tpu.memory_space<vmem>> -> memref<1x125x128xf32, #tpu.memory_space<vmem>>
    %dma_start3A_99 = tpu.memref_squeeze %dma_start3A_98 : memref<1x125x128xf32, #tpu.memory_space<vmem>> -> memref<125x128xf32, #tpu.memory_space<vmem>>
    tpu.enqueue_dma source(%dma_start3A_99 : memref<125x128xf32, #tpu.memory_space<vmem>>) target(%dma_start3A_95 : memref<125x128xf32, #tpu.memory_space<hbm>>) target_semaphore(%arg13 : memref<!tpu.dma_semaphore, #tpu.memory_space<semaphore_mem>>)
    %dma_wait3A_100 = arith.constant 0 : i32
    %dma_wait3A_101 = arith.constant 0 : i32
    %dma_wait3A_102 = arith.constant 0 : i32
    %dma_wait3A_103 = tpu.memref_slice %arg6[%dma_wait3A_100, %dma_wait3A_101, %dma_wait3A_102] : memref<6x125x128xf32, #tpu.memory_space<vmem>> -> memref<1x125x128xf32, #tpu.memory_space<vmem>>
    %dma_wait3A_104 = tpu.memref_squeeze %dma_wait3A_103 : memref<1x125x128xf32, #tpu.memory_space<vmem>> -> memref<125x128xf32, #tpu.memory_space<vmem>>
    %dma_wait3A_105 = arith.constant 0 : i32
    %dma_wait3A_106 = tpu.memref_slice %arg4[%add3A_86, %dma_wait3A_105] : memref<100000x128xf32, #tpu.memory_space<hbm>> -> memref<125x128xf32, #tpu.memory_space<hbm>>
    %dma_wait3A_107 = arith.constant 0 : i32
    %dma_wait3A_108 = tpu.memref_slice %arg4[%add3A_86, %dma_wait3A_107] : memref<100000x128xf32, #tpu.memory_space<hbm>> -> memref<125x128xf32, #tpu.memory_space<hbm>>
    %dma_wait3A_109 = arith.constant 0 : i32
    %dma_wait3A_110 = arith.constant 0 : i32
    %dma_wait3A_111 = tpu.memref_slice %arg6[%dma_wait3A_100, %dma_wait3A_109, %dma_wait3A_110] : memref<6x125x128xf32, #tpu.memory_space<vmem>> -> memref<1x125x128xf32, #tpu.memory_space<vmem>>
    %dma_wait3A_112 = tpu.memref_squeeze %dma_wait3A_111 : memref<1x125x128xf32, #tpu.memory_space<vmem>> -> memref<125x128xf32, #tpu.memory_space<vmem>>
    tpu.wait_dma2 semaphore(%arg13 : memref<!tpu.dma_semaphore, #tpu.memory_space<semaphore_mem>>) src(%dma_wait3A_112 : memref<125x128xf32, #tpu.memory_space<vmem>>) dst(%dma_wait3A_108 : memref<125x128xf32, #tpu.memory_space<hbm>>)
    %dma_start3A_113 = arith.constant 6 : i32
    %dma_start3A_114 = arith.constant 0 : i32
    %dma_start3A_115 = arith.constant 0 : i32
    %dma_start3A_116 = arith.constant 0 : i32
    %dma_start3A_117 = tpu.memref_slice %arg6[%dma_start3A_114, %dma_start3A_115, %dma_start3A_116] : memref<6x125x128xf32, #tpu.memory_space<vmem>> -> memref<1x125x128xf32, #tpu.memory_space<vmem>>
    %dma_start3A_118 = tpu.memref_squeeze %dma_start3A_117 : memref<1x125x128xf32, #tpu.memory_space<vmem>> -> memref<125x128xf32, #tpu.memory_space<vmem>>
    %dma_start3A_119 = arith.constant 0 : i32
    %dma_start3A_120 = tpu.memref_slice %arg5[%dma_start3A_113, %dma_start3A_119] : memref<25x125xi32, #tpu.memory_space<vmem>> -> memref<1x125xi32, #tpu.memory_space<vmem>>
    %dma_start3A_121 = tpu.memref_squeeze %dma_start3A_120 : memref<1x125xi32, #tpu.memory_space<vmem>> -> memref<125xi32, #tpu.memory_space<vmem>>
    %dma_start3A_122 = arith.constant 0 : i32
    %dma_start3A_123 = arith.constant 0 : i32
    %dma_start3A_124 = tpu.memref_slice %arg3[%dma_start3A_122, %dma_start3A_123] : memref<100000x128xf32, #tpu.memory_space<hbm>> -> memref<100000x128xf32, #tpu.memory_space<hbm>>
    tpu.enqueue_indirect_dma source(%dma_start3A_124 : memref<100000x128xf32, #tpu.memory_space<hbm>>) target(%dma_start3A_118 : memref<125x128xf32, #tpu.memory_space<vmem>>) offsets(%dma_start3A_121 : memref<125xi32, #tpu.memory_space<vmem>>) semaphore(%arg7 : memref<!tpu.dma_semaphore, #tpu.memory_space<semaphore_mem>>)
    %dma_wait3A_125 = arith.constant 1 : i32
    %dma_wait3A_126 = arith.constant 1 : i32
    %dma_wait3A_127 = arith.constant 0 : i32
    %dma_wait3A_128 = arith.constant 0 : i32
    %dma_wait3A_129 = tpu.memref_slice %arg6[%dma_wait3A_126, %dma_wait3A_127, %dma_wait3A_128] : memref<6x125x128xf32, #tpu.memory_space<vmem>> -> memref<1x125x128xf32, #tpu.memory_space<vmem>>
    %dma_wait3A_130 = tpu.memref_squeeze %dma_wait3A_129 : memref<1x125x128xf32, #tpu.memory_space<vmem>> -> memref<125x128xf32, #tpu.memory_space<vmem>>
    %dma_wait3A_131 = arith.constant 0 : i32
    %dma_wait3A_132 = tpu.memref_slice %arg5[%dma_wait3A_125, %dma_wait3A_131] : memref<25x125xi32, #tpu.memory_space<vmem>> -> memref<1x125xi32, #tpu.memory_space<vmem>>
    %dma_wait3A_133 = tpu.memref_squeeze %dma_wait3A_132 : memref<1x125xi32, #tpu.memory_space<vmem>> -> memref<125xi32, #tpu.memory_space<vmem>>
    %dma_wait3A_134 = arith.constant 0 : i32
    %dma_wait3A_135 = arith.constant 0 : i32
    %dma_wait3A_136 = tpu.memref_slice %arg3[%dma_wait3A_134, %dma_wait3A_135] : memref<100000x128xf32, #tpu.memory_space<hbm>> -> memref<100000x128xf32, #tpu.memory_space<hbm>>
    tpu.wait_indirect_dma semaphore(%arg8 : memref<!tpu.dma_semaphore, #tpu.memory_space<semaphore_mem>>) src(%dma_wait3A_136 : memref<100000x128xf32, #tpu.memory_space<hbm>>) dst(%dma_wait3A_130 : memref<125x128xf32, #tpu.memory_space<vmem>>)
    %add3A_137 = arith.constant 125 : i32
    %add3A_138 = arith.addi %mul3A_2, %add3A_137 : i32
    %dma_start3A_139 = arith.constant 1 : i32
    %dma_start3A_140 = arith.constant 0 : i32
    %dma_start3A_141 = arith.constant 0 : i32
    %dma_start3A_142 = tpu.memref_slice %arg6[%dma_start3A_139, %dma_start3A_140, %dma_start3A_141] : memref<6x125x128xf32, #tpu.memory_space<vmem>> -> memref<1x125x128xf32, #tpu.memory_space<vmem>>
    %dma_start3A_143 = tpu.memref_squeeze %dma_start3A_142 : memref<1x125x128xf32, #tpu.memory_space<vmem>> -> memref<125x128xf32, #tpu.memory_space<vmem>>
    %dma_start3A_144 = arith.constant 0 : i32
    %dma_start3A_145 = tpu.memref_slice %arg4[%add3A_138, %dma_start3A_144] : memref<100000x128xf32, #tpu.memory_space<hbm>> -> memref<125x128xf32, #tpu.memory_space<hbm>>
    %dma_start3A_146 = arith.constant 0 : i32
    %dma_start3A_147 = tpu.memref_slice %arg4[%add3A_138, %dma_start3A_146] : memref<100000x128xf32, #tpu.memory_space<hbm>> -> memref<125x128xf32, #tpu.memory_space<hbm>>
    %dma_start3A_148 = arith.constant 0 : i32
    %dma_start3A_149 = arith.constant 0 : i32
    %dma_start3A_150 = tpu.memref_slice %arg6[%dma_start3A_139, %dma_start3A_148, %dma_start3A_149] : memref<6x125x128xf32, #tpu.memory_space<vmem>> -> memref<1x125x128xf32, #tpu.memory_space<vmem>>
    %dma_start3A_151 = tpu.memref_squeeze %dma_start3A_150 : memref<1x125x128xf32, #tpu.memory_space<vmem>> -> memref<125x128xf32, #tpu.memory_space<vmem>>
    tpu.enqueue_dma source(%dma_start3A_151 : memref<125x128xf32, #tpu.memory_space<vmem>>) target(%dma_start3A_147 : memref<125x128xf32, #tpu.memory_space<hbm>>) target_semaphore(%arg14 : memref<!tpu.dma_semaphore, #tpu.memory_space<semaphore_mem>>)
    %dma_wait3A_152 = arith.constant 1 : i32
    %dma_wait3A_153 = arith.constant 0 : i32
    %dma_wait3A_154 = arith.constant 0 : i32
    %dma_wait3A_155 = tpu.memref_slice %arg6[%dma_wait3A_152, %dma_wait3A_153, %dma_wait3A_154] : memref<6x125x128xf32, #tpu.memory_space<vmem>> -> memref<1x125x128xf32, #tpu.memory_space<vmem>>
    %dma_wait3A_156 = tpu.memref_squeeze %dma_wait3A_155 : memref<1x125x128xf32, #tpu.memory_space<vmem>> -> memref<125x128xf32, #tpu.memory_space<vmem>>
    %dma_wait3A_157 = arith.constant 0 : i32
    %dma_wait3A_158 = tpu.memref_slice %arg4[%add3A_138, %dma_wait3A_157] : memref<100000x128xf32, #tpu.memory_space<hbm>> -> memref<125x128xf32, #tpu.memory_space<hbm>>
    %dma_wait3A_159 = arith.constant 0 : i32
    %dma_wait3A_160 = tpu.memref_slice %arg4[%add3A_138, %dma_wait3A_159] : memref<100000x128xf32, #tpu.memory_space<hbm>> -> memref<125x128xf32, #tpu.memory_space<hbm>>
    %dma_wait3A_161 = arith.constant 0 : i32
    %dma_wait3A_162 = arith.constant 0 : i32
    %dma_wait3A_163 = tpu.memref_slice %arg6[%dma_wait3A_152, %dma_wait3A_161, %dma_wait3A_162] : memref<6x125x128xf32, #tpu.memory_space<vmem>> -> memref<1x125x128xf32, #tpu.memory_space<vmem>>
    %dma_wait3A_164 = tpu.memref_squeeze %dma_wait3A_163 : memref<1x125x128xf32, #tpu.memory_space<vmem>> -> memref<125x128xf32, #tpu.memory_space<vmem>>
    tpu.wait_dma2 semaphore(%arg14 : memref<!tpu.dma_semaphore, #tpu.memory_space<semaphore_mem>>) src(%dma_wait3A_164 : memref<125x128xf32, #tpu.memory_space<vmem>>) dst(%dma_wait3A_160 : memref<125x128xf32, #tpu.memory_space<hbm>>)
    %dma_start3A_165 = arith.constant 7 : i32
    %dma_start3A_166 = arith.constant 1 : i32
    %dma_start3A_167 = arith.constant 0 : i32
    %dma_start3A_168 = arith.constant 0 : i32
    %dma_start3A_169 = tpu.memref_slice %arg6[%dma_start3A_166, %dma_start3A_167, %dma_start3A_168] : memref<6x125x128xf32, #tpu.memory_space<vmem>> -> memref<1x125x128xf32, #tpu.memory_space<vmem>>
    %dma_start3A_170 = tpu.memref_squeeze %dma_start3A_169 : memref<1x125x128xf32, #tpu.memory_space<vmem>> -> memref<125x128xf32, #tpu.memory_space<vmem>>
    %dma_start3A_171 = arith.constant 0 : i32
    %dma_start3A_172 = tpu.memref_slice %arg5[%dma_start3A_165, %dma_start3A_171] : memref<25x125xi32, #tpu.memory_space<vmem>> -> memref<1x125xi32, #tpu.memory_space<vmem>>
    %dma_start3A_173 = tpu.memref_squeeze %dma_start3A_172 : memref<1x125xi32, #tpu.memory_space<vmem>> -> memref<125xi32, #tpu.memory_space<vmem>>
    %dma_start3A_174 = arith.constant 0 : i32
    %dma_start3A_175 = arith.constant 0 : i32
    %dma_start3A_176 = tpu.memref_slice %arg3[%dma_start3A_174, %dma_start3A_175] : memref<100000x128xf32, #tpu.memory_space<hbm>> -> memref<100000x128xf32, #tpu.memory_space<hbm>>
    tpu.enqueue_indirect_dma source(%dma_start3A_176 : memref<100000x128xf32, #tpu.memory_space<hbm>>) target(%dma_start3A_170 : memref<125x128xf32, #tpu.memory_space<vmem>>) offsets(%dma_start3A_173 : memref<125xi32, #tpu.memory_space<vmem>>) semaphore(%arg8 : memref<!tpu.dma_semaphore, #tpu.memory_space<semaphore_mem>>)
    %dma_wait3A_177 = arith.constant 2 : i32
    %dma_wait3A_178 = arith.constant 2 : i32
    %dma_wait3A_179 = arith.constant 0 : i32
    %dma_wait3A_180 = arith.constant 0 : i32
    %dma_wait3A_181 = tpu.memref_slice %arg6[%dma_wait3A_178, %dma_wait3A_179, %dma_wait3A_180] : memref<6x125x128xf32, #tpu.memory_space<vmem>> -> memref<1x125x128xf32, #tpu.memory_space<vmem>>
    %dma_wait3A_182 = tpu.memref_squeeze %dma_wait3A_181 : memref<1x125x128xf32, #tpu.memory_space<vmem>> -> memref<125x128xf32, #tpu.memory_space<vmem>>
    %dma_wait3A_183 = arith.constant 0 : i32
    %dma_wait3A_184 = tpu.memref_slice %arg5[%dma_wait3A_177, %dma_wait3A_183] : memref<25x125xi32, #tpu.memory_space<vmem>> -> memref<1x125xi32, #tpu.memory_space<vmem>>
    %dma_wait3A_185 = tpu.memref_squeeze %dma_wait3A_184 : memref<1x125xi32, #tpu.memory_space<vmem>> -> memref<125xi32, #tpu.memory_space<vmem>>
    %dma_wait3A_186 = arith.constant 0 : i32
    %dma_wait3A_187 = arith.constant 0 : i32
    %dma_wait3A_188 = tpu.memref_slice %arg3[%dma_wait3A_186, %dma_wait3A_187] : memref<100000x128xf32, #tpu.memory_space<hbm>> -> memref<100000x128xf32, #tpu.memory_space<hbm>>
    tpu.wait_indirect_dma semaphore(%arg9 : memref<!tpu.dma_semaphore, #tpu.memory_space<semaphore_mem>>) src(%dma_wait3A_188 : memref<100000x128xf32, #tpu.memory_space<hbm>>) dst(%dma_wait3A_182 : memref<125x128xf32, #tpu.memory_space<vmem>>)
    %add3A_189 = arith.constant 250 : i32
    %add3A_190 = arith.addi %mul3A_2, %add3A_189 : i32
    %dma_start3A_191 = arith.constant 2 : i32
    %dma_start3A_192 = arith.constant 0 : i32
    %dma_start3A_193 = arith.constant 0 : i32
    %dma_start3A_194 = tpu.memref_slice %arg6[%dma_start3A_191, %dma_start3A_192, %dma_start3A_193] : memref<6x125x128xf32, #tpu.memory_space<vmem>> -> memref<1x125x128xf32, #tpu.memory_space<vmem>>
    %dma_start3A_195 = tpu.memref_squeeze %dma_start3A_194 : memref<1x125x128xf32, #tpu.memory_space<vmem>> -> memref<125x128xf32, #tpu.memory_space<vmem>>
    %dma_start3A_196 = arith.constant 0 : i32
    %dma_start3A_197 = tpu.memref_slice %arg4[%add3A_190, %dma_start3A_196] : memref<100000x128xf32, #tpu.memory_space<hbm>> -> memref<125x128xf32, #tpu.memory_space<hbm>>
    %dma_start3A_198 = arith.constant 0 : i32
    %dma_start3A_199 = tpu.memref_slice %arg4[%add3A_190, %dma_start3A_198] : memref<100000x128xf32, #tpu.memory_space<hbm>> -> memref<125x128xf32, #tpu.memory_space<hbm>>
    %dma_start3A_200 = arith.constant 0 : i32
    %dma_start3A_201 = arith.constant 0 : i32
    %dma_start3A_202 = tpu.memref_slice %arg6[%dma_start3A_191, %dma_start3A_200, %dma_start3A_201] : memref<6x125x128xf32, #tpu.memory_space<vmem>> -> memref<1x125x128xf32, #tpu.memory_space<vmem>>
    %dma_start3A_203 = tpu.memref_squeeze %dma_start3A_202 : memref<1x125x128xf32, #tpu.memory_space<vmem>> -> memref<125x128xf32, #tpu.memory_space<vmem>>
    tpu.enqueue_dma source(%dma_start3A_203 : memref<125x128xf32, #tpu.memory_space<vmem>>) target(%dma_start3A_199 : memref<125x128xf32, #tpu.memory_space<hbm>>) target_semaphore(%arg15 : memref<!tpu.dma_semaphore, #tpu.memory_space<semaphore_mem>>)
    %dma_wait3A_204 = arith.constant 2 : i32
    %dma_wait3A_205 = arith.constant 0 : i32
    %dma_wait3A_206 = arith.constant 0 : i32
    %dma_wait3A_207 = tpu.memref_slice %arg6[%dma_wait3A_204, %dma_wait3A_205, %dma_wait3A_206] : memref<6x125x128xf32, #tpu.memory_space<vmem>> -> memref<1x125x128xf32, #tpu.memory_space<vmem>>
    %dma_wait3A_208 = tpu.memref_squeeze %dma_wait3A_207 : memref<1x125x128xf32, #tpu.memory_space<vmem>> -> memref<125x128xf32, #tpu.memory_space<vmem>>
    %dma_wait3A_209 = arith.constant 0 : i32
    %dma_wait3A_210 = tpu.memref_slice %arg4[%add3A_190, %dma_wait3A_209] : memref<100000x128xf32, #tpu.memory_space<hbm>> -> memref<125x128xf32, #tpu.memory_space<hbm>>
    %dma_wait3A_211 = arith.constant 0 : i32
    %dma_wait3A_212 = tpu.memref_slice %arg4[%add3A_190, %dma_wait3A_211] : memref<100000x128xf32, #tpu.memory_space<hbm>> -> memref<125x128xf32, #tpu.memory_space<hbm>>
    %dma_wait3A_213 = arith.constant 0 : i32
    %dma_wait3A_214 = arith.constant 0 : i32
    %dma_wait3A_215 = tpu.memref_slice %arg6[%dma_wait3A_204, %dma_wait3A_213, %dma_wait3A_214] : memref<6x125x128xf32, #tpu.memory_space<vmem>> -> memref<1x125x128xf32, #tpu.memory_space<vmem>>
    %dma_wait3A_216 = tpu.memref_squeeze %dma_wait3A_215 : memref<1x125x128xf32, #tpu.memory_space<vmem>> -> memref<125x128xf32, #tpu.memory_space<vmem>>
    tpu.wait_dma2 semaphore(%arg15 : memref<!tpu.dma_semaphore, #tpu.memory_space<semaphore_mem>>) src(%dma_wait3A_216 : memref<125x128xf32, #tpu.memory_space<vmem>>) dst(%dma_wait3A_212 : memref<125x128xf32, #tpu.memory_space<hbm>>)
    %dma_start3A_217 = arith.constant 8 : i32
    %dma_start3A_218 = arith.constant 2 : i32
    %dma_start3A_219 = arith.constant 0 : i32
    %dma_start3A_220 = arith.constant 0 : i32
    %dma_start3A_221 = tpu.memref_slice %arg6[%dma_start3A_218, %dma_start3A_219, %dma_start3A_220] : memref<6x125x128xf32, #tpu.memory_space<vmem>> -> memref<1x125x128xf32, #tpu.memory_space<vmem>>
    %dma_start3A_222 = tpu.memref_squeeze %dma_start3A_221 : memref<1x125x128xf32, #tpu.memory_space<vmem>> -> memref<125x128xf32, #tpu.memory_space<vmem>>
    %dma_start3A_223 = arith.constant 0 : i32
    %dma_start3A_224 = tpu.memref_slice %arg5[%dma_start3A_217, %dma_start3A_223] : memref<25x125xi32, #tpu.memory_space<vmem>> -> memref<1x125xi32, #tpu.memory_space<vmem>>
    %dma_start3A_225 = tpu.memref_squeeze %dma_start3A_224 : memref<1x125xi32, #tpu.memory_space<vmem>> -> memref<125xi32, #tpu.memory_space<vmem>>
    %dma_start3A_226 = arith.constant 0 : i32
    %dma_start3A_227 = arith.constant 0 : i32
    %dma_start3A_228 = tpu.memref_slice %arg3[%dma_start3A_226, %dma_start3A_227] : memref<100000x128xf32, #tpu.memory_space<hbm>> -> memref<100000x128xf32, #tpu.memory_space<hbm>>
    tpu.enqueue_indirect_dma source(%dma_start3A_228 : memref<100000x128xf32, #tpu.memory_space<hbm>>) target(%dma_start3A_222 : memref<125x128xf32, #tpu.memory_space<vmem>>) offsets(%dma_start3A_225 : memref<125xi32, #tpu.memory_space<vmem>>) semaphore(%arg9 : memref<!tpu.dma_semaphore, #tpu.memory_space<semaphore_mem>>)
    %dma_wait3A_229 = arith.constant 3 : i32
    %dma_wait3A_230 = arith.constant 3 : i32
    %dma_wait3A_231 = arith.constant 0 : i32
    %dma_wait3A_232 = arith.constant 0 : i32
    %dma_wait3A_233 = tpu.memref_slice %arg6[%dma_wait3A_230, %dma_wait3A_231, %dma_wait3A_232] : memref<6x125x128xf32, #tpu.memory_space<vmem>> -> memref<1x125x128xf32, #tpu.memory_space<vmem>>
    %dma_wait3A_234 = tpu.memref_squeeze %dma_wait3A_233 : memref<1x125x128xf32, #tpu.memory_space<vmem>> -> memref<125x128xf32, #tpu.memory_space<vmem>>
    %dma_wait3A_235 = arith.constant 0 : i32
    %dma_wait3A_236 = tpu.memref_slice %arg5[%dma_wait3A_229, %dma_wait3A_235] : memref<25x125xi32, #tpu.memory_space<vmem>> -> memref<1x125xi32, #tpu.memory_space<vmem>>
    %dma_wait3A_237 = tpu.memref_squeeze %dma_wait3A_236 : memref<1x125xi32, #tpu.memory_space<vmem>> -> memref<125xi32, #tpu.memory_space<vmem>>
    %dma_wait3A_238 = arith.constant 0 : i32
    %dma_wait3A_239 = arith.constant 0 : i32
    %dma_wait3A_240 = tpu.memref_slice %arg3[%dma_wait3A_238, %dma_wait3A_239] : memref<100000x128xf32, #tpu.memory_space<hbm>> -> memref<100000x128xf32, #tpu.memory_space<hbm>>
    tpu.wait_indirect_dma semaphore(%arg10 : memref<!tpu.dma_semaphore, #tpu.memory_space<semaphore_mem>>) src(%dma_wait3A_240 : memref<100000x128xf32, #tpu.memory_space<hbm>>) dst(%dma_wait3A_234 : memref<125x128xf32, #tpu.memory_space<vmem>>)
    %add3A_241 = arith.constant 375 : i32
    %add3A_242 = arith.addi %mul3A_2, %add3A_241 : i32
    %dma_start3A_243 = arith.constant 3 : i32
    %dma_start3A_244 = arith.constant 0 : i32
    %dma_start3A_245 = arith.constant 0 : i32
    %dma_start3A_246 = tpu.memref_slice %arg6[%dma_start3A_243, %dma_start3A_244, %dma_start3A_245] : memref<6x125x128xf32, #tpu.memory_space<vmem>> -> memref<1x125x128xf32, #tpu.memory_space<vmem>>
    %dma_start3A_247 = tpu.memref_squeeze %dma_start3A_246 : memref<1x125x128xf32, #tpu.memory_space<vmem>> -> memref<125x128xf32, #tpu.memory_space<vmem>>
    %dma_start3A_248 = arith.constant 0 : i32
    %dma_start3A_249 = tpu.memref_slice %arg4[%add3A_242, %dma_start3A_248] : memref<100000x128xf32, #tpu.memory_space<hbm>> -> memref<125x128xf32, #tpu.memory_space<hbm>>
    %dma_start3A_250 = arith.constant 0 : i32
    %dma_start3A_251 = tpu.memref_slice %arg4[%add3A_242, %dma_start3A_250] : memref<100000x128xf32, #tpu.memory_space<hbm>> -> memref<125x128xf32, #tpu.memory_space<hbm>>
    %dma_start3A_252 = arith.constant 0 : i32
    %dma_start3A_253 = arith.constant 0 : i32
    %dma_start3A_254 = tpu.memref_slice %arg6[%dma_start3A_243, %dma_start3A_252, %dma_start3A_253] : memref<6x125x128xf32, #tpu.memory_space<vmem>> -> memref<1x125x128xf32, #tpu.memory_space<vmem>>
    %dma_start3A_255 = tpu.memref_squeeze %dma_start3A_254 : memref<1x125x128xf32, #tpu.memory_space<vmem>> -> memref<125x128xf32, #tpu.memory_space<vmem>>
    tpu.enqueue_dma source(%dma_start3A_255 : memref<125x128xf32, #tpu.memory_space<vmem>>) target(%dma_start3A_251 : memref<125x128xf32, #tpu.memory_space<hbm>>) target_semaphore(%arg16 : memref<!tpu.dma_semaphore, #tpu.memory_space<semaphore_mem>>)
    %dma_wait3A_256 = arith.constant 3 : i32
    %dma_wait3A_257 = arith.constant 0 : i32
    %dma_wait3A_258 = arith.constant 0 : i32
    %dma_wait3A_259 = tpu.memref_slice %arg6[%dma_wait3A_256, %dma_wait3A_257, %dma_wait3A_258] : memref<6x125x128xf32, #tpu.memory_space<vmem>> -> memref<1x125x128xf32, #tpu.memory_space<vmem>>
    %dma_wait3A_260 = tpu.memref_squeeze %dma_wait3A_259 : memref<1x125x128xf32, #tpu.memory_space<vmem>> -> memref<125x128xf32, #tpu.memory_space<vmem>>
    %dma_wait3A_261 = arith.constant 0 : i32
    %dma_wait3A_262 = tpu.memref_slice %arg4[%add3A_242, %dma_wait3A_261] : memref<100000x128xf32, #tpu.memory_space<hbm>> -> memref<125x128xf32, #tpu.memory_space<hbm>>
    %dma_wait3A_263 = arith.constant 0 : i32
    %dma_wait3A_264 = tpu.memref_slice %arg4[%add3A_242, %dma_wait3A_263] : memref<100000x128xf32, #tpu.memory_space<hbm>> -> memref<125x128xf32, #tpu.memory_space<hbm>>
    %dma_wait3A_265 = arith.constant 0 : i32
    %dma_wait3A_266 = arith.constant 0 : i32
    %dma_wait3A_267 = tpu.memref_slice %arg6[%dma_wait3A_256, %dma_wait3A_265, %dma_wait3A_266] : memref<6x125x128xf32, #tpu.memory_space<vmem>> -> memref<1x125x128xf32, #tpu.memory_space<vmem>>
    %dma_wait3A_268 = tpu.memref_squeeze %dma_wait3A_267 : memref<1x125x128xf32, #tpu.memory_space<vmem>> -> memref<125x128xf32, #tpu.memory_space<vmem>>
    tpu.wait_dma2 semaphore(%arg16 : memref<!tpu.dma_semaphore, #tpu.memory_space<semaphore_mem>>) src(%dma_wait3A_268 : memref<125x128xf32, #tpu.memory_space<vmem>>) dst(%dma_wait3A_264 : memref<125x128xf32, #tpu.memory_space<hbm>>)
    %dma_start3A_269 = arith.constant 9 : i32
    %dma_start3A_270 = arith.constant 3 : i32
    %dma_start3A_271 = arith.constant 0 : i32
    %dma_start3A_272 = arith.constant 0 : i32
    %dma_start3A_273 = tpu.memref_slice %arg6[%dma_start3A_270, %dma_start3A_271, %dma_start3A_272] : memref<6x125x128xf32, #tpu.memory_space<vmem>> -> memref<1x125x128xf32, #tpu.memory_space<vmem>>
    %dma_start3A_274 = tpu.memref_squeeze %dma_start3A_273 : memref<1x125x128xf32, #tpu.memory_space<vmem>> -> memref<125x128xf32, #tpu.memory_space<vmem>>
    %dma_start3A_275 = arith.constant 0 : i32
    %dma_start3A_276 = tpu.memref_slice %arg5[%dma_start3A_269, %dma_start3A_275] : memref<25x125xi32, #tpu.memory_space<vmem>> -> memref<1x125xi32, #tpu.memory_space<vmem>>
    %dma_start3A_277 = tpu.memref_squeeze %dma_start3A_276 : memref<1x125xi32, #tpu.memory_space<vmem>> -> memref<125xi32, #tpu.memory_space<vmem>>
    %dma_start3A_278 = arith.constant 0 : i32
    %dma_start3A_279 = arith.constant 0 : i32
    %dma_start3A_280 = tpu.memref_slice %arg3[%dma_start3A_278, %dma_start3A_279] : memref<100000x128xf32, #tpu.memory_space<hbm>> -> memref<100000x128xf32, #tpu.memory_space<hbm>>
    tpu.enqueue_indirect_dma source(%dma_start3A_280 : memref<100000x128xf32, #tpu.memory_space<hbm>>) target(%dma_start3A_274 : memref<125x128xf32, #tpu.memory_space<vmem>>) offsets(%dma_start3A_277 : memref<125xi32, #tpu.memory_space<vmem>>) semaphore(%arg10 : memref<!tpu.dma_semaphore, #tpu.memory_space<semaphore_mem>>)
    %dma_wait3A_281 = arith.constant 4 : i32
    %dma_wait3A_282 = arith.constant 4 : i32
    %dma_wait3A_283 = arith.constant 0 : i32
    %dma_wait3A_284 = arith.constant 0 : i32
    %dma_wait3A_285 = tpu.memref_slice %arg6[%dma_wait3A_282, %dma_wait3A_283, %dma_wait3A_284] : memref<6x125x128xf32, #tpu.memory_space<vmem>> -> memref<1x125x128xf32, #tpu.memory_space<vmem>>
    %dma_wait3A_286 = tpu.memref_squeeze %dma_wait3A_285 : memref<1x125x128xf32, #tpu.memory_space<vmem>> -> memref<125x128xf32, #tpu.memory_space<vmem>>
    %dma_wait3A_287 = arith.constant 0 : i32
    %dma_wait3A_288 = tpu.memref_slice %arg5[%dma_wait3A_281, %dma_wait3A_287] : memref<25x125xi32, #tpu.memory_space<vmem>> -> memref<1x125xi32, #tpu.memory_space<vmem>>
    %dma_wait3A_289 = tpu.memref_squeeze %dma_wait3A_288 : memref<1x125xi32, #tpu.memory_space<vmem>> -> memref<125xi32, #tpu.memory_space<vmem>>
    %dma_wait3A_290 = arith.constant 0 : i32
    %dma_wait3A_291 = arith.constant 0 : i32
    %dma_wait3A_292 = tpu.memref_slice %arg3[%dma_wait3A_290, %dma_wait3A_291] : memref<100000x128xf32, #tpu.memory_space<hbm>> -> memref<100000x128xf32, #tpu.memory_space<hbm>>
    tpu.wait_indirect_dma semaphore(%arg11 : memref<!tpu.dma_semaphore, #tpu.memory_space<semaphore_mem>>) src(%dma_wait3A_292 : memref<100000x128xf32, #tpu.memory_space<hbm>>) dst(%dma_wait3A_286 : memref<125x128xf32, #tpu.memory_space<vmem>>)
    %add3A_293 = arith.constant 500 : i32
    %add3A_294 = arith.addi %mul3A_2, %add3A_293 : i32
    %dma_start3A_295 = arith.constant 4 : i32
    %dma_start3A_296 = arith.constant 0 : i32
    %dma_start3A_297 = arith.constant 0 : i32
    %dma_start3A_298 = tpu.memref_slice %arg6[%dma_start3A_295, %dma_start3A_296, %dma_start3A_297] : memref<6x125x128xf32, #tpu.memory_space<vmem>> -> memref<1x125x128xf32, #tpu.memory_space<vmem>>
    %dma_start3A_299 = tpu.memref_squeeze %dma_start3A_298 : memref<1x125x128xf32, #tpu.memory_space<vmem>> -> memref<125x128xf32, #tpu.memory_space<vmem>>
    %dma_start3A_300 = arith.constant 0 : i32
    %dma_start3A_301 = tpu.memref_slice %arg4[%add3A_294, %dma_start3A_300] : memref<100000x128xf32, #tpu.memory_space<hbm>> -> memref<125x128xf32, #tpu.memory_space<hbm>>
    %dma_start3A_302 = arith.constant 0 : i32
    %dma_start3A_303 = tpu.memref_slice %arg4[%add3A_294, %dma_start3A_302] : memref<100000x128xf32, #tpu.memory_space<hbm>> -> memref<125x128xf32, #tpu.memory_space<hbm>>
    %dma_start3A_304 = arith.constant 0 : i32
    %dma_start3A_305 = arith.constant 0 : i32
    %dma_start3A_306 = tpu.memref_slice %arg6[%dma_start3A_295, %dma_start3A_304, %dma_start3A_305] : memref<6x125x128xf32, #tpu.memory_space<vmem>> -> memref<1x125x128xf32, #tpu.memory_space<vmem>>
    %dma_start3A_307 = tpu.memref_squeeze %dma_start3A_306 : memref<1x125x128xf32, #tpu.memory_space<vmem>> -> memref<125x128xf32, #tpu.memory_space<vmem>>
    tpu.enqueue_dma source(%dma_start3A_307 : memref<125x128xf32, #tpu.memory_space<vmem>>) target(%dma_start3A_303 : memref<125x128xf32, #tpu.memory_space<hbm>>) target_semaphore(%arg17 : memref<!tpu.dma_semaphore, #tpu.memory_space<semaphore_mem>>)
    %dma_wait3A_308 = arith.constant 4 : i32
    %dma_wait3A_309 = arith.constant 0 : i32
    %dma_wait3A_310 = arith.constant 0 : i32
    %dma_wait3A_311 = tpu.memref_slice %arg6[%dma_wait3A_308, %dma_wait3A_309, %dma_wait3A_310] : memref<6x125x128xf32, #tpu.memory_space<vmem>> -> memref<1x125x128xf32, #tpu.memory_space<vmem>>
    %dma_wait3A_312 = tpu.memref_squeeze %dma_wait3A_311 : memref<1x125x128xf32, #tpu.memory_space<vmem>> -> memref<125x128xf32, #tpu.memory_space<vmem>>
    %dma_wait3A_313 = arith.constant 0 : i32
    %dma_wait3A_314 = tpu.memref_slice %arg4[%add3A_294, %dma_wait3A_313] : memref<100000x128xf32, #tpu.memory_space<hbm>> -> memref<125x128xf32, #tpu.memory_space<hbm>>
    %dma_wait3A_315 = arith.constant 0 : i32
    %dma_wait3A_316 = tpu.memref_slice %arg4[%add3A_294, %dma_wait3A_315] : memref<100000x128xf32, #tpu.memory_space<hbm>> -> memref<125x128xf32, #tpu.memory_space<hbm>>
    %dma_wait3A_317 = arith.constant 0 : i32
    %dma_wait3A_318 = arith.constant 0 : i32
    %dma_wait3A_319 = tpu.memref_slice %arg6[%dma_wait3A_308, %dma_wait3A_317, %dma_wait3A_318] : memref<6x125x128xf32, #tpu.memory_space<vmem>> -> memref<1x125x128xf32, #tpu.memory_space<vmem>>
    %dma_wait3A_320 = tpu.memref_squeeze %dma_wait3A_319 : memref<1x125x128xf32, #tpu.memory_space<vmem>> -> memref<125x128xf32, #tpu.memory_space<vmem>>
    tpu.wait_dma2 semaphore(%arg17 : memref<!tpu.dma_semaphore, #tpu.memory_space<semaphore_mem>>) src(%dma_wait3A_320 : memref<125x128xf32, #tpu.memory_space<vmem>>) dst(%dma_wait3A_316 : memref<125x128xf32, #tpu.memory_space<hbm>>)
    %dma_start3A_321 = arith.constant 10 : i32
    %dma_start3A_322 = arith.constant 4 : i32
    %dma_start3A_323 = arith.constant 0 : i32
    %dma_start3A_324 = arith.constant 0 : i32
    %dma_start3A_325 = tpu.memref_slice %arg6[%dma_start3A_322, %dma_start3A_323, %dma_start3A_324] : memref<6x125x128xf32, #tpu.memory_space<vmem>> -> memref<1x125x128xf32, #tpu.memory_space<vmem>>
    %dma_start3A_326 = tpu.memref_squeeze %dma_start3A_325 : memref<1x125x128xf32, #tpu.memory_space<vmem>> -> memref<125x128xf32, #tpu.memory_space<vmem>>
    %dma_start3A_327 = arith.constant 0 : i32
    %dma_start3A_328 = tpu.memref_slice %arg5[%dma_start3A_321, %dma_start3A_327] : memref<25x125xi32, #tpu.memory_space<vmem>> -> memref<1x125xi32, #tpu.memory_space<vmem>>
    %dma_start3A_329 = tpu.memref_squeeze %dma_start3A_328 : memref<1x125xi32, #tpu.memory_space<vmem>> -> memref<125xi32, #tpu.memory_space<vmem>>
    %dma_start3A_330 = arith.constant 0 : i32
    %dma_start3A_331 = arith.constant 0 : i32
    %dma_start3A_332 = tpu.memref_slice %arg3[%dma_start3A_330, %dma_start3A_331] : memref<100000x128xf32, #tpu.memory_space<hbm>> -> memref<100000x128xf32, #tpu.memory_space<hbm>>
    tpu.enqueue_indirect_dma source(%dma_start3A_332 : memref<100000x128xf32, #tpu.memory_space<hbm>>) target(%dma_start3A_326 : memref<125x128xf32, #tpu.memory_space<vmem>>) offsets(%dma_start3A_329 : memref<125xi32, #tpu.memory_space<vmem>>) semaphore(%arg11 : memref<!tpu.dma_semaphore, #tpu.memory_space<semaphore_mem>>)
    %dma_wait3A_333 = arith.constant 5 : i32
    %dma_wait3A_334 = arith.constant 5 : i32
    %dma_wait3A_335 = arith.constant 0 : i32
    %dma_wait3A_336 = arith.constant 0 : i32
    %dma_wait3A_337 = tpu.memref_slice %arg6[%dma_wait3A_334, %dma_wait3A_335, %dma_wait3A_336] : memref<6x125x128xf32, #tpu.memory_space<vmem>> -> memref<1x125x128xf32, #tpu.memory_space<vmem>>
    %dma_wait3A_338 = tpu.memref_squeeze %dma_wait3A_337 : memref<1x125x128xf32, #tpu.memory_space<vmem>> -> memref<125x128xf32, #tpu.memory_space<vmem>>
    %dma_wait3A_339 = arith.constant 0 : i32
    %dma_wait3A_340 = tpu.memref_slice %arg5[%dma_wait3A_333, %dma_wait3A_339] : memref<25x125xi32, #tpu.memory_space<vmem>> -> memref<1x125xi32, #tpu.memory_space<vmem>>
    %dma_wait3A_341 = tpu.memref_squeeze %dma_wait3A_340 : memref<1x125xi32, #tpu.memory_space<vmem>> -> memref<125xi32, #tpu.memory_space<vmem>>
    %dma_wait3A_342 = arith.constant 0 : i32
    %dma_wait3A_343 = arith.constant 0 : i32
    %dma_wait3A_344 = tpu.memref_slice %arg3[%dma_wait3A_342, %dma_wait3A_343] : memref<100000x128xf32, #tpu.memory_space<hbm>> -> memref<100000x128xf32, #tpu.memory_space<hbm>>
    tpu.wait_indirect_dma semaphore(%arg12 : memref<!tpu.dma_semaphore, #tpu.memory_space<semaphore_mem>>) src(%dma_wait3A_344 : memref<100000x128xf32, #tpu.memory_space<hbm>>) dst(%dma_wait3A_338 : memref<125x128xf32, #tpu.memory_space<vmem>>)
    %add3A_345 = arith.constant 625 : i32
    %add3A_346 = arith.addi %mul3A_2, %add3A_345 : i32
    %dma_start3A_347 = arith.constant 5 : i32
    %dma_start3A_348 = arith.constant 0 : i32
    %dma_start3A_349 = arith.constant 0 : i32
    %dma_start3A_350 = tpu.memref_slice %arg6[%dma_start3A_347, %dma_start3A_348, %dma_start3A_349] : memref<6x125x128xf32, #tpu.memory_space<vmem>> -> memref<1x125x128xf32, #tpu.memory_space<vmem>>
    %dma_start3A_351 = tpu.memref_squeeze %dma_start3A_350 : memref<1x125x128xf32, #tpu.memory_space<vmem>> -> memref<125x128xf32, #tpu.memory_space<vmem>>
    %dma_start3A_352 = arith.constant 0 : i32
    %dma_start3A_353 = tpu.memref_slice %arg4[%add3A_346, %dma_start3A_352] : memref<100000x128xf32, #tpu.memory_space<hbm>> -> memref<125x128xf32, #tpu.memory_space<hbm>>
    %dma_start3A_354 = arith.constant 0 : i32
    %dma_start3A_355 = tpu.memref_slice %arg4[%add3A_346, %dma_start3A_354] : memref<100000x128xf32, #tpu.memory_space<hbm>> -> memref<125x128xf32, #tpu.memory_space<hbm>>
    %dma_start3A_356 = arith.constant 0 : i32
    %dma_start3A_357 = arith.constant 0 : i32
    %dma_start3A_358 = tpu.memref_slice %arg6[%dma_start3A_347, %dma_start3A_356, %dma_start3A_357] : memref<6x125x128xf32, #tpu.memory_space<vmem>> -> memref<1x125x128xf32, #tpu.memory_space<vmem>>
    %dma_start3A_359 = tpu.memref_squeeze %dma_start3A_358 : memref<1x125x128xf32, #tpu.memory_space<vmem>> -> memref<125x128xf32, #tpu.memory_space<vmem>>
    tpu.enqueue_dma source(%dma_start3A_359 : memref<125x128xf32, #tpu.memory_space<vmem>>) target(%dma_start3A_355 : memref<125x128xf32, #tpu.memory_space<hbm>>) target_semaphore(%arg18 : memref<!tpu.dma_semaphore, #tpu.memory_space<semaphore_mem>>)
    %dma_wait3A_360 = arith.constant 5 : i32
    %dma_wait3A_361 = arith.constant 0 : i32
    %dma_wait3A_362 = arith.constant 0 : i32
    %dma_wait3A_363 = tpu.memref_slice %arg6[%dma_wait3A_360, %dma_wait3A_361, %dma_wait3A_362] : memref<6x125x128xf32, #tpu.memory_space<vmem>> -> memref<1x125x128xf32, #tpu.memory_space<vmem>>
    %dma_wait3A_364 = tpu.memref_squeeze %dma_wait3A_363 : memref<1x125x128xf32, #tpu.memory_space<vmem>> -> memref<125x128xf32, #tpu.memory_space<vmem>>
    %dma_wait3A_365 = arith.constant 0 : i32
    %dma_wait3A_366 = tpu.memref_slice %arg4[%add3A_346, %dma_wait3A_365] : memref<100000x128xf32, #tpu.memory_space<hbm>> -> memref<125x128xf32, #tpu.memory_space<hbm>>
    %dma_wait3A_367 = arith.constant 0 : i32
    %dma_wait3A_368 = tpu.memref_slice %arg4[%add3A_346, %dma_wait3A_367] : memref<100000x128xf32, #tpu.memory_space<hbm>> -> memref<125x128xf32, #tpu.memory_space<hbm>>
    %dma_wait3A_369 = arith.constant 0 : i32
    %dma_wait3A_370 = arith.constant 0 : i32
    %dma_wait3A_371 = tpu.memref_slice %arg6[%dma_wait3A_360, %dma_wait3A_369, %dma_wait3A_370] : memref<6x125x128xf32, #tpu.memory_space<vmem>> -> memref<1x125x128xf32, #tpu.memory_space<vmem>>
    %dma_wait3A_372 = tpu.memref_squeeze %dma_wait3A_371 : memref<1x125x128xf32, #tpu.memory_space<vmem>> -> memref<125x128xf32, #tpu.memory_space<vmem>>
    tpu.wait_dma2 semaphore(%arg18 : memref<!tpu.dma_semaphore, #tpu.memory_space<semaphore_mem>>) src(%dma_wait3A_372 : memref<125x128xf32, #tpu.memory_space<vmem>>) dst(%dma_wait3A_368 : memref<125x128xf32, #tpu.memory_space<hbm>>)
    %dma_start3A_373 = arith.constant 11 : i32
    %dma_start3A_374 = arith.constant 5 : i32
    %dma_start3A_375 = arith.constant 0 : i32
    %dma_start3A_376 = arith.constant 0 : i32
    %dma_start3A_377 = tpu.memref_slice %arg6[%dma_start3A_374, %dma_start3A_375, %dma_start3A_376] : memref<6x125x128xf32, #tpu.memory_space<vmem>> -> memref<1x125x128xf32, #tpu.memory_space<vmem>>
    %dma_start3A_378 = tpu.memref_squeeze %dma_start3A_377 : memref<1x125x128xf32, #tpu.memory_space<vmem>> -> memref<125x128xf32, #tpu.memory_space<vmem>>
    %dma_start3A_379 = arith.constant 0 : i32
    %dma_start3A_380 = tpu.memref_slice %arg5[%dma_start3A_373, %dma_start3A_379] : memref<25x125xi32, #tpu.memory_space<vmem>> -> memref<1x125xi32, #tpu.memory_space<vmem>>
    %dma_start3A_381 = tpu.memref_squeeze %dma_start3A_380 : memref<1x125xi32, #tpu.memory_space<vmem>> -> memref<125xi32, #tpu.memory_space<vmem>>
    %dma_start3A_382 = arith.constant 0 : i32
    %dma_start3A_383 = arith.constant 0 : i32
    %dma_start3A_384 = tpu.memref_slice %arg3[%dma_start3A_382, %dma_start3A_383] : memref<100000x128xf32, #tpu.memory_space<hbm>> -> memref<100000x128xf32, #tpu.memory_space<hbm>>
    tpu.enqueue_indirect_dma source(%dma_start3A_384 : memref<100000x128xf32, #tpu.memory_space<hbm>>) target(%dma_start3A_378 : memref<125x128xf32, #tpu.memory_space<vmem>>) offsets(%dma_start3A_381 : memref<125xi32, #tpu.memory_space<vmem>>) semaphore(%arg12 : memref<!tpu.dma_semaphore, #tpu.memory_space<semaphore_mem>>)
    %dma_wait3A_385 = arith.constant 6 : i32
    %dma_wait3A_386 = arith.constant 0 : i32
    %dma_wait3A_387 = arith.constant 0 : i32
    %dma_wait3A_388 = arith.constant 0 : i32
    %dma_wait3A_389 = tpu.memref_slice %arg6[%dma_wait3A_386, %dma_wait3A_387, %dma_wait3A_388] : memref<6x125x128xf32, #tpu.memory_space<vmem>> -> memref<1x125x128xf32, #tpu.memory_space<vmem>>
    %dma_wait3A_390 = tpu.memref_squeeze %dma_wait3A_389 : memref<1x125x128xf32, #tpu.memory_space<vmem>> -> memref<125x128xf32, #tpu.memory_space<vmem>>
    %dma_wait3A_391 = arith.constant 0 : i32
    %dma_wait3A_392 = tpu.memref_slice %arg5[%dma_wait3A_385, %dma_wait3A_391] : memref<25x125xi32, #tpu.memory_space<vmem>> -> memref<1x125xi32, #tpu.memory_space<vmem>>
    %dma_wait3A_393 = tpu.memref_squeeze %dma_wait3A_392 : memref<1x125xi32, #tpu.memory_space<vmem>> -> memref<125xi32, #tpu.memory_space<vmem>>
    %dma_wait3A_394 = arith.constant 0 : i32
    %dma_wait3A_395 = arith.constant 0 : i32
    %dma_wait3A_396 = tpu.memref_slice %arg3[%dma_wait3A_394, %dma_wait3A_395] : memref<100000x128xf32, #tpu.memory_space<hbm>> -> memref<100000x128xf32, #tpu.memory_space<hbm>>
    tpu.wait_indirect_dma semaphore(%arg7 : memref<!tpu.dma_semaphore, #tpu.memory_space<semaphore_mem>>) src(%dma_wait3A_396 : memref<100000x128xf32, #tpu.memory_space<hbm>>) dst(%dma_wait3A_390 : memref<125x128xf32, #tpu.memory_space<vmem>>)
    %add3A_397 = arith.constant 750 : i32
    %add3A_398 = arith.addi %mul3A_2, %add3A_397 : i32
    %dma_start3A_399 = arith.constant 0 : i32
    %dma_start3A_400 = arith.constant 0 : i32
    %dma_start3A_401 = arith.constant 0 : i32
    %dma_start3A_402 = tpu.memref_slice %arg6[%dma_start3A_399, %dma_start3A_400, %dma_start3A_401] : memref<6x125x128xf32, #tpu.memory_space<vmem>> -> memref<1x125x128xf32, #tpu.memory_space<vmem>>
    %dma_start3A_403 = tpu.memref_squeeze %dma_start3A_402 : memref<1x125x128xf32, #tpu.memory_space<vmem>> -> memref<125x128xf32, #tpu.memory_space<vmem>>
    %dma_start3A_404 = arith.constant 0 : i32
    %dma_start3A_405 = tpu.memref_slice %arg4[%add3A_398, %dma_start3A_404] : memref<100000x128xf32, #tpu.memory_space<hbm>> -> memref<125x128xf32, #tpu.memory_space<hbm>>
    %dma_start3A_406 = arith.constant 0 : i32
    %dma_start3A_407 = tpu.memref_slice %arg4[%add3A_398, %dma_start3A_406] : memref<100000x128xf32, #tpu.memory_space<hbm>> -> memref<125x128xf32, #tpu.memory_space<hbm>>
    %dma_start3A_408 = arith.constant 0 : i32
    %dma_start3A_409 = arith.constant 0 : i32
    %dma_start3A_410 = tpu.memref_slice %arg6[%dma_start3A_399, %dma_start3A_408, %dma_start3A_409] : memref<6x125x128xf32, #tpu.memory_space<vmem>> -> memref<1x125x128xf32, #tpu.memory_space<vmem>>
    %dma_start3A_411 = tpu.memref_squeeze %dma_start3A_410 : memref<1x125x128xf32, #tpu.memory_space<vmem>> -> memref<125x128xf32, #tpu.memory_space<vmem>>
    tpu.enqueue_dma source(%dma_start3A_411 : memref<125x128xf32, #tpu.memory_space<vmem>>) target(%dma_start3A_407 : memref<125x128xf32, #tpu.memory_space<hbm>>) target_semaphore(%arg13 : memref<!tpu.dma_semaphore, #tpu.memory_space<semaphore_mem>>)
    %dma_wait3A_412 = arith.constant 0 : i32
    %dma_wait3A_413 = arith.constant 0 : i32
    %dma_wait3A_414 = arith.constant 0 : i32
    %dma_wait3A_415 = tpu.memref_slice %arg6[%dma_wait3A_412, %dma_wait3A_413, %dma_wait3A_414] : memref<6x125x128xf32, #tpu.memory_space<vmem>> -> memref<1x125x128xf32, #tpu.memory_space<vmem>>
    %dma_wait3A_416 = tpu.memref_squeeze %dma_wait3A_415 : memref<1x125x128xf32, #tpu.memory_space<vmem>> -> memref<125x128xf32, #tpu.memory_space<vmem>>
    %dma_wait3A_417 = arith.constant 0 : i32
    %dma_wait3A_418 = tpu.memref_slice %arg4[%add3A_398, %dma_wait3A_417] : memref<100000x128xf32, #tpu.memory_space<hbm>> -> memref<125x128xf32, #tpu.memory_space<hbm>>
    %dma_wait3A_419 = arith.constant 0 : i32
    %dma_wait3A_420 = tpu.memref_slice %arg4[%add3A_398, %dma_wait3A_419] : memref<100000x128xf32, #tpu.memory_space<hbm>> -> memref<125x128xf32, #tpu.memory_space<hbm>>
    %dma_wait3A_421 = arith.constant 0 : i32
    %dma_wait3A_422 = arith.constant 0 : i32
    %dma_wait3A_423 = tpu.memref_slice %arg6[%dma_wait3A_412, %dma_wait3A_421, %dma_wait3A_422] : memref<6x125x128xf32, #tpu.memory_space<vmem>> -> memref<1x125x128xf32, #tpu.memory_space<vmem>>
    %dma_wait3A_424 = tpu.memref_squeeze %dma_wait3A_423 : memref<1x125x128xf32, #tpu.memory_space<vmem>> -> memref<125x128xf32, #tpu.memory_space<vmem>>
    tpu.wait_dma2 semaphore(%arg13 : memref<!tpu.dma_semaphore, #tpu.memory_space<semaphore_mem>>) src(%dma_wait3A_424 : memref<125x128xf32, #tpu.memory_space<vmem>>) dst(%dma_wait3A_420 : memref<125x128xf32, #tpu.memory_space<hbm>>)
    %dma_start3A_425 = arith.constant 12 : i32
    %dma_start3A_426 = arith.constant 0 : i32
    %dma_start3A_427 = arith.constant 0 : i32
    %dma_start3A_428 = arith.constant 0 : i32
    %dma_start3A_429 = tpu.memref_slice %arg6[%dma_start3A_426, %dma_start3A_427, %dma_start3A_428] : memref<6x125x128xf32, #tpu.memory_space<vmem>> -> memref<1x125x128xf32, #tpu.memory_space<vmem>>
    %dma_start3A_430 = tpu.memref_squeeze %dma_start3A_429 : memref<1x125x128xf32, #tpu.memory_space<vmem>> -> memref<125x128xf32, #tpu.memory_space<vmem>>
    %dma_start3A_431 = arith.constant 0 : i32
    %dma_start3A_432 = tpu.memref_slice %arg5[%dma_start3A_425, %dma_start3A_431] : memref<25x125xi32, #tpu.memory_space<vmem>> -> memref<1x125xi32, #tpu.memory_space<vmem>>
    %dma_start3A_433 = tpu.memref_squeeze %dma_start3A_432 : memref<1x125xi32, #tpu.memory_space<vmem>> -> memref<125xi32, #tpu.memory_space<vmem>>
    %dma_start3A_434 = arith.constant 0 : i32
    %dma_start3A_435 = arith.constant 0 : i32
    %dma_start3A_436 = tpu.memref_slice %arg3[%dma_start3A_434, %dma_start3A_435] : memref<100000x128xf32, #tpu.memory_space<hbm>> -> memref<100000x128xf32, #tpu.memory_space<hbm>>
    tpu.enqueue_indirect_dma source(%dma_start3A_436 : memref<100000x128xf32, #tpu.memory_space<hbm>>) target(%dma_start3A_430 : memref<125x128xf32, #tpu.memory_space<vmem>>) offsets(%dma_start3A_433 : memref<125xi32, #tpu.memory_space<vmem>>) semaphore(%arg7 : memref<!tpu.dma_semaphore, #tpu.memory_space<semaphore_mem>>)
    %dma_wait3A_437 = arith.constant 7 : i32
    %dma_wait3A_438 = arith.constant 1 : i32
    %dma_wait3A_439 = arith.constant 0 : i32
    %dma_wait3A_440 = arith.constant 0 : i32
    %dma_wait3A_441 = tpu.memref_slice %arg6[%dma_wait3A_438, %dma_wait3A_439, %dma_wait3A_440] : memref<6x125x128xf32, #tpu.memory_space<vmem>> -> memref<1x125x128xf32, #tpu.memory_space<vmem>>
    %dma_wait3A_442 = tpu.memref_squeeze %dma_wait3A_441 : memref<1x125x128xf32, #tpu.memory_space<vmem>> -> memref<125x128xf32, #tpu.memory_space<vmem>>
    %dma_wait3A_443 = arith.constant 0 : i32
    %dma_wait3A_444 = tpu.memref_slice %arg5[%dma_wait3A_437, %dma_wait3A_443] : memref<25x125xi32, #tpu.memory_space<vmem>> -> memref<1x125xi32, #tpu.memory_space<vmem>>
    %dma_wait3A_445 = tpu.memref_squeeze %dma_wait3A_444 : memref<1x125xi32, #tpu.memory_space<vmem>> -> memref<125xi32, #tpu.memory_space<vmem>>
    %dma_wait3A_446 = arith.constant 0 : i32
    %dma_wait3A_447 = arith.constant 0 : i32
    %dma_wait3A_448 = tpu.memref_slice %arg3[%dma_wait3A_446, %dma_wait3A_447] : memref<100000x128xf32, #tpu.memory_space<hbm>> -> memref<100000x128xf32, #tpu.memory_space<hbm>>
    tpu.wait_indirect_dma semaphore(%arg8 : memref<!tpu.dma_semaphore, #tpu.memory_space<semaphore_mem>>) src(%dma_wait3A_448 : memref<100000x128xf32, #tpu.memory_space<hbm>>) dst(%dma_wait3A_442 : memref<125x128xf32, #tpu.memory_space<vmem>>)
    %add3A_449 = arith.constant 875 : i32
    %add3A_450 = arith.addi %mul3A_2, %add3A_449 : i32
    %dma_start3A_451 = arith.constant 1 : i32
    %dma_start3A_452 = arith.constant 0 : i32
    %dma_start3A_453 = arith.constant 0 : i32
    %dma_start3A_454 = tpu.memref_slice %arg6[%dma_start3A_451, %dma_start3A_452, %dma_start3A_453] : memref<6x125x128xf32, #tpu.memory_space<vmem>> -> memref<1x125x128xf32, #tpu.memory_space<vmem>>
    %dma_start3A_455 = tpu.memref_squeeze %dma_start3A_454 : memref<1x125x128xf32, #tpu.memory_space<vmem>> -> memref<125x128xf32, #tpu.memory_space<vmem>>
    %dma_start3A_456 = arith.constant 0 : i32
    %dma_start3A_457 = tpu.memref_slice %arg4[%add3A_450, %dma_start3A_456] : memref<100000x128xf32, #tpu.memory_space<hbm>> -> memref<125x128xf32, #tpu.memory_space<hbm>>
    %dma_start3A_458 = arith.constant 0 : i32
    %dma_start3A_459 = tpu.memref_slice %arg4[%add3A_450, %dma_start3A_458] : memref<100000x128xf32, #tpu.memory_space<hbm>> -> memref<125x128xf32, #tpu.memory_space<hbm>>
    %dma_start3A_460 = arith.constant 0 : i32
    %dma_start3A_461 = arith.constant 0 : i32
    %dma_start3A_462 = tpu.memref_slice %arg6[%dma_start3A_451, %dma_start3A_460, %dma_start3A_461] : memref<6x125x128xf32, #tpu.memory_space<vmem>> -> memref<1x125x128xf32, #tpu.memory_space<vmem>>
    %dma_start3A_463 = tpu.memref_squeeze %dma_start3A_462 : memref<1x125x128xf32, #tpu.memory_space<vmem>> -> memref<125x128xf32, #tpu.memory_space<vmem>>
    tpu.enqueue_dma source(%dma_start3A_463 : memref<125x128xf32, #tpu.memory_space<vmem>>) target(%dma_start3A_459 : memref<125x128xf32, #tpu.memory_space<hbm>>) target_semaphore(%arg14 : memref<!tpu.dma_semaphore, #tpu.memory_space<semaphore_mem>>)
    %dma_wait3A_464 = arith.constant 1 : i32
    %dma_wait3A_465 = arith.constant 0 : i32
    %dma_wait3A_466 = arith.constant 0 : i32
    %dma_wait3A_467 = tpu.memref_slice %arg6[%dma_wait3A_464, %dma_wait3A_465, %dma_wait3A_466] : memref<6x125x128xf32, #tpu.memory_space<vmem>> -> memref<1x125x128xf32, #tpu.memory_space<vmem>>
    %dma_wait3A_468 = tpu.memref_squeeze %dma_wait3A_467 : memref<1x125x128xf32, #tpu.memory_space<vmem>> -> memref<125x128xf32, #tpu.memory_space<vmem>>
    %dma_wait3A_469 = arith.constant 0 : i32
    %dma_wait3A_470 = tpu.memref_slice %arg4[%add3A_450, %dma_wait3A_469] : memref<100000x128xf32, #tpu.memory_space<hbm>> -> memref<125x128xf32, #tpu.memory_space<hbm>>
    %dma_wait3A_471 = arith.constant 0 : i32
    %dma_wait3A_472 = tpu.memref_slice %arg4[%add3A_450, %dma_wait3A_471] : memref<100000x128xf32, #tpu.memory_space<hbm>> -> memref<125x128xf32, #tpu.memory_space<hbm>>
    %dma_wait3A_473 = arith.constant 0 : i32
    %dma_wait3A_474 = arith.constant 0 : i32
    %dma_wait3A_475 = tpu.memref_slice %arg6[%dma_wait3A_464, %dma_wait3A_473, %dma_wait3A_474] : memref<6x125x128xf32, #tpu.memory_space<vmem>> -> memref<1x125x128xf32, #tpu.memory_space<vmem>>
    %dma_wait3A_476 = tpu.memref_squeeze %dma_wait3A_475 : memref<1x125x128xf32, #tpu.memory_space<vmem>> -> memref<125x128xf32, #tpu.memory_space<vmem>>
    tpu.wait_dma2 semaphore(%arg14 : memref<!tpu.dma_semaphore, #tpu.memory_space<semaphore_mem>>) src(%dma_wait3A_476 : memref<125x128xf32, #tpu.memory_space<vmem>>) dst(%dma_wait3A_472 : memref<125x128xf32, #tpu.memory_space<hbm>>)
    %dma_start3A_477 = arith.constant 13 : i32
    %dma_start3A_478 = arith.constant 1 : i32
    %dma_start3A_479 = arith.constant 0 : i32
    %dma_start3A_480 = arith.constant 0 : i32
    %dma_start3A_481 = tpu.memref_slice %arg6[%dma_start3A_478, %dma_start3A_479, %dma_start3A_480] : memref<6x125x128xf32, #tpu.memory_space<vmem>> -> memref<1x125x128xf32, #tpu.memory_space<vmem>>
    %dma_start3A_482 = tpu.memref_squeeze %dma_start3A_481 : memref<1x125x128xf32, #tpu.memory_space<vmem>> -> memref<125x128xf32, #tpu.memory_space<vmem>>
    %dma_start3A_483 = arith.constant 0 : i32
    %dma_start3A_484 = tpu.memref_slice %arg5[%dma_start3A_477, %dma_start3A_483] : memref<25x125xi32, #tpu.memory_space<vmem>> -> memref<1x125xi32, #tpu.memory_space<vmem>>
    %dma_start3A_485 = tpu.memref_squeeze %dma_start3A_484 : memref<1x125xi32, #tpu.memory_space<vmem>> -> memref<125xi32, #tpu.memory_space<vmem>>
    %dma_start3A_486 = arith.constant 0 : i32
    %dma_start3A_487 = arith.constant 0 : i32
    %dma_start3A_488 = tpu.memref_slice %arg3[%dma_start3A_486, %dma_start3A_487] : memref<100000x128xf32, #tpu.memory_space<hbm>> -> memref<100000x128xf32, #tpu.memory_space<hbm>>
    tpu.enqueue_indirect_dma source(%dma_start3A_488 : memref<100000x128xf32, #tpu.memory_space<hbm>>) target(%dma_start3A_482 : memref<125x128xf32, #tpu.memory_space<vmem>>) offsets(%dma_start3A_485 : memref<125xi32, #tpu.memory_space<vmem>>) semaphore(%arg8 : memref<!tpu.dma_semaphore, #tpu.memory_space<semaphore_mem>>)
    %dma_wait3A_489 = arith.constant 8 : i32
    %dma_wait3A_490 = arith.constant 2 : i32
    %dma_wait3A_491 = arith.constant 0 : i32
    %dma_wait3A_492 = arith.constant 0 : i32
    %dma_wait3A_493 = tpu.memref_slice %arg6[%dma_wait3A_490, %dma_wait3A_491, %dma_wait3A_492] : memref<6x125x128xf32, #tpu.memory_space<vmem>> -> memref<1x125x128xf32, #tpu.memory_space<vmem>>
    %dma_wait3A_494 = tpu.memref_squeeze %dma_wait3A_493 : memref<1x125x128xf32, #tpu.memory_space<vmem>> -> memref<125x128xf32, #tpu.memory_space<vmem>>
    %dma_wait3A_495 = arith.constant 0 : i32
    %dma_wait3A_496 = tpu.memref_slice %arg5[%dma_wait3A_489, %dma_wait3A_495] : memref<25x125xi32, #tpu.memory_space<vmem>> -> memref<1x125xi32, #tpu.memory_space<vmem>>
    %dma_wait3A_497 = tpu.memref_squeeze %dma_wait3A_496 : memref<1x125xi32, #tpu.memory_space<vmem>> -> memref<125xi32, #tpu.memory_space<vmem>>
    %dma_wait3A_498 = arith.constant 0 : i32
    %dma_wait3A_499 = arith.constant 0 : i32
    %dma_wait3A_500 = tpu.memref_slice %arg3[%dma_wait3A_498, %dma_wait3A_499] : memref<100000x128xf32, #tpu.memory_space<hbm>> -> memref<100000x128xf32, #tpu.memory_space<hbm>>
    tpu.wait_indirect_dma semaphore(%arg9 : memref<!tpu.dma_semaphore, #tpu.memory_space<semaphore_mem>>) src(%dma_wait3A_500 : memref<100000x128xf32, #tpu.memory_space<hbm>>) dst(%dma_wait3A_494 : memref<125x128xf32, #tpu.memory_space<vmem>>)
    %add3A_501 = arith.constant 1000 : i32
    %add3A_502 = arith.addi %mul3A_2, %add3A_501 : i32
    %dma_start3A_503 = arith.constant 2 : i32
    %dma_start3A_504 = arith.constant 0 : i32
    %dma_start3A_505 = arith.constant 0 : i32
    %dma_start3A_506 = tpu.memref_slice %arg6[%dma_start3A_503, %dma_start3A_504, %dma_start3A_505] : memref<6x125x128xf32, #tpu.memory_space<vmem>> -> memref<1x125x128xf32, #tpu.memory_space<vmem>>
    %dma_start3A_507 = tpu.memref_squeeze %dma_start3A_506 : memref<1x125x128xf32, #tpu.memory_space<vmem>> -> memref<125x128xf32, #tpu.memory_space<vmem>>
    %dma_start3A_508 = arith.constant 0 : i32
    %dma_start3A_509 = tpu.memref_slice %arg4[%add3A_502, %dma_start3A_508] : memref<100000x128xf32, #tpu.memory_space<hbm>> -> memref<125x128xf32, #tpu.memory_space<hbm>>
    %dma_start3A_510 = arith.constant 0 : i32
    %dma_start3A_511 = tpu.memref_slice %arg4[%add3A_502, %dma_start3A_510] : memref<100000x128xf32, #tpu.memory_space<hbm>> -> memref<125x128xf32, #tpu.memory_space<hbm>>
    %dma_start3A_512 = arith.constant 0 : i32
    %dma_start3A_513 = arith.constant 0 : i32
    %dma_start3A_514 = tpu.memref_slice %arg6[%dma_start3A_503, %dma_start3A_512, %dma_start3A_513] : memref<6x125x128xf32, #tpu.memory_space<vmem>> -> memref<1x125x128xf32, #tpu.memory_space<vmem>>
    %dma_start3A_515 = tpu.memref_squeeze %dma_start3A_514 : memref<1x125x128xf32, #tpu.memory_space<vmem>> -> memref<125x128xf32, #tpu.memory_space<vmem>>
    tpu.enqueue_dma source(%dma_start3A_515 : memref<125x128xf32, #tpu.memory_space<vmem>>) target(%dma_start3A_511 : memref<125x128xf32, #tpu.memory_space<hbm>>) target_semaphore(%arg15 : memref<!tpu.dma_semaphore, #tpu.memory_space<semaphore_mem>>)
    %dma_wait3A_516 = arith.constant 2 : i32
    %dma_wait3A_517 = arith.constant 0 : i32
    %dma_wait3A_518 = arith.constant 0 : i32
    %dma_wait3A_519 = tpu.memref_slice %arg6[%dma_wait3A_516, %dma_wait3A_517, %dma_wait3A_518] : memref<6x125x128xf32, #tpu.memory_space<vmem>> -> memref<1x125x128xf32, #tpu.memory_space<vmem>>
    %dma_wait3A_520 = tpu.memref_squeeze %dma_wait3A_519 : memref<1x125x128xf32, #tpu.memory_space<vmem>> -> memref<125x128xf32, #tpu.memory_space<vmem>>
    %dma_wait3A_521 = arith.constant 0 : i32
    %dma_wait3A_522 = tpu.memref_slice %arg4[%add3A_502, %dma_wait3A_521] : memref<100000x128xf32, #tpu.memory_space<hbm>> -> memref<125x128xf32, #tpu.memory_space<hbm>>
    %dma_wait3A_523 = arith.constant 0 : i32
    %dma_wait3A_524 = tpu.memref_slice %arg4[%add3A_502, %dma_wait3A_523] : memref<100000x128xf32, #tpu.memory_space<hbm>> -> memref<125x128xf32, #tpu.memory_space<hbm>>
    %dma_wait3A_525 = arith.constant 0 : i32
    %dma_wait3A_526 = arith.constant 0 : i32
    %dma_wait3A_527 = tpu.memref_slice %arg6[%dma_wait3A_516, %dma_wait3A_525, %dma_wait3A_526] : memref<6x125x128xf32, #tpu.memory_space<vmem>> -> memref<1x125x128xf32, #tpu.memory_space<vmem>>
    %dma_wait3A_528 = tpu.memref_squeeze %dma_wait3A_527 : memref<1x125x128xf32, #tpu.memory_space<vmem>> -> memref<125x128xf32, #tpu.memory_space<vmem>>
    tpu.wait_dma2 semaphore(%arg15 : memref<!tpu.dma_semaphore, #tpu.memory_space<semaphore_mem>>) src(%dma_wait3A_528 : memref<125x128xf32, #tpu.memory_space<vmem>>) dst(%dma_wait3A_524 : memref<125x128xf32, #tpu.memory_space<hbm>>)
    %dma_start3A_529 = arith.constant 14 : i32
    %dma_start3A_530 = arith.constant 2 : i32
    %dma_start3A_531 = arith.constant 0 : i32
    %dma_start3A_532 = arith.constant 0 : i32
    %dma_start3A_533 = tpu.memref_slice %arg6[%dma_start3A_530, %dma_start3A_531, %dma_start3A_532] : memref<6x125x128xf32, #tpu.memory_space<vmem>> -> memref<1x125x128xf32, #tpu.memory_space<vmem>>
    %dma_start3A_534 = tpu.memref_squeeze %dma_start3A_533 : memref<1x125x128xf32, #tpu.memory_space<vmem>> -> memref<125x128xf32, #tpu.memory_space<vmem>>
    %dma_start3A_535 = arith.constant 0 : i32
    %dma_start3A_536 = tpu.memref_slice %arg5[%dma_start3A_529, %dma_start3A_535] : memref<25x125xi32, #tpu.memory_space<vmem>> -> memref<1x125xi32, #tpu.memory_space<vmem>>
    %dma_start3A_537 = tpu.memref_squeeze %dma_start3A_536 : memref<1x125xi32, #tpu.memory_space<vmem>> -> memref<125xi32, #tpu.memory_space<vmem>>
    %dma_start3A_538 = arith.constant 0 : i32
    %dma_start3A_539 = arith.constant 0 : i32
    %dma_start3A_540 = tpu.memref_slice %arg3[%dma_start3A_538, %dma_start3A_539] : memref<100000x128xf32, #tpu.memory_space<hbm>> -> memref<100000x128xf32, #tpu.memory_space<hbm>>
    tpu.enqueue_indirect_dma source(%dma_start3A_540 : memref<100000x128xf32, #tpu.memory_space<hbm>>) target(%dma_start3A_534 : memref<125x128xf32, #tpu.memory_space<vmem>>) offsets(%dma_start3A_537 : memref<125xi32, #tpu.memory_space<vmem>>) semaphore(%arg9 : memref<!tpu.dma_semaphore, #tpu.memory_space<semaphore_mem>>)
    %dma_wait3A_541 = arith.constant 9 : i32
    %dma_wait3A_542 = arith.constant 3 : i32
    %dma_wait3A_543 = arith.constant 0 : i32
    %dma_wait3A_544 = arith.constant 0 : i32
    %dma_wait3A_545 = tpu.memref_slice %arg6[%dma_wait3A_542, %dma_wait3A_543, %dma_wait3A_544] : memref<6x125x128xf32, #tpu.memory_space<vmem>> -> memref<1x125x128xf32, #tpu.memory_space<vmem>>
    %dma_wait3A_546 = tpu.memref_squeeze %dma_wait3A_545 : memref<1x125x128xf32, #tpu.memory_space<vmem>> -> memref<125x128xf32, #tpu.memory_space<vmem>>
    %dma_wait3A_547 = arith.constant 0 : i32
    %dma_wait3A_548 = tpu.memref_slice %arg5[%dma_wait3A_541, %dma_wait3A_547] : memref<25x125xi32, #tpu.memory_space<vmem>> -> memref<1x125xi32, #tpu.memory_space<vmem>>
    %dma_wait3A_549 = tpu.memref_squeeze %dma_wait3A_548 : memref<1x125xi32, #tpu.memory_space<vmem>> -> memref<125xi32, #tpu.memory_space<vmem>>
    %dma_wait3A_550 = arith.constant 0 : i32
    %dma_wait3A_551 = arith.constant 0 : i32
    %dma_wait3A_552 = tpu.memref_slice %arg3[%dma_wait3A_550, %dma_wait3A_551] : memref<100000x128xf32, #tpu.memory_space<hbm>> -> memref<100000x128xf32, #tpu.memory_space<hbm>>
    tpu.wait_indirect_dma semaphore(%arg10 : memref<!tpu.dma_semaphore, #tpu.memory_space<semaphore_mem>>) src(%dma_wait3A_552 : memref<100000x128xf32, #tpu.memory_space<hbm>>) dst(%dma_wait3A_546 : memref<125x128xf32, #tpu.memory_space<vmem>>)
    %add3A_553 = arith.constant 1125 : i32
    %add3A_554 = arith.addi %mul3A_2, %add3A_553 : i32
    %dma_start3A_555 = arith.constant 3 : i32
    %dma_start3A_556 = arith.constant 0 : i32
    %dma_start3A_557 = arith.constant 0 : i32
    %dma_start3A_558 = tpu.memref_slice %arg6[%dma_start3A_555, %dma_start3A_556, %dma_start3A_557] : memref<6x125x128xf32, #tpu.memory_space<vmem>> -> memref<1x125x128xf32, #tpu.memory_space<vmem>>
    %dma_start3A_559 = tpu.memref_squeeze %dma_start3A_558 : memref<1x125x128xf32, #tpu.memory_space<vmem>> -> memref<125x128xf32, #tpu.memory_space<vmem>>
    %dma_start3A_560 = arith.constant 0 : i32
    %dma_start3A_561 = tpu.memref_slice %arg4[%add3A_554, %dma_start3A_560] : memref<100000x128xf32, #tpu.memory_space<hbm>> -> memref<125x128xf32, #tpu.memory_space<hbm>>
    %dma_start3A_562 = arith.constant 0 : i32
    %dma_start3A_563 = tpu.memref_slice %arg4[%add3A_554, %dma_start3A_562] : memref<100000x128xf32, #tpu.memory_space<hbm>> -> memref<125x128xf32, #tpu.memory_space<hbm>>
    %dma_start3A_564 = arith.constant 0 : i32
    %dma_start3A_565 = arith.constant 0 : i32
    %dma_start3A_566 = tpu.memref_slice %arg6[%dma_start3A_555, %dma_start3A_564, %dma_start3A_565] : memref<6x125x128xf32, #tpu.memory_space<vmem>> -> memref<1x125x128xf32, #tpu.memory_space<vmem>>
    %dma_start3A_567 = tpu.memref_squeeze %dma_start3A_566 : memref<1x125x128xf32, #tpu.memory_space<vmem>> -> memref<125x128xf32, #tpu.memory_space<vmem>>
    tpu.enqueue_dma source(%dma_start3A_567 : memref<125x128xf32, #tpu.memory_space<vmem>>) target(%dma_start3A_563 : memref<125x128xf32, #tpu.memory_space<hbm>>) target_semaphore(%arg16 : memref<!tpu.dma_semaphore, #tpu.memory_space<semaphore_mem>>)
    %dma_wait3A_568 = arith.constant 3 : i32
    %dma_wait3A_569 = arith.constant 0 : i32
    %dma_wait3A_570 = arith.constant 0 : i32
    %dma_wait3A_571 = tpu.memref_slice %arg6[%dma_wait3A_568, %dma_wait3A_569, %dma_wait3A_570] : memref<6x125x128xf32, #tpu.memory_space<vmem>> -> memref<1x125x128xf32, #tpu.memory_space<vmem>>
    %dma_wait3A_572 = tpu.memref_squeeze %dma_wait3A_571 : memref<1x125x128xf32, #tpu.memory_space<vmem>> -> memref<125x128xf32, #tpu.memory_space<vmem>>
    %dma_wait3A_573 = arith.constant 0 : i32
    %dma_wait3A_574 = tpu.memref_slice %arg4[%add3A_554, %dma_wait3A_573] : memref<100000x128xf32, #tpu.memory_space<hbm>> -> memref<125x128xf32, #tpu.memory_space<hbm>>
    %dma_wait3A_575 = arith.constant 0 : i32
    %dma_wait3A_576 = tpu.memref_slice %arg4[%add3A_554, %dma_wait3A_575] : memref<100000x128xf32, #tpu.memory_space<hbm>> -> memref<125x128xf32, #tpu.memory_space<hbm>>
    %dma_wait3A_577 = arith.constant 0 : i32
    %dma_wait3A_578 = arith.constant 0 : i32
    %dma_wait3A_579 = tpu.memref_slice %arg6[%dma_wait3A_568, %dma_wait3A_577, %dma_wait3A_578] : memref<6x125x128xf32, #tpu.memory_space<vmem>> -> memref<1x125x128xf32, #tpu.memory_space<vmem>>
    %dma_wait3A_580 = tpu.memref_squeeze %dma_wait3A_579 : memref<1x125x128xf32, #tpu.memory_space<vmem>> -> memref<125x128xf32, #tpu.memory_space<vmem>>
    tpu.wait_dma2 semaphore(%arg16 : memref<!tpu.dma_semaphore, #tpu.memory_space<semaphore_mem>>) src(%dma_wait3A_580 : memref<125x128xf32, #tpu.memory_space<vmem>>) dst(%dma_wait3A_576 : memref<125x128xf32, #tpu.memory_space<hbm>>)
    %dma_start3A_581 = arith.constant 15 : i32
    %dma_start3A_582 = arith.constant 3 : i32
    %dma_start3A_583 = arith.constant 0 : i32
    %dma_start3A_584 = arith.constant 0 : i32
    %dma_start3A_585 = tpu.memref_slice %arg6[%dma_start3A_582, %dma_start3A_583, %dma_start3A_584] : memref<6x125x128xf32, #tpu.memory_space<vmem>> -> memref<1x125x128xf32, #tpu.memory_space<vmem>>
    %dma_start3A_586 = tpu.memref_squeeze %dma_start3A_585 : memref<1x125x128xf32, #tpu.memory_space<vmem>> -> memref<125x128xf32, #tpu.memory_space<vmem>>
    %dma_start3A_587 = arith.constant 0 : i32
    %dma_start3A_588 = tpu.memref_slice %arg5[%dma_start3A_581, %dma_start3A_587] : memref<25x125xi32, #tpu.memory_space<vmem>> -> memref<1x125xi32, #tpu.memory_space<vmem>>
    %dma_start3A_589 = tpu.memref_squeeze %dma_start3A_588 : memref<1x125xi32, #tpu.memory_space<vmem>> -> memref<125xi32, #tpu.memory_space<vmem>>
    %dma_start3A_590 = arith.constant 0 : i32
    %dma_start3A_591 = arith.constant 0 : i32
    %dma_start3A_592 = tpu.memref_slice %arg3[%dma_start3A_590, %dma_start3A_591] : memref<100000x128xf32, #tpu.memory_space<hbm>> -> memref<100000x128xf32, #tpu.memory_space<hbm>>
    tpu.enqueue_indirect_dma source(%dma_start3A_592 : memref<100000x128xf32, #tpu.memory_space<hbm>>) target(%dma_start3A_586 : memref<125x128xf32, #tpu.memory_space<vmem>>) offsets(%dma_start3A_589 : memref<125xi32, #tpu.memory_space<vmem>>) semaphore(%arg10 : memref<!tpu.dma_semaphore, #tpu.memory_space<semaphore_mem>>)
    %dma_wait3A_593 = arith.constant 10 : i32
    %dma_wait3A_594 = arith.constant 4 : i32
    %dma_wait3A_595 = arith.constant 0 : i32
    %dma_wait3A_596 = arith.constant 0 : i32
    %dma_wait3A_597 = tpu.memref_slice %arg6[%dma_wait3A_594, %dma_wait3A_595, %dma_wait3A_596] : memref<6x125x128xf32, #tpu.memory_space<vmem>> -> memref<1x125x128xf32, #tpu.memory_space<vmem>>
    %dma_wait3A_598 = tpu.memref_squeeze %dma_wait3A_597 : memref<1x125x128xf32, #tpu.memory_space<vmem>> -> memref<125x128xf32, #tpu.memory_space<vmem>>
    %dma_wait3A_599 = arith.constant 0 : i32
    %dma_wait3A_600 = tpu.memref_slice %arg5[%dma_wait3A_593, %dma_wait3A_599] : memref<25x125xi32, #tpu.memory_space<vmem>> -> memref<1x125xi32, #tpu.memory_space<vmem>>
    %dma_wait3A_601 = tpu.memref_squeeze %dma_wait3A_600 : memref<1x125xi32, #tpu.memory_space<vmem>> -> memref<125xi32, #tpu.memory_space<vmem>>
    %dma_wait3A_602 = arith.constant 0 : i32
    %dma_wait3A_603 = arith.constant 0 : i32
    %dma_wait3A_604 = tpu.memref_slice %arg3[%dma_wait3A_602, %dma_wait3A_603] : memref<100000x128xf32, #tpu.memory_space<hbm>> -> memref<100000x128xf32, #tpu.memory_space<hbm>>
    tpu.wait_indirect_dma semaphore(%arg11 : memref<!tpu.dma_semaphore, #tpu.memory_space<semaphore_mem>>) src(%dma_wait3A_604 : memref<100000x128xf32, #tpu.memory_space<hbm>>) dst(%dma_wait3A_598 : memref<125x128xf32, #tpu.memory_space<vmem>>)
    %add3A_605 = arith.constant 1250 : i32
    %add3A_606 = arith.addi %mul3A_2, %add3A_605 : i32
    %dma_start3A_607 = arith.constant 4 : i32
    %dma_start3A_608 = arith.constant 0 : i32
    %dma_start3A_609 = arith.constant 0 : i32
    %dma_start3A_610 = tpu.memref_slice %arg6[%dma_start3A_607, %dma_start3A_608, %dma_start3A_609] : memref<6x125x128xf32, #tpu.memory_space<vmem>> -> memref<1x125x128xf32, #tpu.memory_space<vmem>>
    %dma_start3A_611 = tpu.memref_squeeze %dma_start3A_610 : memref<1x125x128xf32, #tpu.memory_space<vmem>> -> memref<125x128xf32, #tpu.memory_space<vmem>>
    %dma_start3A_612 = arith.constant 0 : i32
    %dma_start3A_613 = tpu.memref_slice %arg4[%add3A_606, %dma_start3A_612] : memref<100000x128xf32, #tpu.memory_space<hbm>> -> memref<125x128xf32, #tpu.memory_space<hbm>>
    %dma_start3A_614 = arith.constant 0 : i32
    %dma_start3A_615 = tpu.memref_slice %arg4[%add3A_606, %dma_start3A_614] : memref<100000x128xf32, #tpu.memory_space<hbm>> -> memref<125x128xf32, #tpu.memory_space<hbm>>
    %dma_start3A_616 = arith.constant 0 : i32
    %dma_start3A_617 = arith.constant 0 : i32
    %dma_start3A_618 = tpu.memref_slice %arg6[%dma_start3A_607, %dma_start3A_616, %dma_start3A_617] : memref<6x125x128xf32, #tpu.memory_space<vmem>> -> memref<1x125x128xf32, #tpu.memory_space<vmem>>
    %dma_start3A_619 = tpu.memref_squeeze %dma_start3A_618 : memref<1x125x128xf32, #tpu.memory_space<vmem>> -> memref<125x128xf32, #tpu.memory_space<vmem>>
    tpu.enqueue_dma source(%dma_start3A_619 : memref<125x128xf32, #tpu.memory_space<vmem>>) target(%dma_start3A_615 : memref<125x128xf32, #tpu.memory_space<hbm>>) target_semaphore(%arg17 : memref<!tpu.dma_semaphore, #tpu.memory_space<semaphore_mem>>)
    %dma_wait3A_620 = arith.constant 4 : i32
    %dma_wait3A_621 = arith.constant 0 : i32
    %dma_wait3A_622 = arith.constant 0 : i32
    %dma_wait3A_623 = tpu.memref_slice %arg6[%dma_wait3A_620, %dma_wait3A_621, %dma_wait3A_622] : memref<6x125x128xf32, #tpu.memory_space<vmem>> -> memref<1x125x128xf32, #tpu.memory_space<vmem>>
    %dma_wait3A_624 = tpu.memref_squeeze %dma_wait3A_623 : memref<1x125x128xf32, #tpu.memory_space<vmem>> -> memref<125x128xf32, #tpu.memory_space<vmem>>
    %dma_wait3A_625 = arith.constant 0 : i32
    %dma_wait3A_626 = tpu.memref_slice %arg4[%add3A_606, %dma_wait3A_625] : memref<100000x128xf32, #tpu.memory_space<hbm>> -> memref<125x128xf32, #tpu.memory_space<hbm>>
    %dma_wait3A_627 = arith.constant 0 : i32
    %dma_wait3A_628 = tpu.memref_slice %arg4[%add3A_606, %dma_wait3A_627] : memref<100000x128xf32, #tpu.memory_space<hbm>> -> memref<125x128xf32, #tpu.memory_space<hbm>>
    %dma_wait3A_629 = arith.constant 0 : i32
    %dma_wait3A_630 = arith.constant 0 : i32
    %dma_wait3A_631 = tpu.memref_slice %arg6[%dma_wait3A_620, %dma_wait3A_629, %dma_wait3A_630] : memref<6x125x128xf32, #tpu.memory_space<vmem>> -> memref<1x125x128xf32, #tpu.memory_space<vmem>>
    %dma_wait3A_632 = tpu.memref_squeeze %dma_wait3A_631 : memref<1x125x128xf32, #tpu.memory_space<vmem>> -> memref<125x128xf32, #tpu.memory_space<vmem>>
    tpu.wait_dma2 semaphore(%arg17 : memref<!tpu.dma_semaphore, #tpu.memory_space<semaphore_mem>>) src(%dma_wait3A_632 : memref<125x128xf32, #tpu.memory_space<vmem>>) dst(%dma_wait3A_628 : memref<125x128xf32, #tpu.memory_space<hbm>>)
    %dma_start3A_633 = arith.constant 16 : i32
    %dma_start3A_634 = arith.constant 4 : i32
    %dma_start3A_635 = arith.constant 0 : i32
    %dma_start3A_636 = arith.constant 0 : i32
    %dma_start3A_637 = tpu.memref_slice %arg6[%dma_start3A_634, %dma_start3A_635, %dma_start3A_636] : memref<6x125x128xf32, #tpu.memory_space<vmem>> -> memref<1x125x128xf32, #tpu.memory_space<vmem>>
    %dma_start3A_638 = tpu.memref_squeeze %dma_start3A_637 : memref<1x125x128xf32, #tpu.memory_space<vmem>> -> memref<125x128xf32, #tpu.memory_space<vmem>>
    %dma_start3A_639 = arith.constant 0 : i32
    %dma_start3A_640 = tpu.memref_slice %arg5[%dma_start3A_633, %dma_start3A_639] : memref<25x125xi32, #tpu.memory_space<vmem>> -> memref<1x125xi32, #tpu.memory_space<vmem>>
    %dma_start3A_641 = tpu.memref_squeeze %dma_start3A_640 : memref<1x125xi32, #tpu.memory_space<vmem>> -> memref<125xi32, #tpu.memory_space<vmem>>
    %dma_start3A_642 = arith.constant 0 : i32
    %dma_start3A_643 = arith.constant 0 : i32
    %dma_start3A_644 = tpu.memref_slice %arg3[%dma_start3A_642, %dma_start3A_643] : memref<100000x128xf32, #tpu.memory_space<hbm>> -> memref<100000x128xf32, #tpu.memory_space<hbm>>
    tpu.enqueue_indirect_dma source(%dma_start3A_644 : memref<100000x128xf32, #tpu.memory_space<hbm>>) target(%dma_start3A_638 : memref<125x128xf32, #tpu.memory_space<vmem>>) offsets(%dma_start3A_641 : memref<125xi32, #tpu.memory_space<vmem>>) semaphore(%arg11 : memref<!tpu.dma_semaphore, #tpu.memory_space<semaphore_mem>>)
    %dma_wait3A_645 = arith.constant 11 : i32
    %dma_wait3A_646 = arith.constant 5 : i32
    %dma_wait3A_647 = arith.constant 0 : i32
    %dma_wait3A_648 = arith.constant 0 : i32
    %dma_wait3A_649 = tpu.memref_slice %arg6[%dma_wait3A_646, %dma_wait3A_647, %dma_wait3A_648] : memref<6x125x128xf32, #tpu.memory_space<vmem>> -> memref<1x125x128xf32, #tpu.memory_space<vmem>>
    %dma_wait3A_650 = tpu.memref_squeeze %dma_wait3A_649 : memref<1x125x128xf32, #tpu.memory_space<vmem>> -> memref<125x128xf32, #tpu.memory_space<vmem>>
    %dma_wait3A_651 = arith.constant 0 : i32
    %dma_wait3A_652 = tpu.memref_slice %arg5[%dma_wait3A_645, %dma_wait3A_651] : memref<25x125xi32, #tpu.memory_space<vmem>> -> memref<1x125xi32, #tpu.memory_space<vmem>>
    %dma_wait3A_653 = tpu.memref_squeeze %dma_wait3A_652 : memref<1x125xi32, #tpu.memory_space<vmem>> -> memref<125xi32, #tpu.memory_space<vmem>>
    %dma_wait3A_654 = arith.constant 0 : i32
    %dma_wait3A_655 = arith.constant 0 : i32
    %dma_wait3A_656 = tpu.memref_slice %arg3[%dma_wait3A_654, %dma_wait3A_655] : memref<100000x128xf32, #tpu.memory_space<hbm>> -> memref<100000x128xf32, #tpu.memory_space<hbm>>
    tpu.wait_indirect_dma semaphore(%arg12 : memref<!tpu.dma_semaphore, #tpu.memory_space<semaphore_mem>>) src(%dma_wait3A_656 : memref<100000x128xf32, #tpu.memory_space<hbm>>) dst(%dma_wait3A_650 : memref<125x128xf32, #tpu.memory_space<vmem>>)
    %add3A_657 = arith.constant 1375 : i32
    %add3A_658 = arith.addi %mul3A_2, %add3A_657 : i32
    %dma_start3A_659 = arith.constant 5 : i32
    %dma_start3A_660 = arith.constant 0 : i32
    %dma_start3A_661 = arith.constant 0 : i32
    %dma_start3A_662 = tpu.memref_slice %arg6[%dma_start3A_659, %dma_start3A_660, %dma_start3A_661] : memref<6x125x128xf32, #tpu.memory_space<vmem>> -> memref<1x125x128xf32, #tpu.memory_space<vmem>>
    %dma_start3A_663 = tpu.memref_squeeze %dma_start3A_662 : memref<1x125x128xf32, #tpu.memory_space<vmem>> -> memref<125x128xf32, #tpu.memory_space<vmem>>
    %dma_start3A_664 = arith.constant 0 : i32
    %dma_start3A_665 = tpu.memref_slice %arg4[%add3A_658, %dma_start3A_664] : memref<100000x128xf32, #tpu.memory_space<hbm>> -> memref<125x128xf32, #tpu.memory_space<hbm>>
    %dma_start3A_666 = arith.constant 0 : i32
    %dma_start3A_667 = tpu.memref_slice %arg4[%add3A_658, %dma_start3A_666] : memref<100000x128xf32, #tpu.memory_space<hbm>> -> memref<125x128xf32, #tpu.memory_space<hbm>>
    %dma_start3A_668 = arith.constant 0 : i32
    %dma_start3A_669 = arith.constant 0 : i32
    %dma_start3A_670 = tpu.memref_slice %arg6[%dma_start3A_659, %dma_start3A_668, %dma_start3A_669] : memref<6x125x128xf32, #tpu.memory_space<vmem>> -> memref<1x125x128xf32, #tpu.memory_space<vmem>>
    %dma_start3A_671 = tpu.memref_squeeze %dma_start3A_670 : memref<1x125x128xf32, #tpu.memory_space<vmem>> -> memref<125x128xf32, #tpu.memory_space<vmem>>
    tpu.enqueue_dma source(%dma_start3A_671 : memref<125x128xf32, #tpu.memory_space<vmem>>) target(%dma_start3A_667 : memref<125x128xf32, #tpu.memory_space<hbm>>) target_semaphore(%arg18 : memref<!tpu.dma_semaphore, #tpu.memory_space<semaphore_mem>>)
    %dma_wait3A_672 = arith.constant 5 : i32
    %dma_wait3A_673 = arith.constant 0 : i32
    %dma_wait3A_674 = arith.constant 0 : i32
    %dma_wait3A_675 = tpu.memref_slice %arg6[%dma_wait3A_672, %dma_wait3A_673, %dma_wait3A_674] : memref<6x125x128xf32, #tpu.memory_space<vmem>> -> memref<1x125x128xf32, #tpu.memory_space<vmem>>
    %dma_wait3A_676 = tpu.memref_squeeze %dma_wait3A_675 : memref<1x125x128xf32, #tpu.memory_space<vmem>> -> memref<125x128xf32, #tpu.memory_space<vmem>>
    %dma_wait3A_677 = arith.constant 0 : i32
    %dma_wait3A_678 = tpu.memref_slice %arg4[%add3A_658, %dma_wait3A_677] : memref<100000x128xf32, #tpu.memory_space<hbm>> -> memref<125x128xf32, #tpu.memory_space<hbm>>
    %dma_wait3A_679 = arith.constant 0 : i32
    %dma_wait3A_680 = tpu.memref_slice %arg4[%add3A_658, %dma_wait3A_679] : memref<100000x128xf32, #tpu.memory_space<hbm>> -> memref<125x128xf32, #tpu.memory_space<hbm>>
    %dma_wait3A_681 = arith.constant 0 : i32
    %dma_wait3A_682 = arith.constant 0 : i32
    %dma_wait3A_683 = tpu.memref_slice %arg6[%dma_wait3A_672, %dma_wait3A_681, %dma_wait3A_682] : memref<6x125x128xf32, #tpu.memory_space<vmem>> -> memref<1x125x128xf32, #tpu.memory_space<vmem>>
    %dma_wait3A_684 = tpu.memref_squeeze %dma_wait3A_683 : memref<1x125x128xf32, #tpu.memory_space<vmem>> -> memref<125x128xf32, #tpu.memory_space<vmem>>
    tpu.wait_dma2 semaphore(%arg18 : memref<!tpu.dma_semaphore, #tpu.memory_space<semaphore_mem>>) src(%dma_wait3A_684 : memref<125x128xf32, #tpu.memory_space<vmem>>) dst(%dma_wait3A_680 : memref<125x128xf32, #tpu.memory_space<hbm>>)
    %dma_start3A_685 = arith.constant 17 : i32
    %dma_start3A_686 = arith.constant 5 : i32
    %dma_start3A_687 = arith.constant 0 : i32
    %dma_start3A_688 = arith.constant 0 : i32
    %dma_start3A_689 = tpu.memref_slice %arg6[%dma_start3A_686, %dma_start3A_687, %dma_start3A_688] : memref<6x125x128xf32, #tpu.memory_space<vmem>> -> memref<1x125x128xf32, #tpu.memory_space<vmem>>
    %dma_start3A_690 = tpu.memref_squeeze %dma_start3A_689 : memref<1x125x128xf32, #tpu.memory_space<vmem>> -> memref<125x128xf32, #tpu.memory_space<vmem>>
    %dma_start3A_691 = arith.constant 0 : i32
    %dma_start3A_692 = tpu.memref_slice %arg5[%dma_start3A_685, %dma_start3A_691] : memref<25x125xi32, #tpu.memory_space<vmem>> -> memref<1x125xi32, #tpu.memory_space<vmem>>
    %dma_start3A_693 = tpu.memref_squeeze %dma_start3A_692 : memref<1x125xi32, #tpu.memory_space<vmem>> -> memref<125xi32, #tpu.memory_space<vmem>>
    %dma_start3A_694 = arith.constant 0 : i32
    %dma_start3A_695 = arith.constant 0 : i32
    %dma_start3A_696 = tpu.memref_slice %arg3[%dma_start3A_694, %dma_start3A_695] : memref<100000x128xf32, #tpu.memory_space<hbm>> -> memref<100000x128xf32, #tpu.memory_space<hbm>>
    tpu.enqueue_indirect_dma source(%dma_start3A_696 : memref<100000x128xf32, #tpu.memory_space<hbm>>) target(%dma_start3A_690 : memref<125x128xf32, #tpu.memory_space<vmem>>) offsets(%dma_start3A_693 : memref<125xi32, #tpu.memory_space<vmem>>) semaphore(%arg12 : memref<!tpu.dma_semaphore, #tpu.memory_space<semaphore_mem>>)
    %dma_wait3A_697 = arith.constant 12 : i32
    %dma_wait3A_698 = arith.constant 0 : i32
    %dma_wait3A_699 = arith.constant 0 : i32
    %dma_wait3A_700 = arith.constant 0 : i32
    %dma_wait3A_701 = tpu.memref_slice %arg6[%dma_wait3A_698, %dma_wait3A_699, %dma_wait3A_700] : memref<6x125x128xf32, #tpu.memory_space<vmem>> -> memref<1x125x128xf32, #tpu.memory_space<vmem>>
    %dma_wait3A_702 = tpu.memref_squeeze %dma_wait3A_701 : memref<1x125x128xf32, #tpu.memory_space<vmem>> -> memref<125x128xf32, #tpu.memory_space<vmem>>
    %dma_wait3A_703 = arith.constant 0 : i32
    %dma_wait3A_704 = tpu.memref_slice %arg5[%dma_wait3A_697, %dma_wait3A_703] : memref<25x125xi32, #tpu.memory_space<vmem>> -> memref<1x125xi32, #tpu.memory_space<vmem>>
    %dma_wait3A_705 = tpu.memref_squeeze %dma_wait3A_704 : memref<1x125xi32, #tpu.memory_space<vmem>> -> memref<125xi32, #tpu.memory_space<vmem>>
    %dma_wait3A_706 = arith.constant 0 : i32
    %dma_wait3A_707 = arith.constant 0 : i32
    %dma_wait3A_708 = tpu.memref_slice %arg3[%dma_wait3A_706, %dma_wait3A_707] : memref<100000x128xf32, #tpu.memory_space<hbm>> -> memref<100000x128xf32, #tpu.memory_space<hbm>>
    tpu.wait_indirect_dma semaphore(%arg7 : memref<!tpu.dma_semaphore, #tpu.memory_space<semaphore_mem>>) src(%dma_wait3A_708 : memref<100000x128xf32, #tpu.memory_space<hbm>>) dst(%dma_wait3A_702 : memref<125x128xf32, #tpu.memory_space<vmem>>)
    %add3A_709 = arith.constant 1500 : i32
    %add3A_710 = arith.addi %mul3A_2, %add3A_709 : i32
    %dma_start3A_711 = arith.constant 0 : i32
    %dma_start3A_712 = arith.constant 0 : i32
    %dma_start3A_713 = arith.constant 0 : i32
    %dma_start3A_714 = tpu.memref_slice %arg6[%dma_start3A_711, %dma_start3A_712, %dma_start3A_713] : memref<6x125x128xf32, #tpu.memory_space<vmem>> -> memref<1x125x128xf32, #tpu.memory_space<vmem>>
    %dma_start3A_715 = tpu.memref_squeeze %dma_start3A_714 : memref<1x125x128xf32, #tpu.memory_space<vmem>> -> memref<125x128xf32, #tpu.memory_space<vmem>>
    %dma_start3A_716 = arith.constant 0 : i32
    %dma_start3A_717 = tpu.memref_slice %arg4[%add3A_710, %dma_start3A_716] : memref<100000x128xf32, #tpu.memory_space<hbm>> -> memref<125x128xf32, #tpu.memory_space<hbm>>
    %dma_start3A_718 = arith.constant 0 : i32
    %dma_start3A_719 = tpu.memref_slice %arg4[%add3A_710, %dma_start3A_718] : memref<100000x128xf32, #tpu.memory_space<hbm>> -> memref<125x128xf32, #tpu.memory_space<hbm>>
    %dma_start3A_720 = arith.constant 0 : i32
    %dma_start3A_721 = arith.constant 0 : i32
    %dma_start3A_722 = tpu.memref_slice %arg6[%dma_start3A_711, %dma_start3A_720, %dma_start3A_721] : memref<6x125x128xf32, #tpu.memory_space<vmem>> -> memref<1x125x128xf32, #tpu.memory_space<vmem>>
    %dma_start3A_723 = tpu.memref_squeeze %dma_start3A_722 : memref<1x125x128xf32, #tpu.memory_space<vmem>> -> memref<125x128xf32, #tpu.memory_space<vmem>>
    tpu.enqueue_dma source(%dma_start3A_723 : memref<125x128xf32, #tpu.memory_space<vmem>>) target(%dma_start3A_719 : memref<125x128xf32, #tpu.memory_space<hbm>>) target_semaphore(%arg13 : memref<!tpu.dma_semaphore, #tpu.memory_space<semaphore_mem>>)
    %dma_wait3A_724 = arith.constant 0 : i32
    %dma_wait3A_725 = arith.constant 0 : i32
    %dma_wait3A_726 = arith.constant 0 : i32
    %dma_wait3A_727 = tpu.memref_slice %arg6[%dma_wait3A_724, %dma_wait3A_725, %dma_wait3A_726] : memref<6x125x128xf32, #tpu.memory_space<vmem>> -> memref<1x125x128xf32, #tpu.memory_space<vmem>>
    %dma_wait3A_728 = tpu.memref_squeeze %dma_wait3A_727 : memref<1x125x128xf32, #tpu.memory_space<vmem>> -> memref<125x128xf32, #tpu.memory_space<vmem>>
    %dma_wait3A_729 = arith.constant 0 : i32
    %dma_wait3A_730 = tpu.memref_slice %arg4[%add3A_710, %dma_wait3A_729] : memref<100000x128xf32, #tpu.memory_space<hbm>> -> memref<125x128xf32, #tpu.memory_space<hbm>>
    %dma_wait3A_731 = arith.constant 0 : i32
    %dma_wait3A_732 = tpu.memref_slice %arg4[%add3A_710, %dma_wait3A_731] : memref<100000x128xf32, #tpu.memory_space<hbm>> -> memref<125x128xf32, #tpu.memory_space<hbm>>
    %dma_wait3A_733 = arith.constant 0 : i32
    %dma_wait3A_734 = arith.constant 0 : i32
    %dma_wait3A_735 = tpu.memref_slice %arg6[%dma_wait3A_724, %dma_wait3A_733, %dma_wait3A_734] : memref<6x125x128xf32, #tpu.memory_space<vmem>> -> memref<1x125x128xf32, #tpu.memory_space<vmem>>
    %dma_wait3A_736 = tpu.memref_squeeze %dma_wait3A_735 : memref<1x125x128xf32, #tpu.memory_space<vmem>> -> memref<125x128xf32, #tpu.memory_space<vmem>>
    tpu.wait_dma2 semaphore(%arg13 : memref<!tpu.dma_semaphore, #tpu.memory_space<semaphore_mem>>) src(%dma_wait3A_736 : memref<125x128xf32, #tpu.memory_space<vmem>>) dst(%dma_wait3A_732 : memref<125x128xf32, #tpu.memory_space<hbm>>)
    %dma_start3A_737 = arith.constant 18 : i32
    %dma_start3A_738 = arith.constant 0 : i32
    %dma_start3A_739 = arith.constant 0 : i32
    %dma_start3A_740 = arith.constant 0 : i32
    %dma_start3A_741 = tpu.memref_slice %arg6[%dma_start3A_738, %dma_start3A_739, %dma_start3A_740] : memref<6x125x128xf32, #tpu.memory_space<vmem>> -> memref<1x125x128xf32, #tpu.memory_space<vmem>>
    %dma_start3A_742 = tpu.memref_squeeze %dma_start3A_741 : memref<1x125x128xf32, #tpu.memory_space<vmem>> -> memref<125x128xf32, #tpu.memory_space<vmem>>
    %dma_start3A_743 = arith.constant 0 : i32
    %dma_start3A_744 = tpu.memref_slice %arg5[%dma_start3A_737, %dma_start3A_743] : memref<25x125xi32, #tpu.memory_space<vmem>> -> memref<1x125xi32, #tpu.memory_space<vmem>>
    %dma_start3A_745 = tpu.memref_squeeze %dma_start3A_744 : memref<1x125xi32, #tpu.memory_space<vmem>> -> memref<125xi32, #tpu.memory_space<vmem>>
    %dma_start3A_746 = arith.constant 0 : i32
    %dma_start3A_747 = arith.constant 0 : i32
    %dma_start3A_748 = tpu.memref_slice %arg3[%dma_start3A_746, %dma_start3A_747] : memref<100000x128xf32, #tpu.memory_space<hbm>> -> memref<100000x128xf32, #tpu.memory_space<hbm>>
    tpu.enqueue_indirect_dma source(%dma_start3A_748 : memref<100000x128xf32, #tpu.memory_space<hbm>>) target(%dma_start3A_742 : memref<125x128xf32, #tpu.memory_space<vmem>>) offsets(%dma_start3A_745 : memref<125xi32, #tpu.memory_space<vmem>>) semaphore(%arg7 : memref<!tpu.dma_semaphore, #tpu.memory_space<semaphore_mem>>)
    %dma_wait3A_749 = arith.constant 13 : i32
    %dma_wait3A_750 = arith.constant 1 : i32
    %dma_wait3A_751 = arith.constant 0 : i32
    %dma_wait3A_752 = arith.constant 0 : i32
    %dma_wait3A_753 = tpu.memref_slice %arg6[%dma_wait3A_750, %dma_wait3A_751, %dma_wait3A_752] : memref<6x125x128xf32, #tpu.memory_space<vmem>> -> memref<1x125x128xf32, #tpu.memory_space<vmem>>
    %dma_wait3A_754 = tpu.memref_squeeze %dma_wait3A_753 : memref<1x125x128xf32, #tpu.memory_space<vmem>> -> memref<125x128xf32, #tpu.memory_space<vmem>>
    %dma_wait3A_755 = arith.constant 0 : i32
    %dma_wait3A_756 = tpu.memref_slice %arg5[%dma_wait3A_749, %dma_wait3A_755] : memref<25x125xi32, #tpu.memory_space<vmem>> -> memref<1x125xi32, #tpu.memory_space<vmem>>
    %dma_wait3A_757 = tpu.memref_squeeze %dma_wait3A_756 : memref<1x125xi32, #tpu.memory_space<vmem>> -> memref<125xi32, #tpu.memory_space<vmem>>
    %dma_wait3A_758 = arith.constant 0 : i32
    %dma_wait3A_759 = arith.constant 0 : i32
    %dma_wait3A_760 = tpu.memref_slice %arg3[%dma_wait3A_758, %dma_wait3A_759] : memref<100000x128xf32, #tpu.memory_space<hbm>> -> memref<100000x128xf32, #tpu.memory_space<hbm>>
    tpu.wait_indirect_dma semaphore(%arg8 : memref<!tpu.dma_semaphore, #tpu.memory_space<semaphore_mem>>) src(%dma_wait3A_760 : memref<100000x128xf32, #tpu.memory_space<hbm>>) dst(%dma_wait3A_754 : memref<125x128xf32, #tpu.memory_space<vmem>>)
    %add3A_761 = arith.constant 1625 : i32
    %add3A_762 = arith.addi %mul3A_2, %add3A_761 : i32
    %dma_start3A_763 = arith.constant 1 : i32
    %dma_start3A_764 = arith.constant 0 : i32
    %dma_start3A_765 = arith.constant 0 : i32
    %dma_start3A_766 = tpu.memref_slice %arg6[%dma_start3A_763, %dma_start3A_764, %dma_start3A_765] : memref<6x125x128xf32, #tpu.memory_space<vmem>> -> memref<1x125x128xf32, #tpu.memory_space<vmem>>
    %dma_start3A_767 = tpu.memref_squeeze %dma_start3A_766 : memref<1x125x128xf32, #tpu.memory_space<vmem>> -> memref<125x128xf32, #tpu.memory_space<vmem>>
    %dma_start3A_768 = arith.constant 0 : i32
    %dma_start3A_769 = tpu.memref_slice %arg4[%add3A_762, %dma_start3A_768] : memref<100000x128xf32, #tpu.memory_space<hbm>> -> memref<125x128xf32, #tpu.memory_space<hbm>>
    %dma_start3A_770 = arith.constant 0 : i32
    %dma_start3A_771 = tpu.memref_slice %arg4[%add3A_762, %dma_start3A_770] : memref<100000x128xf32, #tpu.memory_space<hbm>> -> memref<125x128xf32, #tpu.memory_space<hbm>>
    %dma_start3A_772 = arith.constant 0 : i32
    %dma_start3A_773 = arith.constant 0 : i32
    %dma_start3A_774 = tpu.memref_slice %arg6[%dma_start3A_763, %dma_start3A_772, %dma_start3A_773] : memref<6x125x128xf32, #tpu.memory_space<vmem>> -> memref<1x125x128xf32, #tpu.memory_space<vmem>>
    %dma_start3A_775 = tpu.memref_squeeze %dma_start3A_774 : memref<1x125x128xf32, #tpu.memory_space<vmem>> -> memref<125x128xf32, #tpu.memory_space<vmem>>
    tpu.enqueue_dma source(%dma_start3A_775 : memref<125x128xf32, #tpu.memory_space<vmem>>) target(%dma_start3A_771 : memref<125x128xf32, #tpu.memory_space<hbm>>) target_semaphore(%arg14 : memref<!tpu.dma_semaphore, #tpu.memory_space<semaphore_mem>>)
    %dma_wait3A_776 = arith.constant 1 : i32
    %dma_wait3A_777 = arith.constant 0 : i32
    %dma_wait3A_778 = arith.constant 0 : i32
    %dma_wait3A_779 = tpu.memref_slice %arg6[%dma_wait3A_776, %dma_wait3A_777, %dma_wait3A_778] : memref<6x125x128xf32, #tpu.memory_space<vmem>> -> memref<1x125x128xf32, #tpu.memory_space<vmem>>
    %dma_wait3A_780 = tpu.memref_squeeze %dma_wait3A_779 : memref<1x125x128xf32, #tpu.memory_space<vmem>> -> memref<125x128xf32, #tpu.memory_space<vmem>>
    %dma_wait3A_781 = arith.constant 0 : i32
    %dma_wait3A_782 = tpu.memref_slice %arg4[%add3A_762, %dma_wait3A_781] : memref<100000x128xf32, #tpu.memory_space<hbm>> -> memref<125x128xf32, #tpu.memory_space<hbm>>
    %dma_wait3A_783 = arith.constant 0 : i32
    %dma_wait3A_784 = tpu.memref_slice %arg4[%add3A_762, %dma_wait3A_783] : memref<100000x128xf32, #tpu.memory_space<hbm>> -> memref<125x128xf32, #tpu.memory_space<hbm>>
    %dma_wait3A_785 = arith.constant 0 : i32
    %dma_wait3A_786 = arith.constant 0 : i32
    %dma_wait3A_787 = tpu.memref_slice %arg6[%dma_wait3A_776, %dma_wait3A_785, %dma_wait3A_786] : memref<6x125x128xf32, #tpu.memory_space<vmem>> -> memref<1x125x128xf32, #tpu.memory_space<vmem>>
    %dma_wait3A_788 = tpu.memref_squeeze %dma_wait3A_787 : memref<1x125x128xf32, #tpu.memory_space<vmem>> -> memref<125x128xf32, #tpu.memory_space<vmem>>
    tpu.wait_dma2 semaphore(%arg14 : memref<!tpu.dma_semaphore, #tpu.memory_space<semaphore_mem>>) src(%dma_wait3A_788 : memref<125x128xf32, #tpu.memory_space<vmem>>) dst(%dma_wait3A_784 : memref<125x128xf32, #tpu.memory_space<hbm>>)
    %dma_start3A_789 = arith.constant 19 : i32
    %dma_start3A_790 = arith.constant 1 : i32
    %dma_start3A_791 = arith.constant 0 : i32
    %dma_start3A_792 = arith.constant 0 : i32
    %dma_start3A_793 = tpu.memref_slice %arg6[%dma_start3A_790, %dma_start3A_791, %dma_start3A_792] : memref<6x125x128xf32, #tpu.memory_space<vmem>> -> memref<1x125x128xf32, #tpu.memory_space<vmem>>
    %dma_start3A_794 = tpu.memref_squeeze %dma_start3A_793 : memref<1x125x128xf32, #tpu.memory_space<vmem>> -> memref<125x128xf32, #tpu.memory_space<vmem>>
    %dma_start3A_795 = arith.constant 0 : i32
    %dma_start3A_796 = tpu.memref_slice %arg5[%dma_start3A_789, %dma_start3A_795] : memref<25x125xi32, #tpu.memory_space<vmem>> -> memref<1x125xi32, #tpu.memory_space<vmem>>
    %dma_start3A_797 = tpu.memref_squeeze %dma_start3A_796 : memref<1x125xi32, #tpu.memory_space<vmem>> -> memref<125xi32, #tpu.memory_space<vmem>>
    %dma_start3A_798 = arith.constant 0 : i32
    %dma_start3A_799 = arith.constant 0 : i32
    %dma_start3A_800 = tpu.memref_slice %arg3[%dma_start3A_798, %dma_start3A_799] : memref<100000x128xf32, #tpu.memory_space<hbm>> -> memref<100000x128xf32, #tpu.memory_space<hbm>>
    tpu.enqueue_indirect_dma source(%dma_start3A_800 : memref<100000x128xf32, #tpu.memory_space<hbm>>) target(%dma_start3A_794 : memref<125x128xf32, #tpu.memory_space<vmem>>) offsets(%dma_start3A_797 : memref<125xi32, #tpu.memory_space<vmem>>) semaphore(%arg8 : memref<!tpu.dma_semaphore, #tpu.memory_space<semaphore_mem>>)
    %dma_wait3A_801 = arith.constant 14 : i32
    %dma_wait3A_802 = arith.constant 2 : i32
    %dma_wait3A_803 = arith.constant 0 : i32
    %dma_wait3A_804 = arith.constant 0 : i32
    %dma_wait3A_805 = tpu.memref_slice %arg6[%dma_wait3A_802, %dma_wait3A_803, %dma_wait3A_804] : memref<6x125x128xf32, #tpu.memory_space<vmem>> -> memref<1x125x128xf32, #tpu.memory_space<vmem>>
    %dma_wait3A_806 = tpu.memref_squeeze %dma_wait3A_805 : memref<1x125x128xf32, #tpu.memory_space<vmem>> -> memref<125x128xf32, #tpu.memory_space<vmem>>
    %dma_wait3A_807 = arith.constant 0 : i32
    %dma_wait3A_808 = tpu.memref_slice %arg5[%dma_wait3A_801, %dma_wait3A_807] : memref<25x125xi32, #tpu.memory_space<vmem>> -> memref<1x125xi32, #tpu.memory_space<vmem>>
    %dma_wait3A_809 = tpu.memref_squeeze %dma_wait3A_808 : memref<1x125xi32, #tpu.memory_space<vmem>> -> memref<125xi32, #tpu.memory_space<vmem>>
    %dma_wait3A_810 = arith.constant 0 : i32
    %dma_wait3A_811 = arith.constant 0 : i32
    %dma_wait3A_812 = tpu.memref_slice %arg3[%dma_wait3A_810, %dma_wait3A_811] : memref<100000x128xf32, #tpu.memory_space<hbm>> -> memref<100000x128xf32, #tpu.memory_space<hbm>>
    tpu.wait_indirect_dma semaphore(%arg9 : memref<!tpu.dma_semaphore, #tpu.memory_space<semaphore_mem>>) src(%dma_wait3A_812 : memref<100000x128xf32, #tpu.memory_space<hbm>>) dst(%dma_wait3A_806 : memref<125x128xf32, #tpu.memory_space<vmem>>)
    %add3A_813 = arith.constant 1750 : i32
    %add3A_814 = arith.addi %mul3A_2, %add3A_813 : i32
    %dma_start3A_815 = arith.constant 2 : i32
    %dma_start3A_816 = arith.constant 0 : i32
    %dma_start3A_817 = arith.constant 0 : i32
    %dma_start3A_818 = tpu.memref_slice %arg6[%dma_start3A_815, %dma_start3A_816, %dma_start3A_817] : memref<6x125x128xf32, #tpu.memory_space<vmem>> -> memref<1x125x128xf32, #tpu.memory_space<vmem>>
    %dma_start3A_819 = tpu.memref_squeeze %dma_start3A_818 : memref<1x125x128xf32, #tpu.memory_space<vmem>> -> memref<125x128xf32, #tpu.memory_space<vmem>>
    %dma_start3A_820 = arith.constant 0 : i32
    %dma_start3A_821 = tpu.memref_slice %arg4[%add3A_814, %dma_start3A_820] : memref<100000x128xf32, #tpu.memory_space<hbm>> -> memref<125x128xf32, #tpu.memory_space<hbm>>
    %dma_start3A_822 = arith.constant 0 : i32
    %dma_start3A_823 = tpu.memref_slice %arg4[%add3A_814, %dma_start3A_822] : memref<100000x128xf32, #tpu.memory_space<hbm>> -> memref<125x128xf32, #tpu.memory_space<hbm>>
    %dma_start3A_824 = arith.constant 0 : i32
    %dma_start3A_825 = arith.constant 0 : i32
    %dma_start3A_826 = tpu.memref_slice %arg6[%dma_start3A_815, %dma_start3A_824, %dma_start3A_825] : memref<6x125x128xf32, #tpu.memory_space<vmem>> -> memref<1x125x128xf32, #tpu.memory_space<vmem>>
    %dma_start3A_827 = tpu.memref_squeeze %dma_start3A_826 : memref<1x125x128xf32, #tpu.memory_space<vmem>> -> memref<125x128xf32, #tpu.memory_space<vmem>>
    tpu.enqueue_dma source(%dma_start3A_827 : memref<125x128xf32, #tpu.memory_space<vmem>>) target(%dma_start3A_823 : memref<125x128xf32, #tpu.memory_space<hbm>>) target_semaphore(%arg15 : memref<!tpu.dma_semaphore, #tpu.memory_space<semaphore_mem>>)
    %dma_wait3A_828 = arith.constant 2 : i32
    %dma_wait3A_829 = arith.constant 0 : i32
    %dma_wait3A_830 = arith.constant 0 : i32
    %dma_wait3A_831 = tpu.memref_slice %arg6[%dma_wait3A_828, %dma_wait3A_829, %dma_wait3A_830] : memref<6x125x128xf32, #tpu.memory_space<vmem>> -> memref<1x125x128xf32, #tpu.memory_space<vmem>>
    %dma_wait3A_832 = tpu.memref_squeeze %dma_wait3A_831 : memref<1x125x128xf32, #tpu.memory_space<vmem>> -> memref<125x128xf32, #tpu.memory_space<vmem>>
    %dma_wait3A_833 = arith.constant 0 : i32
    %dma_wait3A_834 = tpu.memref_slice %arg4[%add3A_814, %dma_wait3A_833] : memref<100000x128xf32, #tpu.memory_space<hbm>> -> memref<125x128xf32, #tpu.memory_space<hbm>>
    %dma_wait3A_835 = arith.constant 0 : i32
    %dma_wait3A_836 = tpu.memref_slice %arg4[%add3A_814, %dma_wait3A_835] : memref<100000x128xf32, #tpu.memory_space<hbm>> -> memref<125x128xf32, #tpu.memory_space<hbm>>
    %dma_wait3A_837 = arith.constant 0 : i32
    %dma_wait3A_838 = arith.constant 0 : i32
    %dma_wait3A_839 = tpu.memref_slice %arg6[%dma_wait3A_828, %dma_wait3A_837, %dma_wait3A_838] : memref<6x125x128xf32, #tpu.memory_space<vmem>> -> memref<1x125x128xf32, #tpu.memory_space<vmem>>
    %dma_wait3A_840 = tpu.memref_squeeze %dma_wait3A_839 : memref<1x125x128xf32, #tpu.memory_space<vmem>> -> memref<125x128xf32, #tpu.memory_space<vmem>>
    tpu.wait_dma2 semaphore(%arg15 : memref<!tpu.dma_semaphore, #tpu.memory_space<semaphore_mem>>) src(%dma_wait3A_840 : memref<125x128xf32, #tpu.memory_space<vmem>>) dst(%dma_wait3A_836 : memref<125x128xf32, #tpu.memory_space<hbm>>)
    %dma_start3A_841 = arith.constant 20 : i32
    %dma_start3A_842 = arith.constant 2 : i32
    %dma_start3A_843 = arith.constant 0 : i32
    %dma_start3A_844 = arith.constant 0 : i32
    %dma_start3A_845 = tpu.memref_slice %arg6[%dma_start3A_842, %dma_start3A_843, %dma_start3A_844] : memref<6x125x128xf32, #tpu.memory_space<vmem>> -> memref<1x125x128xf32, #tpu.memory_space<vmem>>
    %dma_start3A_846 = tpu.memref_squeeze %dma_start3A_845 : memref<1x125x128xf32, #tpu.memory_space<vmem>> -> memref<125x128xf32, #tpu.memory_space<vmem>>
    %dma_start3A_847 = arith.constant 0 : i32
    %dma_start3A_848 = tpu.memref_slice %arg5[%dma_start3A_841, %dma_start3A_847] : memref<25x125xi32, #tpu.memory_space<vmem>> -> memref<1x125xi32, #tpu.memory_space<vmem>>
    %dma_start3A_849 = tpu.memref_squeeze %dma_start3A_848 : memref<1x125xi32, #tpu.memory_space<vmem>> -> memref<125xi32, #tpu.memory_space<vmem>>
    %dma_start3A_850 = arith.constant 0 : i32
    %dma_start3A_851 = arith.constant 0 : i32
    %dma_start3A_852 = tpu.memref_slice %arg3[%dma_start3A_850, %dma_start3A_851] : memref<100000x128xf32, #tpu.memory_space<hbm>> -> memref<100000x128xf32, #tpu.memory_space<hbm>>
    tpu.enqueue_indirect_dma source(%dma_start3A_852 : memref<100000x128xf32, #tpu.memory_space<hbm>>) target(%dma_start3A_846 : memref<125x128xf32, #tpu.memory_space<vmem>>) offsets(%dma_start3A_849 : memref<125xi32, #tpu.memory_space<vmem>>) semaphore(%arg9 : memref<!tpu.dma_semaphore, #tpu.memory_space<semaphore_mem>>)
    %dma_wait3A_853 = arith.constant 15 : i32
    %dma_wait3A_854 = arith.constant 3 : i32
    %dma_wait3A_855 = arith.constant 0 : i32
    %dma_wait3A_856 = arith.constant 0 : i32
    %dma_wait3A_857 = tpu.memref_slice %arg6[%dma_wait3A_854, %dma_wait3A_855, %dma_wait3A_856] : memref<6x125x128xf32, #tpu.memory_space<vmem>> -> memref<1x125x128xf32, #tpu.memory_space<vmem>>
    %dma_wait3A_858 = tpu.memref_squeeze %dma_wait3A_857 : memref<1x125x128xf32, #tpu.memory_space<vmem>> -> memref<125x128xf32, #tpu.memory_space<vmem>>
    %dma_wait3A_859 = arith.constant 0 : i32
    %dma_wait3A_860 = tpu.memref_slice %arg5[%dma_wait3A_853, %dma_wait3A_859] : memref<25x125xi32, #tpu.memory_space<vmem>> -> memref<1x125xi32, #tpu.memory_space<vmem>>
    %dma_wait3A_861 = tpu.memref_squeeze %dma_wait3A_860 : memref<1x125xi32, #tpu.memory_space<vmem>> -> memref<125xi32, #tpu.memory_space<vmem>>
    %dma_wait3A_862 = arith.constant 0 : i32
    %dma_wait3A_863 = arith.constant 0 : i32
    %dma_wait3A_864 = tpu.memref_slice %arg3[%dma_wait3A_862, %dma_wait3A_863] : memref<100000x128xf32, #tpu.memory_space<hbm>> -> memref<100000x128xf32, #tpu.memory_space<hbm>>
    tpu.wait_indirect_dma semaphore(%arg10 : memref<!tpu.dma_semaphore, #tpu.memory_space<semaphore_mem>>) src(%dma_wait3A_864 : memref<100000x128xf32, #tpu.memory_space<hbm>>) dst(%dma_wait3A_858 : memref<125x128xf32, #tpu.memory_space<vmem>>)
    %add3A_865 = arith.constant 1875 : i32
    %add3A_866 = arith.addi %mul3A_2, %add3A_865 : i32
    %dma_start3A_867 = arith.constant 3 : i32
    %dma_start3A_868 = arith.constant 0 : i32
    %dma_start3A_869 = arith.constant 0 : i32
    %dma_start3A_870 = tpu.memref_slice %arg6[%dma_start3A_867, %dma_start3A_868, %dma_start3A_869] : memref<6x125x128xf32, #tpu.memory_space<vmem>> -> memref<1x125x128xf32, #tpu.memory_space<vmem>>
    %dma_start3A_871 = tpu.memref_squeeze %dma_start3A_870 : memref<1x125x128xf32, #tpu.memory_space<vmem>> -> memref<125x128xf32, #tpu.memory_space<vmem>>
    %dma_start3A_872 = arith.constant 0 : i32
    %dma_start3A_873 = tpu.memref_slice %arg4[%add3A_866, %dma_start3A_872] : memref<100000x128xf32, #tpu.memory_space<hbm>> -> memref<125x128xf32, #tpu.memory_space<hbm>>
    %dma_start3A_874 = arith.constant 0 : i32
    %dma_start3A_875 = tpu.memref_slice %arg4[%add3A_866, %dma_start3A_874] : memref<100000x128xf32, #tpu.memory_space<hbm>> -> memref<125x128xf32, #tpu.memory_space<hbm>>
    %dma_start3A_876 = arith.constant 0 : i32
    %dma_start3A_877 = arith.constant 0 : i32
    %dma_start3A_878 = tpu.memref_slice %arg6[%dma_start3A_867, %dma_start3A_876, %dma_start3A_877] : memref<6x125x128xf32, #tpu.memory_space<vmem>> -> memref<1x125x128xf32, #tpu.memory_space<vmem>>
    %dma_start3A_879 = tpu.memref_squeeze %dma_start3A_878 : memref<1x125x128xf32, #tpu.memory_space<vmem>> -> memref<125x128xf32, #tpu.memory_space<vmem>>
    tpu.enqueue_dma source(%dma_start3A_879 : memref<125x128xf32, #tpu.memory_space<vmem>>) target(%dma_start3A_875 : memref<125x128xf32, #tpu.memory_space<hbm>>) target_semaphore(%arg16 : memref<!tpu.dma_semaphore, #tpu.memory_space<semaphore_mem>>)
    %dma_wait3A_880 = arith.constant 3 : i32
    %dma_wait3A_881 = arith.constant 0 : i32
    %dma_wait3A_882 = arith.constant 0 : i32
    %dma_wait3A_883 = tpu.memref_slice %arg6[%dma_wait3A_880, %dma_wait3A_881, %dma_wait3A_882] : memref<6x125x128xf32, #tpu.memory_space<vmem>> -> memref<1x125x128xf32, #tpu.memory_space<vmem>>
    %dma_wait3A_884 = tpu.memref_squeeze %dma_wait3A_883 : memref<1x125x128xf32, #tpu.memory_space<vmem>> -> memref<125x128xf32, #tpu.memory_space<vmem>>
    %dma_wait3A_885 = arith.constant 0 : i32
    %dma_wait3A_886 = tpu.memref_slice %arg4[%add3A_866, %dma_wait3A_885] : memref<100000x128xf32, #tpu.memory_space<hbm>> -> memref<125x128xf32, #tpu.memory_space<hbm>>
    %dma_wait3A_887 = arith.constant 0 : i32
    %dma_wait3A_888 = tpu.memref_slice %arg4[%add3A_866, %dma_wait3A_887] : memref<100000x128xf32, #tpu.memory_space<hbm>> -> memref<125x128xf32, #tpu.memory_space<hbm>>
    %dma_wait3A_889 = arith.constant 0 : i32
    %dma_wait3A_890 = arith.constant 0 : i32
    %dma_wait3A_891 = tpu.memref_slice %arg6[%dma_wait3A_880, %dma_wait3A_889, %dma_wait3A_890] : memref<6x125x128xf32, #tpu.memory_space<vmem>> -> memref<1x125x128xf32, #tpu.memory_space<vmem>>
    %dma_wait3A_892 = tpu.memref_squeeze %dma_wait3A_891 : memref<1x125x128xf32, #tpu.memory_space<vmem>> -> memref<125x128xf32, #tpu.memory_space<vmem>>
    tpu.wait_dma2 semaphore(%arg16 : memref<!tpu.dma_semaphore, #tpu.memory_space<semaphore_mem>>) src(%dma_wait3A_892 : memref<125x128xf32, #tpu.memory_space<vmem>>) dst(%dma_wait3A_888 : memref<125x128xf32, #tpu.memory_space<hbm>>)
    %dma_start3A_893 = arith.constant 21 : i32
    %dma_start3A_894 = arith.constant 3 : i32
    %dma_start3A_895 = arith.constant 0 : i32
    %dma_start3A_896 = arith.constant 0 : i32
    %dma_start3A_897 = tpu.memref_slice %arg6[%dma_start3A_894, %dma_start3A_895, %dma_start3A_896] : memref<6x125x128xf32, #tpu.memory_space<vmem>> -> memref<1x125x128xf32, #tpu.memory_space<vmem>>
    %dma_start3A_898 = tpu.memref_squeeze %dma_start3A_897 : memref<1x125x128xf32, #tpu.memory_space<vmem>> -> memref<125x128xf32, #tpu.memory_space<vmem>>
    %dma_start3A_899 = arith.constant 0 : i32
    %dma_start3A_900 = tpu.memref_slice %arg5[%dma_start3A_893, %dma_start3A_899] : memref<25x125xi32, #tpu.memory_space<vmem>> -> memref<1x125xi32, #tpu.memory_space<vmem>>
    %dma_start3A_901 = tpu.memref_squeeze %dma_start3A_900 : memref<1x125xi32, #tpu.memory_space<vmem>> -> memref<125xi32, #tpu.memory_space<vmem>>
    %dma_start3A_902 = arith.constant 0 : i32
    %dma_start3A_903 = arith.constant 0 : i32
    %dma_start3A_904 = tpu.memref_slice %arg3[%dma_start3A_902, %dma_start3A_903] : memref<100000x128xf32, #tpu.memory_space<hbm>> -> memref<100000x128xf32, #tpu.memory_space<hbm>>
    tpu.enqueue_indirect_dma source(%dma_start3A_904 : memref<100000x128xf32, #tpu.memory_space<hbm>>) target(%dma_start3A_898 : memref<125x128xf32, #tpu.memory_space<vmem>>) offsets(%dma_start3A_901 : memref<125xi32, #tpu.memory_space<vmem>>) semaphore(%arg10 : memref<!tpu.dma_semaphore, #tpu.memory_space<semaphore_mem>>)
    %dma_wait3A_905 = arith.constant 16 : i32
    %dma_wait3A_906 = arith.constant 4 : i32
    %dma_wait3A_907 = arith.constant 0 : i32
    %dma_wait3A_908 = arith.constant 0 : i32
    %dma_wait3A_909 = tpu.memref_slice %arg6[%dma_wait3A_906, %dma_wait3A_907, %dma_wait3A_908] : memref<6x125x128xf32, #tpu.memory_space<vmem>> -> memref<1x125x128xf32, #tpu.memory_space<vmem>>
    %dma_wait3A_910 = tpu.memref_squeeze %dma_wait3A_909 : memref<1x125x128xf32, #tpu.memory_space<vmem>> -> memref<125x128xf32, #tpu.memory_space<vmem>>
    %dma_wait3A_911 = arith.constant 0 : i32
    %dma_wait3A_912 = tpu.memref_slice %arg5[%dma_wait3A_905, %dma_wait3A_911] : memref<25x125xi32, #tpu.memory_space<vmem>> -> memref<1x125xi32, #tpu.memory_space<vmem>>
    %dma_wait3A_913 = tpu.memref_squeeze %dma_wait3A_912 : memref<1x125xi32, #tpu.memory_space<vmem>> -> memref<125xi32, #tpu.memory_space<vmem>>
    %dma_wait3A_914 = arith.constant 0 : i32
    %dma_wait3A_915 = arith.constant 0 : i32
    %dma_wait3A_916 = tpu.memref_slice %arg3[%dma_wait3A_914, %dma_wait3A_915] : memref<100000x128xf32, #tpu.memory_space<hbm>> -> memref<100000x128xf32, #tpu.memory_space<hbm>>
    tpu.wait_indirect_dma semaphore(%arg11 : memref<!tpu.dma_semaphore, #tpu.memory_space<semaphore_mem>>) src(%dma_wait3A_916 : memref<100000x128xf32, #tpu.memory_space<hbm>>) dst(%dma_wait3A_910 : memref<125x128xf32, #tpu.memory_space<vmem>>)
    %add3A_917 = arith.constant 2000 : i32
    %add3A_918 = arith.addi %mul3A_2, %add3A_917 : i32
    %dma_start3A_919 = arith.constant 4 : i32
    %dma_start3A_920 = arith.constant 0 : i32
    %dma_start3A_921 = arith.constant 0 : i32
    %dma_start3A_922 = tpu.memref_slice %arg6[%dma_start3A_919, %dma_start3A_920, %dma_start3A_921] : memref<6x125x128xf32, #tpu.memory_space<vmem>> -> memref<1x125x128xf32, #tpu.memory_space<vmem>>
    %dma_start3A_923 = tpu.memref_squeeze %dma_start3A_922 : memref<1x125x128xf32, #tpu.memory_space<vmem>> -> memref<125x128xf32, #tpu.memory_space<vmem>>
    %dma_start3A_924 = arith.constant 0 : i32
    %dma_start3A_925 = tpu.memref_slice %arg4[%add3A_918, %dma_start3A_924] : memref<100000x128xf32, #tpu.memory_space<hbm>> -> memref<125x128xf32, #tpu.memory_space<hbm>>
    %dma_start3A_926 = arith.constant 0 : i32
    %dma_start3A_927 = tpu.memref_slice %arg4[%add3A_918, %dma_start3A_926] : memref<100000x128xf32, #tpu.memory_space<hbm>> -> memref<125x128xf32, #tpu.memory_space<hbm>>
    %dma_start3A_928 = arith.constant 0 : i32
    %dma_start3A_929 = arith.constant 0 : i32
    %dma_start3A_930 = tpu.memref_slice %arg6[%dma_start3A_919, %dma_start3A_928, %dma_start3A_929] : memref<6x125x128xf32, #tpu.memory_space<vmem>> -> memref<1x125x128xf32, #tpu.memory_space<vmem>>
    %dma_start3A_931 = tpu.memref_squeeze %dma_start3A_930 : memref<1x125x128xf32, #tpu.memory_space<vmem>> -> memref<125x128xf32, #tpu.memory_space<vmem>>
    tpu.enqueue_dma source(%dma_start3A_931 : memref<125x128xf32, #tpu.memory_space<vmem>>) target(%dma_start3A_927 : memref<125x128xf32, #tpu.memory_space<hbm>>) target_semaphore(%arg17 : memref<!tpu.dma_semaphore, #tpu.memory_space<semaphore_mem>>)
    %dma_wait3A_932 = arith.constant 4 : i32
    %dma_wait3A_933 = arith.constant 0 : i32
    %dma_wait3A_934 = arith.constant 0 : i32
    %dma_wait3A_935 = tpu.memref_slice %arg6[%dma_wait3A_932, %dma_wait3A_933, %dma_wait3A_934] : memref<6x125x128xf32, #tpu.memory_space<vmem>> -> memref<1x125x128xf32, #tpu.memory_space<vmem>>
    %dma_wait3A_936 = tpu.memref_squeeze %dma_wait3A_935 : memref<1x125x128xf32, #tpu.memory_space<vmem>> -> memref<125x128xf32, #tpu.memory_space<vmem>>
    %dma_wait3A_937 = arith.constant 0 : i32
    %dma_wait3A_938 = tpu.memref_slice %arg4[%add3A_918, %dma_wait3A_937] : memref<100000x128xf32, #tpu.memory_space<hbm>> -> memref<125x128xf32, #tpu.memory_space<hbm>>
    %dma_wait3A_939 = arith.constant 0 : i32
    %dma_wait3A_940 = tpu.memref_slice %arg4[%add3A_918, %dma_wait3A_939] : memref<100000x128xf32, #tpu.memory_space<hbm>> -> memref<125x128xf32, #tpu.memory_space<hbm>>
    %dma_wait3A_941 = arith.constant 0 : i32
    %dma_wait3A_942 = arith.constant 0 : i32
    %dma_wait3A_943 = tpu.memref_slice %arg6[%dma_wait3A_932, %dma_wait3A_941, %dma_wait3A_942] : memref<6x125x128xf32, #tpu.memory_space<vmem>> -> memref<1x125x128xf32, #tpu.memory_space<vmem>>
    %dma_wait3A_944 = tpu.memref_squeeze %dma_wait3A_943 : memref<1x125x128xf32, #tpu.memory_space<vmem>> -> memref<125x128xf32, #tpu.memory_space<vmem>>
    tpu.wait_dma2 semaphore(%arg17 : memref<!tpu.dma_semaphore, #tpu.memory_space<semaphore_mem>>) src(%dma_wait3A_944 : memref<125x128xf32, #tpu.memory_space<vmem>>) dst(%dma_wait3A_940 : memref<125x128xf32, #tpu.memory_space<hbm>>)
    %dma_start3A_945 = arith.constant 22 : i32
    %dma_start3A_946 = arith.constant 4 : i32
    %dma_start3A_947 = arith.constant 0 : i32
    %dma_start3A_948 = arith.constant 0 : i32
    %dma_start3A_949 = tpu.memref_slice %arg6[%dma_start3A_946, %dma_start3A_947, %dma_start3A_948] : memref<6x125x128xf32, #tpu.memory_space<vmem>> -> memref<1x125x128xf32, #tpu.memory_space<vmem>>
    %dma_start3A_950 = tpu.memref_squeeze %dma_start3A_949 : memref<1x125x128xf32, #tpu.memory_space<vmem>> -> memref<125x128xf32, #tpu.memory_space<vmem>>
    %dma_start3A_951 = arith.constant 0 : i32
    %dma_start3A_952 = tpu.memref_slice %arg5[%dma_start3A_945, %dma_start3A_951] : memref<25x125xi32, #tpu.memory_space<vmem>> -> memref<1x125xi32, #tpu.memory_space<vmem>>
    %dma_start3A_953 = tpu.memref_squeeze %dma_start3A_952 : memref<1x125xi32, #tpu.memory_space<vmem>> -> memref<125xi32, #tpu.memory_space<vmem>>
    %dma_start3A_954 = arith.constant 0 : i32
    %dma_start3A_955 = arith.constant 0 : i32
    %dma_start3A_956 = tpu.memref_slice %arg3[%dma_start3A_954, %dma_start3A_955] : memref<100000x128xf32, #tpu.memory_space<hbm>> -> memref<100000x128xf32, #tpu.memory_space<hbm>>
    tpu.enqueue_indirect_dma source(%dma_start3A_956 : memref<100000x128xf32, #tpu.memory_space<hbm>>) target(%dma_start3A_950 : memref<125x128xf32, #tpu.memory_space<vmem>>) offsets(%dma_start3A_953 : memref<125xi32, #tpu.memory_space<vmem>>) semaphore(%arg11 : memref<!tpu.dma_semaphore, #tpu.memory_space<semaphore_mem>>)
    %dma_wait3A_957 = arith.constant 17 : i32
    %dma_wait3A_958 = arith.constant 5 : i32
    %dma_wait3A_959 = arith.constant 0 : i32
    %dma_wait3A_960 = arith.constant 0 : i32
    %dma_wait3A_961 = tpu.memref_slice %arg6[%dma_wait3A_958, %dma_wait3A_959, %dma_wait3A_960] : memref<6x125x128xf32, #tpu.memory_space<vmem>> -> memref<1x125x128xf32, #tpu.memory_space<vmem>>
    %dma_wait3A_962 = tpu.memref_squeeze %dma_wait3A_961 : memref<1x125x128xf32, #tpu.memory_space<vmem>> -> memref<125x128xf32, #tpu.memory_space<vmem>>
    %dma_wait3A_963 = arith.constant 0 : i32
    %dma_wait3A_964 = tpu.memref_slice %arg5[%dma_wait3A_957, %dma_wait3A_963] : memref<25x125xi32, #tpu.memory_space<vmem>> -> memref<1x125xi32, #tpu.memory_space<vmem>>
    %dma_wait3A_965 = tpu.memref_squeeze %dma_wait3A_964 : memref<1x125xi32, #tpu.memory_space<vmem>> -> memref<125xi32, #tpu.memory_space<vmem>>
    %dma_wait3A_966 = arith.constant 0 : i32
    %dma_wait3A_967 = arith.constant 0 : i32
    %dma_wait3A_968 = tpu.memref_slice %arg3[%dma_wait3A_966, %dma_wait3A_967] : memref<100000x128xf32, #tpu.memory_space<hbm>> -> memref<100000x128xf32, #tpu.memory_space<hbm>>
    tpu.wait_indirect_dma semaphore(%arg12 : memref<!tpu.dma_semaphore, #tpu.memory_space<semaphore_mem>>) src(%dma_wait3A_968 : memref<100000x128xf32, #tpu.memory_space<hbm>>) dst(%dma_wait3A_962 : memref<125x128xf32, #tpu.memory_space<vmem>>)
    %add3A_969 = arith.constant 2125 : i32
    %add3A_970 = arith.addi %mul3A_2, %add3A_969 : i32
    %dma_start3A_971 = arith.constant 5 : i32
    %dma_start3A_972 = arith.constant 0 : i32
    %dma_start3A_973 = arith.constant 0 : i32
    %dma_start3A_974 = tpu.memref_slice %arg6[%dma_start3A_971, %dma_start3A_972, %dma_start3A_973] : memref<6x125x128xf32, #tpu.memory_space<vmem>> -> memref<1x125x128xf32, #tpu.memory_space<vmem>>
    %dma_start3A_975 = tpu.memref_squeeze %dma_start3A_974 : memref<1x125x128xf32, #tpu.memory_space<vmem>> -> memref<125x128xf32, #tpu.memory_space<vmem>>
    %dma_start3A_976 = arith.constant 0 : i32
    %dma_start3A_977 = tpu.memref_slice %arg4[%add3A_970, %dma_start3A_976] : memref<100000x128xf32, #tpu.memory_space<hbm>> -> memref<125x128xf32, #tpu.memory_space<hbm>>
    %dma_start3A_978 = arith.constant 0 : i32
    %dma_start3A_979 = tpu.memref_slice %arg4[%add3A_970, %dma_start3A_978] : memref<100000x128xf32, #tpu.memory_space<hbm>> -> memref<125x128xf32, #tpu.memory_space<hbm>>
    %dma_start3A_980 = arith.constant 0 : i32
    %dma_start3A_981 = arith.constant 0 : i32
    %dma_start3A_982 = tpu.memref_slice %arg6[%dma_start3A_971, %dma_start3A_980, %dma_start3A_981] : memref<6x125x128xf32, #tpu.memory_space<vmem>> -> memref<1x125x128xf32, #tpu.memory_space<vmem>>
    %dma_start3A_983 = tpu.memref_squeeze %dma_start3A_982 : memref<1x125x128xf32, #tpu.memory_space<vmem>> -> memref<125x128xf32, #tpu.memory_space<vmem>>
    tpu.enqueue_dma source(%dma_start3A_983 : memref<125x128xf32, #tpu.memory_space<vmem>>) target(%dma_start3A_979 : memref<125x128xf32, #tpu.memory_space<hbm>>) target_semaphore(%arg18 : memref<!tpu.dma_semaphore, #tpu.memory_space<semaphore_mem>>)
    %dma_wait3A_984 = arith.constant 5 : i32
    %dma_wait3A_985 = arith.constant 0 : i32
    %dma_wait3A_986 = arith.constant 0 : i32
    %dma_wait3A_987 = tpu.memref_slice %arg6[%dma_wait3A_984, %dma_wait3A_985, %dma_wait3A_986] : memref<6x125x128xf32, #tpu.memory_space<vmem>> -> memref<1x125x128xf32, #tpu.memory_space<vmem>>
    %dma_wait3A_988 = tpu.memref_squeeze %dma_wait3A_987 : memref<1x125x128xf32, #tpu.memory_space<vmem>> -> memref<125x128xf32, #tpu.memory_space<vmem>>
    %dma_wait3A_989 = arith.constant 0 : i32
    %dma_wait3A_990 = tpu.memref_slice %arg4[%add3A_970, %dma_wait3A_989] : memref<100000x128xf32, #tpu.memory_space<hbm>> -> memref<125x128xf32, #tpu.memory_space<hbm>>
    %dma_wait3A_991 = arith.constant 0 : i32
    %dma_wait3A_992 = tpu.memref_slice %arg4[%add3A_970, %dma_wait3A_991] : memref<100000x128xf32, #tpu.memory_space<hbm>> -> memref<125x128xf32, #tpu.memory_space<hbm>>
    %dma_wait3A_993 = arith.constant 0 : i32
    %dma_wait3A_994 = arith.constant 0 : i32
    %dma_wait3A_995 = tpu.memref_slice %arg6[%dma_wait3A_984, %dma_wait3A_993, %dma_wait3A_994] : memref<6x125x128xf32, #tpu.memory_space<vmem>> -> memref<1x125x128xf32, #tpu.memory_space<vmem>>
    %dma_wait3A_996 = tpu.memref_squeeze %dma_wait3A_995 : memref<1x125x128xf32, #tpu.memory_space<vmem>> -> memref<125x128xf32, #tpu.memory_space<vmem>>
    tpu.wait_dma2 semaphore(%arg18 : memref<!tpu.dma_semaphore, #tpu.memory_space<semaphore_mem>>) src(%dma_wait3A_996 : memref<125x128xf32, #tpu.memory_space<vmem>>) dst(%dma_wait3A_992 : memref<125x128xf32, #tpu.memory_space<hbm>>)
    %dma_start3A_997 = arith.constant 23 : i32
    %dma_start3A_998 = arith.constant 5 : i32
    %dma_start3A_999 = arith.constant 0 : i32
    %dma_start3A_1000 = arith.constant 0 : i32
    %dma_start3A_1001 = tpu.memref_slice %arg6[%dma_start3A_998, %dma_start3A_999, %dma_start3A_1000] : memref<6x125x128xf32, #tpu.memory_space<vmem>> -> memref<1x125x128xf32, #tpu.memory_space<vmem>>
    %dma_start3A_1002 = tpu.memref_squeeze %dma_start3A_1001 : memref<1x125x128xf32, #tpu.memory_space<vmem>> -> memref<125x128xf32, #tpu.memory_space<vmem>>
    %dma_start3A_1003 = arith.constant 0 : i32
    %dma_start3A_1004 = tpu.memref_slice %arg5[%dma_start3A_997, %dma_start3A_1003] : memref<25x125xi32, #tpu.memory_space<vmem>> -> memref<1x125xi32, #tpu.memory_space<vmem>>
    %dma_start3A_1005 = tpu.memref_squeeze %dma_start3A_1004 : memref<1x125xi32, #tpu.memory_space<vmem>> -> memref<125xi32, #tpu.memory_space<vmem>>
    %dma_start3A_1006 = arith.constant 0 : i32
    %dma_start3A_1007 = arith.constant 0 : i32
    %dma_start3A_1008 = tpu.memref_slice %arg3[%dma_start3A_1006, %dma_start3A_1007] : memref<100000x128xf32, #tpu.memory_space<hbm>> -> memref<100000x128xf32, #tpu.memory_space<hbm>>
    tpu.enqueue_indirect_dma source(%dma_start3A_1008 : memref<100000x128xf32, #tpu.memory_space<hbm>>) target(%dma_start3A_1002 : memref<125x128xf32, #tpu.memory_space<vmem>>) offsets(%dma_start3A_1005 : memref<125xi32, #tpu.memory_space<vmem>>) semaphore(%arg12 : memref<!tpu.dma_semaphore, #tpu.memory_space<semaphore_mem>>)
    %dma_wait3A_1009 = arith.constant 18 : i32
    %dma_wait3A_1010 = arith.constant 0 : i32
    %dma_wait3A_1011 = arith.constant 0 : i32
    %dma_wait3A_1012 = arith.constant 0 : i32
    %dma_wait3A_1013 = tpu.memref_slice %arg6[%dma_wait3A_1010, %dma_wait3A_1011, %dma_wait3A_1012] : memref<6x125x128xf32, #tpu.memory_space<vmem>> -> memref<1x125x128xf32, #tpu.memory_space<vmem>>
    %dma_wait3A_1014 = tpu.memref_squeeze %dma_wait3A_1013 : memref<1x125x128xf32, #tpu.memory_space<vmem>> -> memref<125x128xf32, #tpu.memory_space<vmem>>
    %dma_wait3A_1015 = arith.constant 0 : i32
    %dma_wait3A_1016 = tpu.memref_slice %arg5[%dma_wait3A_1009, %dma_wait3A_1015] : memref<25x125xi32, #tpu.memory_space<vmem>> -> memref<1x125xi32, #tpu.memory_space<vmem>>
    %dma_wait3A_1017 = tpu.memref_squeeze %dma_wait3A_1016 : memref<1x125xi32, #tpu.memory_space<vmem>> -> memref<125xi32, #tpu.memory_space<vmem>>
    %dma_wait3A_1018 = arith.constant 0 : i32
    %dma_wait3A_1019 = arith.constant 0 : i32
    %dma_wait3A_1020 = tpu.memref_slice %arg3[%dma_wait3A_1018, %dma_wait3A_1019] : memref<100000x128xf32, #tpu.memory_space<hbm>> -> memref<100000x128xf32, #tpu.memory_space<hbm>>
    tpu.wait_indirect_dma semaphore(%arg7 : memref<!tpu.dma_semaphore, #tpu.memory_space<semaphore_mem>>) src(%dma_wait3A_1020 : memref<100000x128xf32, #tpu.memory_space<hbm>>) dst(%dma_wait3A_1014 : memref<125x128xf32, #tpu.memory_space<vmem>>)
    %add3A_1021 = arith.constant 2250 : i32
    %add3A_1022 = arith.addi %mul3A_2, %add3A_1021 : i32
    %dma_start3A_1023 = arith.constant 0 : i32
    %dma_start3A_1024 = arith.constant 0 : i32
    %dma_start3A_1025 = arith.constant 0 : i32
    %dma_start3A_1026 = tpu.memref_slice %arg6[%dma_start3A_1023, %dma_start3A_1024, %dma_start3A_1025] : memref<6x125x128xf32, #tpu.memory_space<vmem>> -> memref<1x125x128xf32, #tpu.memory_space<vmem>>
    %dma_start3A_1027 = tpu.memref_squeeze %dma_start3A_1026 : memref<1x125x128xf32, #tpu.memory_space<vmem>> -> memref<125x128xf32, #tpu.memory_space<vmem>>
    %dma_start3A_1028 = arith.constant 0 : i32
    %dma_start3A_1029 = tpu.memref_slice %arg4[%add3A_1022, %dma_start3A_1028] : memref<100000x128xf32, #tpu.memory_space<hbm>> -> memref<125x128xf32, #tpu.memory_space<hbm>>
    %dma_start3A_1030 = arith.constant 0 : i32
    %dma_start3A_1031 = tpu.memref_slice %arg4[%add3A_1022, %dma_start3A_1030] : memref<100000x128xf32, #tpu.memory_space<hbm>> -> memref<125x128xf32, #tpu.memory_space<hbm>>
    %dma_start3A_1032 = arith.constant 0 : i32
    %dma_start3A_1033 = arith.constant 0 : i32
    %dma_start3A_1034 = tpu.memref_slice %arg6[%dma_start3A_1023, %dma_start3A_1032, %dma_start3A_1033] : memref<6x125x128xf32, #tpu.memory_space<vmem>> -> memref<1x125x128xf32, #tpu.memory_space<vmem>>
    %dma_start3A_1035 = tpu.memref_squeeze %dma_start3A_1034 : memref<1x125x128xf32, #tpu.memory_space<vmem>> -> memref<125x128xf32, #tpu.memory_space<vmem>>
    tpu.enqueue_dma source(%dma_start3A_1035 : memref<125x128xf32, #tpu.memory_space<vmem>>) target(%dma_start3A_1031 : memref<125x128xf32, #tpu.memory_space<hbm>>) target_semaphore(%arg13 : memref<!tpu.dma_semaphore, #tpu.memory_space<semaphore_mem>>)
    %dma_wait3A_1036 = arith.constant 0 : i32
    %dma_wait3A_1037 = arith.constant 0 : i32
    %dma_wait3A_1038 = arith.constant 0 : i32
    %dma_wait3A_1039 = tpu.memref_slice %arg6[%dma_wait3A_1036, %dma_wait3A_1037, %dma_wait3A_1038] : memref<6x125x128xf32, #tpu.memory_space<vmem>> -> memref<1x125x128xf32, #tpu.memory_space<vmem>>
    %dma_wait3A_1040 = tpu.memref_squeeze %dma_wait3A_1039 : memref<1x125x128xf32, #tpu.memory_space<vmem>> -> memref<125x128xf32, #tpu.memory_space<vmem>>
    %dma_wait3A_1041 = arith.constant 0 : i32
    %dma_wait3A_1042 = tpu.memref_slice %arg4[%add3A_1022, %dma_wait3A_1041] : memref<100000x128xf32, #tpu.memory_space<hbm>> -> memref<125x128xf32, #tpu.memory_space<hbm>>
    %dma_wait3A_1043 = arith.constant 0 : i32
    %dma_wait3A_1044 = tpu.memref_slice %arg4[%add3A_1022, %dma_wait3A_1043] : memref<100000x128xf32, #tpu.memory_space<hbm>> -> memref<125x128xf32, #tpu.memory_space<hbm>>
    %dma_wait3A_1045 = arith.constant 0 : i32
    %dma_wait3A_1046 = arith.constant 0 : i32
    %dma_wait3A_1047 = tpu.memref_slice %arg6[%dma_wait3A_1036, %dma_wait3A_1045, %dma_wait3A_1046] : memref<6x125x128xf32, #tpu.memory_space<vmem>> -> memref<1x125x128xf32, #tpu.memory_space<vmem>>
    %dma_wait3A_1048 = tpu.memref_squeeze %dma_wait3A_1047 : memref<1x125x128xf32, #tpu.memory_space<vmem>> -> memref<125x128xf32, #tpu.memory_space<vmem>>
    tpu.wait_dma2 semaphore(%arg13 : memref<!tpu.dma_semaphore, #tpu.memory_space<semaphore_mem>>) src(%dma_wait3A_1048 : memref<125x128xf32, #tpu.memory_space<vmem>>) dst(%dma_wait3A_1044 : memref<125x128xf32, #tpu.memory_space<hbm>>)
    %dma_start3A_1049 = arith.constant 24 : i32
    %dma_start3A_1050 = arith.constant 0 : i32
    %dma_start3A_1051 = arith.constant 0 : i32
    %dma_start3A_1052 = arith.constant 0 : i32
    %dma_start3A_1053 = tpu.memref_slice %arg6[%dma_start3A_1050, %dma_start3A_1051, %dma_start3A_1052] : memref<6x125x128xf32, #tpu.memory_space<vmem>> -> memref<1x125x128xf32, #tpu.memory_space<vmem>>
    %dma_start3A_1054 = tpu.memref_squeeze %dma_start3A_1053 : memref<1x125x128xf32, #tpu.memory_space<vmem>> -> memref<125x128xf32, #tpu.memory_space<vmem>>
    %dma_start3A_1055 = arith.constant 0 : i32
    %dma_start3A_1056 = tpu.memref_slice %arg5[%dma_start3A_1049, %dma_start3A_1055] : memref<25x125xi32, #tpu.memory_space<vmem>> -> memref<1x125xi32, #tpu.memory_space<vmem>>
    %dma_start3A_1057 = tpu.memref_squeeze %dma_start3A_1056 : memref<1x125xi32, #tpu.memory_space<vmem>> -> memref<125xi32, #tpu.memory_space<vmem>>
    %dma_start3A_1058 = arith.constant 0 : i32
    %dma_start3A_1059 = arith.constant 0 : i32
    %dma_start3A_1060 = tpu.memref_slice %arg3[%dma_start3A_1058, %dma_start3A_1059] : memref<100000x128xf32, #tpu.memory_space<hbm>> -> memref<100000x128xf32, #tpu.memory_space<hbm>>
    tpu.enqueue_indirect_dma source(%dma_start3A_1060 : memref<100000x128xf32, #tpu.memory_space<hbm>>) target(%dma_start3A_1054 : memref<125x128xf32, #tpu.memory_space<vmem>>) offsets(%dma_start3A_1057 : memref<125xi32, #tpu.memory_space<vmem>>) semaphore(%arg7 : memref<!tpu.dma_semaphore, #tpu.memory_space<semaphore_mem>>)
    %dma_wait3A_1061 = arith.constant 19 : i32
    %dma_wait3A_1062 = arith.constant 1 : i32
    %dma_wait3A_1063 = arith.constant 0 : i32
    %dma_wait3A_1064 = arith.constant 0 : i32
    %dma_wait3A_1065 = tpu.memref_slice %arg6[%dma_wait3A_1062, %dma_wait3A_1063, %dma_wait3A_1064] : memref<6x125x128xf32, #tpu.memory_space<vmem>> -> memref<1x125x128xf32, #tpu.memory_space<vmem>>
    %dma_wait3A_1066 = tpu.memref_squeeze %dma_wait3A_1065 : memref<1x125x128xf32, #tpu.memory_space<vmem>> -> memref<125x128xf32, #tpu.memory_space<vmem>>
    %dma_wait3A_1067 = arith.constant 0 : i32
    %dma_wait3A_1068 = tpu.memref_slice %arg5[%dma_wait3A_1061, %dma_wait3A_1067] : memref<25x125xi32, #tpu.memory_space<vmem>> -> memref<1x125xi32, #tpu.memory_space<vmem>>
    %dma_wait3A_1069 = tpu.memref_squeeze %dma_wait3A_1068 : memref<1x125xi32, #tpu.memory_space<vmem>> -> memref<125xi32, #tpu.memory_space<vmem>>
    %dma_wait3A_1070 = arith.constant 0 : i32
    %dma_wait3A_1071 = arith.constant 0 : i32
    %dma_wait3A_1072 = tpu.memref_slice %arg3[%dma_wait3A_1070, %dma_wait3A_1071] : memref<100000x128xf32, #tpu.memory_space<hbm>> -> memref<100000x128xf32, #tpu.memory_space<hbm>>
    tpu.wait_indirect_dma semaphore(%arg8 : memref<!tpu.dma_semaphore, #tpu.memory_space<semaphore_mem>>) src(%dma_wait3A_1072 : memref<100000x128xf32, #tpu.memory_space<hbm>>) dst(%dma_wait3A_1066 : memref<125x128xf32, #tpu.memory_space<vmem>>)
    %add3A_1073 = arith.constant 2375 : i32
    %add3A_1074 = arith.addi %mul3A_2, %add3A_1073 : i32
    %dma_start3A_1075 = arith.constant 1 : i32
    %dma_start3A_1076 = arith.constant 0 : i32
    %dma_start3A_1077 = arith.constant 0 : i32
    %dma_start3A_1078 = tpu.memref_slice %arg6[%dma_start3A_1075, %dma_start3A_1076, %dma_start3A_1077] : memref<6x125x128xf32, #tpu.memory_space<vmem>> -> memref<1x125x128xf32, #tpu.memory_space<vmem>>
    %dma_start3A_1079 = tpu.memref_squeeze %dma_start3A_1078 : memref<1x125x128xf32, #tpu.memory_space<vmem>> -> memref<125x128xf32, #tpu.memory_space<vmem>>
    %dma_start3A_1080 = arith.constant 0 : i32
    %dma_start3A_1081 = tpu.memref_slice %arg4[%add3A_1074, %dma_start3A_1080] : memref<100000x128xf32, #tpu.memory_space<hbm>> -> memref<125x128xf32, #tpu.memory_space<hbm>>
    %dma_start3A_1082 = arith.constant 0 : i32
    %dma_start3A_1083 = tpu.memref_slice %arg4[%add3A_1074, %dma_start3A_1082] : memref<100000x128xf32, #tpu.memory_space<hbm>> -> memref<125x128xf32, #tpu.memory_space<hbm>>
    %dma_start3A_1084 = arith.constant 0 : i32
    %dma_start3A_1085 = arith.constant 0 : i32
    %dma_start3A_1086 = tpu.memref_slice %arg6[%dma_start3A_1075, %dma_start3A_1084, %dma_start3A_1085] : memref<6x125x128xf32, #tpu.memory_space<vmem>> -> memref<1x125x128xf32, #tpu.memory_space<vmem>>
    %dma_start3A_1087 = tpu.memref_squeeze %dma_start3A_1086 : memref<1x125x128xf32, #tpu.memory_space<vmem>> -> memref<125x128xf32, #tpu.memory_space<vmem>>
    tpu.enqueue_dma source(%dma_start3A_1087 : memref<125x128xf32, #tpu.memory_space<vmem>>) target(%dma_start3A_1083 : memref<125x128xf32, #tpu.memory_space<hbm>>) target_semaphore(%arg14 : memref<!tpu.dma_semaphore, #tpu.memory_space<semaphore_mem>>)
    %dma_wait3A_1088 = arith.constant 20 : i32
    %dma_wait3A_1089 = arith.constant 2 : i32
    %dma_wait3A_1090 = arith.constant 0 : i32
    %dma_wait3A_1091 = arith.constant 0 : i32
    %dma_wait3A_1092 = tpu.memref_slice %arg6[%dma_wait3A_1089, %dma_wait3A_1090, %dma_wait3A_1091] : memref<6x125x128xf32, #tpu.memory_space<vmem>> -> memref<1x125x128xf32, #tpu.memory_space<vmem>>
    %dma_wait3A_1093 = tpu.memref_squeeze %dma_wait3A_1092 : memref<1x125x128xf32, #tpu.memory_space<vmem>> -> memref<125x128xf32, #tpu.memory_space<vmem>>
    %dma_wait3A_1094 = arith.constant 0 : i32
    %dma_wait3A_1095 = tpu.memref_slice %arg5[%dma_wait3A_1088, %dma_wait3A_1094] : memref<25x125xi32, #tpu.memory_space<vmem>> -> memref<1x125xi32, #tpu.memory_space<vmem>>
    %dma_wait3A_1096 = tpu.memref_squeeze %dma_wait3A_1095 : memref<1x125xi32, #tpu.memory_space<vmem>> -> memref<125xi32, #tpu.memory_space<vmem>>
    %dma_wait3A_1097 = arith.constant 0 : i32
    %dma_wait3A_1098 = arith.constant 0 : i32
    %dma_wait3A_1099 = tpu.memref_slice %arg3[%dma_wait3A_1097, %dma_wait3A_1098] : memref<100000x128xf32, #tpu.memory_space<hbm>> -> memref<100000x128xf32, #tpu.memory_space<hbm>>
    tpu.wait_indirect_dma semaphore(%arg9 : memref<!tpu.dma_semaphore, #tpu.memory_space<semaphore_mem>>) src(%dma_wait3A_1099 : memref<100000x128xf32, #tpu.memory_space<hbm>>) dst(%dma_wait3A_1093 : memref<125x128xf32, #tpu.memory_space<vmem>>)
    %add3A_1100 = arith.constant 2500 : i32
    %add3A_1101 = arith.addi %mul3A_2, %add3A_1100 : i32
    %dma_start3A_1102 = arith.constant 2 : i32
    %dma_start3A_1103 = arith.constant 0 : i32
    %dma_start3A_1104 = arith.constant 0 : i32
    %dma_start3A_1105 = tpu.memref_slice %arg6[%dma_start3A_1102, %dma_start3A_1103, %dma_start3A_1104] : memref<6x125x128xf32, #tpu.memory_space<vmem>> -> memref<1x125x128xf32, #tpu.memory_space<vmem>>
    %dma_start3A_1106 = tpu.memref_squeeze %dma_start3A_1105 : memref<1x125x128xf32, #tpu.memory_space<vmem>> -> memref<125x128xf32, #tpu.memory_space<vmem>>
    %dma_start3A_1107 = arith.constant 0 : i32
    %dma_start3A_1108 = tpu.memref_slice %arg4[%add3A_1101, %dma_start3A_1107] : memref<100000x128xf32, #tpu.memory_space<hbm>> -> memref<125x128xf32, #tpu.memory_space<hbm>>
    %dma_start3A_1109 = arith.constant 0 : i32
    %dma_start3A_1110 = tpu.memref_slice %arg4[%add3A_1101, %dma_start3A_1109] : memref<100000x128xf32, #tpu.memory_space<hbm>> -> memref<125x128xf32, #tpu.memory_space<hbm>>
    %dma_start3A_1111 = arith.constant 0 : i32
    %dma_start3A_1112 = arith.constant 0 : i32
    %dma_start3A_1113 = tpu.memref_slice %arg6[%dma_start3A_1102, %dma_start3A_1111, %dma_start3A_1112] : memref<6x125x128xf32, #tpu.memory_space<vmem>> -> memref<1x125x128xf32, #tpu.memory_space<vmem>>
    %dma_start3A_1114 = tpu.memref_squeeze %dma_start3A_1113 : memref<1x125x128xf32, #tpu.memory_space<vmem>> -> memref<125x128xf32, #tpu.memory_space<vmem>>
    tpu.enqueue_dma source(%dma_start3A_1114 : memref<125x128xf32, #tpu.memory_space<vmem>>) target(%dma_start3A_1110 : memref<125x128xf32, #tpu.memory_space<hbm>>) target_semaphore(%arg15 : memref<!tpu.dma_semaphore, #tpu.memory_space<semaphore_mem>>)
    %dma_wait3A_1115 = arith.constant 21 : i32
    %dma_wait3A_1116 = arith.constant 3 : i32
    %dma_wait3A_1117 = arith.constant 0 : i32
    %dma_wait3A_1118 = arith.constant 0 : i32
    %dma_wait3A_1119 = tpu.memref_slice %arg6[%dma_wait3A_1116, %dma_wait3A_1117, %dma_wait3A_1118] : memref<6x125x128xf32, #tpu.memory_space<vmem>> -> memref<1x125x128xf32, #tpu.memory_space<vmem>>
    %dma_wait3A_1120 = tpu.memref_squeeze %dma_wait3A_1119 : memref<1x125x128xf32, #tpu.memory_space<vmem>> -> memref<125x128xf32, #tpu.memory_space<vmem>>
    %dma_wait3A_1121 = arith.constant 0 : i32
    %dma_wait3A_1122 = tpu.memref_slice %arg5[%dma_wait3A_1115, %dma_wait3A_1121] : memref<25x125xi32, #tpu.memory_space<vmem>> -> memref<1x125xi32, #tpu.memory_space<vmem>>
    %dma_wait3A_1123 = tpu.memref_squeeze %dma_wait3A_1122 : memref<1x125xi32, #tpu.memory_space<vmem>> -> memref<125xi32, #tpu.memory_space<vmem>>
    %dma_wait3A_1124 = arith.constant 0 : i32
    %dma_wait3A_1125 = arith.constant 0 : i32
    %dma_wait3A_1126 = tpu.memref_slice %arg3[%dma_wait3A_1124, %dma_wait3A_1125] : memref<100000x128xf32, #tpu.memory_space<hbm>> -> memref<100000x128xf32, #tpu.memory_space<hbm>>
    tpu.wait_indirect_dma semaphore(%arg10 : memref<!tpu.dma_semaphore, #tpu.memory_space<semaphore_mem>>) src(%dma_wait3A_1126 : memref<100000x128xf32, #tpu.memory_space<hbm>>) dst(%dma_wait3A_1120 : memref<125x128xf32, #tpu.memory_space<vmem>>)
    %add3A_1127 = arith.constant 2625 : i32
    %add3A_1128 = arith.addi %mul3A_2, %add3A_1127 : i32
    %dma_start3A_1129 = arith.constant 3 : i32
    %dma_start3A_1130 = arith.constant 0 : i32
    %dma_start3A_1131 = arith.constant 0 : i32
    %dma_start3A_1132 = tpu.memref_slice %arg6[%dma_start3A_1129, %dma_start3A_1130, %dma_start3A_1131] : memref<6x125x128xf32, #tpu.memory_space<vmem>> -> memref<1x125x128xf32, #tpu.memory_space<vmem>>
    %dma_start3A_1133 = tpu.memref_squeeze %dma_start3A_1132 : memref<1x125x128xf32, #tpu.memory_space<vmem>> -> memref<125x128xf32, #tpu.memory_space<vmem>>
    %dma_start3A_1134 = arith.constant 0 : i32
    %dma_start3A_1135 = tpu.memref_slice %arg4[%add3A_1128, %dma_start3A_1134] : memref<100000x128xf32, #tpu.memory_space<hbm>> -> memref<125x128xf32, #tpu.memory_space<hbm>>
    %dma_start3A_1136 = arith.constant 0 : i32
    %dma_start3A_1137 = tpu.memref_slice %arg4[%add3A_1128, %dma_start3A_1136] : memref<100000x128xf32, #tpu.memory_space<hbm>> -> memref<125x128xf32, #tpu.memory_space<hbm>>
    %dma_start3A_1138 = arith.constant 0 : i32
    %dma_start3A_1139 = arith.constant 0 : i32
    %dma_start3A_1140 = tpu.memref_slice %arg6[%dma_start3A_1129, %dma_start3A_1138, %dma_start3A_1139] : memref<6x125x128xf32, #tpu.memory_space<vmem>> -> memref<1x125x128xf32, #tpu.memory_space<vmem>>
    %dma_start3A_1141 = tpu.memref_squeeze %dma_start3A_1140 : memref<1x125x128xf32, #tpu.memory_space<vmem>> -> memref<125x128xf32, #tpu.memory_space<vmem>>
    tpu.enqueue_dma source(%dma_start3A_1141 : memref<125x128xf32, #tpu.memory_space<vmem>>) target(%dma_start3A_1137 : memref<125x128xf32, #tpu.memory_space<hbm>>) target_semaphore(%arg16 : memref<!tpu.dma_semaphore, #tpu.memory_space<semaphore_mem>>)
    %dma_wait3A_1142 = arith.constant 22 : i32
    %dma_wait3A_1143 = arith.constant 4 : i32
    %dma_wait3A_1144 = arith.constant 0 : i32
    %dma_wait3A_1145 = arith.constant 0 : i32
    %dma_wait3A_1146 = tpu.memref_slice %arg6[%dma_wait3A_1143, %dma_wait3A_1144, %dma_wait3A_1145] : memref<6x125x128xf32, #tpu.memory_space<vmem>> -> memref<1x125x128xf32, #tpu.memory_space<vmem>>
    %dma_wait3A_1147 = tpu.memref_squeeze %dma_wait3A_1146 : memref<1x125x128xf32, #tpu.memory_space<vmem>> -> memref<125x128xf32, #tpu.memory_space<vmem>>
    %dma_wait3A_1148 = arith.constant 0 : i32
    %dma_wait3A_1149 = tpu.memref_slice %arg5[%dma_wait3A_1142, %dma_wait3A_1148] : memref<25x125xi32, #tpu.memory_space<vmem>> -> memref<1x125xi32, #tpu.memory_space<vmem>>
    %dma_wait3A_1150 = tpu.memref_squeeze %dma_wait3A_1149 : memref<1x125xi32, #tpu.memory_space<vmem>> -> memref<125xi32, #tpu.memory_space<vmem>>
    %dma_wait3A_1151 = arith.constant 0 : i32
    %dma_wait3A_1152 = arith.constant 0 : i32
    %dma_wait3A_1153 = tpu.memref_slice %arg3[%dma_wait3A_1151, %dma_wait3A_1152] : memref<100000x128xf32, #tpu.memory_space<hbm>> -> memref<100000x128xf32, #tpu.memory_space<hbm>>
    tpu.wait_indirect_dma semaphore(%arg11 : memref<!tpu.dma_semaphore, #tpu.memory_space<semaphore_mem>>) src(%dma_wait3A_1153 : memref<100000x128xf32, #tpu.memory_space<hbm>>) dst(%dma_wait3A_1147 : memref<125x128xf32, #tpu.memory_space<vmem>>)
    %add3A_1154 = arith.constant 2750 : i32
    %add3A_1155 = arith.addi %mul3A_2, %add3A_1154 : i32
    %dma_start3A_1156 = arith.constant 4 : i32
    %dma_start3A_1157 = arith.constant 0 : i32
    %dma_start3A_1158 = arith.constant 0 : i32
    %dma_start3A_1159 = tpu.memref_slice %arg6[%dma_start3A_1156, %dma_start3A_1157, %dma_start3A_1158] : memref<6x125x128xf32, #tpu.memory_space<vmem>> -> memref<1x125x128xf32, #tpu.memory_space<vmem>>
    %dma_start3A_1160 = tpu.memref_squeeze %dma_start3A_1159 : memref<1x125x128xf32, #tpu.memory_space<vmem>> -> memref<125x128xf32, #tpu.memory_space<vmem>>
    %dma_start3A_1161 = arith.constant 0 : i32
    %dma_start3A_1162 = tpu.memref_slice %arg4[%add3A_1155, %dma_start3A_1161] : memref<100000x128xf32, #tpu.memory_space<hbm>> -> memref<125x128xf32, #tpu.memory_space<hbm>>
    %dma_start3A_1163 = arith.constant 0 : i32
    %dma_start3A_1164 = tpu.memref_slice %arg4[%add3A_1155, %dma_start3A_1163] : memref<100000x128xf32, #tpu.memory_space<hbm>> -> memref<125x128xf32, #tpu.memory_space<hbm>>
    %dma_start3A_1165 = arith.constant 0 : i32
    %dma_start3A_1166 = arith.constant 0 : i32
    %dma_start3A_1167 = tpu.memref_slice %arg6[%dma_start3A_1156, %dma_start3A_1165, %dma_start3A_1166] : memref<6x125x128xf32, #tpu.memory_space<vmem>> -> memref<1x125x128xf32, #tpu.memory_space<vmem>>
    %dma_start3A_1168 = tpu.memref_squeeze %dma_start3A_1167 : memref<1x125x128xf32, #tpu.memory_space<vmem>> -> memref<125x128xf32, #tpu.memory_space<vmem>>
    tpu.enqueue_dma source(%dma_start3A_1168 : memref<125x128xf32, #tpu.memory_space<vmem>>) target(%dma_start3A_1164 : memref<125x128xf32, #tpu.memory_space<hbm>>) target_semaphore(%arg17 : memref<!tpu.dma_semaphore, #tpu.memory_space<semaphore_mem>>)
    %dma_wait3A_1169 = arith.constant 23 : i32
    %dma_wait3A_1170 = arith.constant 5 : i32
    %dma_wait3A_1171 = arith.constant 0 : i32
    %dma_wait3A_1172 = arith.constant 0 : i32
    %dma_wait3A_1173 = tpu.memref_slice %arg6[%dma_wait3A_1170, %dma_wait3A_1171, %dma_wait3A_1172] : memref<6x125x128xf32, #tpu.memory_space<vmem>> -> memref<1x125x128xf32, #tpu.memory_space<vmem>>
    %dma_wait3A_1174 = tpu.memref_squeeze %dma_wait3A_1173 : memref<1x125x128xf32, #tpu.memory_space<vmem>> -> memref<125x128xf32, #tpu.memory_space<vmem>>
    %dma_wait3A_1175 = arith.constant 0 : i32
    %dma_wait3A_1176 = tpu.memref_slice %arg5[%dma_wait3A_1169, %dma_wait3A_1175] : memref<25x125xi32, #tpu.memory_space<vmem>> -> memref<1x125xi32, #tpu.memory_space<vmem>>
    %dma_wait3A_1177 = tpu.memref_squeeze %dma_wait3A_1176 : memref<1x125xi32, #tpu.memory_space<vmem>> -> memref<125xi32, #tpu.memory_space<vmem>>
    %dma_wait3A_1178 = arith.constant 0 : i32
    %dma_wait3A_1179 = arith.constant 0 : i32
    %dma_wait3A_1180 = tpu.memref_slice %arg3[%dma_wait3A_1178, %dma_wait3A_1179] : memref<100000x128xf32, #tpu.memory_space<hbm>> -> memref<100000x128xf32, #tpu.memory_space<hbm>>
    tpu.wait_indirect_dma semaphore(%arg12 : memref<!tpu.dma_semaphore, #tpu.memory_space<semaphore_mem>>) src(%dma_wait3A_1180 : memref<100000x128xf32, #tpu.memory_space<hbm>>) dst(%dma_wait3A_1174 : memref<125x128xf32, #tpu.memory_space<vmem>>)
    %add3A_1181 = arith.constant 2875 : i32
    %add3A_1182 = arith.addi %mul3A_2, %add3A_1181 : i32
    %dma_start3A_1183 = arith.constant 5 : i32
    %dma_start3A_1184 = arith.constant 0 : i32
    %dma_start3A_1185 = arith.constant 0 : i32
    %dma_start3A_1186 = tpu.memref_slice %arg6[%dma_start3A_1183, %dma_start3A_1184, %dma_start3A_1185] : memref<6x125x128xf32, #tpu.memory_space<vmem>> -> memref<1x125x128xf32, #tpu.memory_space<vmem>>
    %dma_start3A_1187 = tpu.memref_squeeze %dma_start3A_1186 : memref<1x125x128xf32, #tpu.memory_space<vmem>> -> memref<125x128xf32, #tpu.memory_space<vmem>>
    %dma_start3A_1188 = arith.constant 0 : i32
    %dma_start3A_1189 = tpu.memref_slice %arg4[%add3A_1182, %dma_start3A_1188] : memref<100000x128xf32, #tpu.memory_space<hbm>> -> memref<125x128xf32, #tpu.memory_space<hbm>>
    %dma_start3A_1190 = arith.constant 0 : i32
    %dma_start3A_1191 = tpu.memref_slice %arg4[%add3A_1182, %dma_start3A_1190] : memref<100000x128xf32, #tpu.memory_space<hbm>> -> memref<125x128xf32, #tpu.memory_space<hbm>>
    %dma_start3A_1192 = arith.constant 0 : i32
    %dma_start3A_1193 = arith.constant 0 : i32
    %dma_start3A_1194 = tpu.memref_slice %arg6[%dma_start3A_1183, %dma_start3A_1192, %dma_start3A_1193] : memref<6x125x128xf32, #tpu.memory_space<vmem>> -> memref<1x125x128xf32, #tpu.memory_space<vmem>>
    %dma_start3A_1195 = tpu.memref_squeeze %dma_start3A_1194 : memref<1x125x128xf32, #tpu.memory_space<vmem>> -> memref<125x128xf32, #tpu.memory_space<vmem>>
    tpu.enqueue_dma source(%dma_start3A_1195 : memref<125x128xf32, #tpu.memory_space<vmem>>) target(%dma_start3A_1191 : memref<125x128xf32, #tpu.memory_space<hbm>>) target_semaphore(%arg18 : memref<!tpu.dma_semaphore, #tpu.memory_space<semaphore_mem>>)
    %dma_wait3A_1196 = arith.constant 24 : i32
    %dma_wait3A_1197 = arith.constant 0 : i32
    %dma_wait3A_1198 = arith.constant 0 : i32
    %dma_wait3A_1199 = arith.constant 0 : i32
    %dma_wait3A_1200 = tpu.memref_slice %arg6[%dma_wait3A_1197, %dma_wait3A_1198, %dma_wait3A_1199] : memref<6x125x128xf32, #tpu.memory_space<vmem>> -> memref<1x125x128xf32, #tpu.memory_space<vmem>>
    %dma_wait3A_1201 = tpu.memref_squeeze %dma_wait3A_1200 : memref<1x125x128xf32, #tpu.memory_space<vmem>> -> memref<125x128xf32, #tpu.memory_space<vmem>>
    %dma_wait3A_1202 = arith.constant 0 : i32
    %dma_wait3A_1203 = tpu.memref_slice %arg5[%dma_wait3A_1196, %dma_wait3A_1202] : memref<25x125xi32, #tpu.memory_space<vmem>> -> memref<1x125xi32, #tpu.memory_space<vmem>>
    %dma_wait3A_1204 = tpu.memref_squeeze %dma_wait3A_1203 : memref<1x125xi32, #tpu.memory_space<vmem>> -> memref<125xi32, #tpu.memory_space<vmem>>
    %dma_wait3A_1205 = arith.constant 0 : i32
    %dma_wait3A_1206 = arith.constant 0 : i32
    %dma_wait3A_1207 = tpu.memref_slice %arg3[%dma_wait3A_1205, %dma_wait3A_1206] : memref<100000x128xf32, #tpu.memory_space<hbm>> -> memref<100000x128xf32, #tpu.memory_space<hbm>>
    tpu.wait_indirect_dma semaphore(%arg7 : memref<!tpu.dma_semaphore, #tpu.memory_space<semaphore_mem>>) src(%dma_wait3A_1207 : memref<100000x128xf32, #tpu.memory_space<hbm>>) dst(%dma_wait3A_1201 : memref<125x128xf32, #tpu.memory_space<vmem>>)
    %add3A_1208 = arith.constant 3000 : i32
    %add3A_1209 = arith.addi %mul3A_2, %add3A_1208 : i32
    %dma_start3A_1210 = arith.constant 0 : i32
    %dma_start3A_1211 = arith.constant 0 : i32
    %dma_start3A_1212 = arith.constant 0 : i32
    %dma_start3A_1213 = tpu.memref_slice %arg6[%dma_start3A_1210, %dma_start3A_1211, %dma_start3A_1212] : memref<6x125x128xf32, #tpu.memory_space<vmem>> -> memref<1x125x128xf32, #tpu.memory_space<vmem>>
    %dma_start3A_1214 = tpu.memref_squeeze %dma_start3A_1213 : memref<1x125x128xf32, #tpu.memory_space<vmem>> -> memref<125x128xf32, #tpu.memory_space<vmem>>
    %dma_start3A_1215 = arith.constant 0 : i32
    %dma_start3A_1216 = tpu.memref_slice %arg4[%add3A_1209, %dma_start3A_1215] : memref<100000x128xf32, #tpu.memory_space<hbm>> -> memref<125x128xf32, #tpu.memory_space<hbm>>
    %dma_start3A_1217 = arith.constant 0 : i32
    %dma_start3A_1218 = tpu.memref_slice %arg4[%add3A_1209, %dma_start3A_1217] : memref<100000x128xf32, #tpu.memory_space<hbm>> -> memref<125x128xf32, #tpu.memory_space<hbm>>
    %dma_start3A_1219 = arith.constant 0 : i32
    %dma_start3A_1220 = arith.constant 0 : i32
    %dma_start3A_1221 = tpu.memref_slice %arg6[%dma_start3A_1210, %dma_start3A_1219, %dma_start3A_1220] : memref<6x125x128xf32, #tpu.memory_space<vmem>> -> memref<1x125x128xf32, #tpu.memory_space<vmem>>
    %dma_start3A_1222 = tpu.memref_squeeze %dma_start3A_1221 : memref<1x125x128xf32, #tpu.memory_space<vmem>> -> memref<125x128xf32, #tpu.memory_space<vmem>>
    tpu.enqueue_dma source(%dma_start3A_1222 : memref<125x128xf32, #tpu.memory_space<vmem>>) target(%dma_start3A_1218 : memref<125x128xf32, #tpu.memory_space<hbm>>) target_semaphore(%arg13 : memref<!tpu.dma_semaphore, #tpu.memory_space<semaphore_mem>>)
    %dma_wait3A_1223 = arith.constant 1 : i32
    %dma_wait3A_1224 = arith.constant 0 : i32
    %dma_wait3A_1225 = arith.constant 0 : i32
    %dma_wait3A_1226 = tpu.memref_slice %arg6[%dma_wait3A_1223, %dma_wait3A_1224, %dma_wait3A_1225] : memref<6x125x128xf32, #tpu.memory_space<vmem>> -> memref<1x125x128xf32, #tpu.memory_space<vmem>>
    %dma_wait3A_1227 = tpu.memref_squeeze %dma_wait3A_1226 : memref<1x125x128xf32, #tpu.memory_space<vmem>> -> memref<125x128xf32, #tpu.memory_space<vmem>>
    %dma_wait3A_1228 = arith.constant 0 : i32
    %dma_wait3A_1229 = tpu.memref_slice %arg4[%add3A_1074, %dma_wait3A_1228] : memref<100000x128xf32, #tpu.memory_space<hbm>> -> memref<125x128xf32, #tpu.memory_space<hbm>>
    %dma_wait3A_1230 = arith.constant 0 : i32
    %dma_wait3A_1231 = tpu.memref_slice %arg4[%add3A_1074, %dma_wait3A_1230] : memref<100000x128xf32, #tpu.memory_space<hbm>> -> memref<125x128xf32, #tpu.memory_space<hbm>>
    %dma_wait3A_1232 = arith.constant 0 : i32
    %dma_wait3A_1233 = arith.constant 0 : i32
    %dma_wait3A_1234 = tpu.memref_slice %arg6[%dma_wait3A_1223, %dma_wait3A_1232, %dma_wait3A_1233] : memref<6x125x128xf32, #tpu.memory_space<vmem>> -> memref<1x125x128xf32, #tpu.memory_space<vmem>>
    %dma_wait3A_1235 = tpu.memref_squeeze %dma_wait3A_1234 : memref<1x125x128xf32, #tpu.memory_space<vmem>> -> memref<125x128xf32, #tpu.memory_space<vmem>>
    tpu.wait_dma2 semaphore(%arg14 : memref<!tpu.dma_semaphore, #tpu.memory_space<semaphore_mem>>) src(%dma_wait3A_1235 : memref<125x128xf32, #tpu.memory_space<vmem>>) dst(%dma_wait3A_1231 : memref<125x128xf32, #tpu.memory_space<hbm>>)
    %dma_wait3A_1236 = arith.constant 2 : i32
    %dma_wait3A_1237 = arith.constant 0 : i32
    %dma_wait3A_1238 = arith.constant 0 : i32
    %dma_wait3A_1239 = tpu.memref_slice %arg6[%dma_wait3A_1236, %dma_wait3A_1237, %dma_wait3A_1238] : memref<6x125x128xf32, #tpu.memory_space<vmem>> -> memref<1x125x128xf32, #tpu.memory_space<vmem>>
    %dma_wait3A_1240 = tpu.memref_squeeze %dma_wait3A_1239 : memref<1x125x128xf32, #tpu.memory_space<vmem>> -> memref<125x128xf32, #tpu.memory_space<vmem>>
    %dma_wait3A_1241 = arith.constant 0 : i32
    %dma_wait3A_1242 = tpu.memref_slice %arg4[%add3A_1101, %dma_wait3A_1241] : memref<100000x128xf32, #tpu.memory_space<hbm>> -> memref<125x128xf32, #tpu.memory_space<hbm>>
    %dma_wait3A_1243 = arith.constant 0 : i32
    %dma_wait3A_1244 = tpu.memref_slice %arg4[%add3A_1101, %dma_wait3A_1243] : memref<100000x128xf32, #tpu.memory_space<hbm>> -> memref<125x128xf32, #tpu.memory_space<hbm>>
    %dma_wait3A_1245 = arith.constant 0 : i32
    %dma_wait3A_1246 = arith.constant 0 : i32
    %dma_wait3A_1247 = tpu.memref_slice %arg6[%dma_wait3A_1236, %dma_wait3A_1245, %dma_wait3A_1246] : memref<6x125x128xf32, #tpu.memory_space<vmem>> -> memref<1x125x128xf32, #tpu.memory_space<vmem>>
    %dma_wait3A_1248 = tpu.memref_squeeze %dma_wait3A_1247 : memref<1x125x128xf32, #tpu.memory_space<vmem>> -> memref<125x128xf32, #tpu.memory_space<vmem>>
    tpu.wait_dma2 semaphore(%arg15 : memref<!tpu.dma_semaphore, #tpu.memory_space<semaphore_mem>>) src(%dma_wait3A_1248 : memref<125x128xf32, #tpu.memory_space<vmem>>) dst(%dma_wait3A_1244 : memref<125x128xf32, #tpu.memory_space<hbm>>)
    %dma_wait3A_1249 = arith.constant 3 : i32
    %dma_wait3A_1250 = arith.constant 0 : i32
    %dma_wait3A_1251 = arith.constant 0 : i32
    %dma_wait3A_1252 = tpu.memref_slice %arg6[%dma_wait3A_1249, %dma_wait3A_1250, %dma_wait3A_1251] : memref<6x125x128xf32, #tpu.memory_space<vmem>> -> memref<1x125x128xf32, #tpu.memory_space<vmem>>
    %dma_wait3A_1253 = tpu.memref_squeeze %dma_wait3A_1252 : memref<1x125x128xf32, #tpu.memory_space<vmem>> -> memref<125x128xf32, #tpu.memory_space<vmem>>
    %dma_wait3A_1254 = arith.constant 0 : i32
    %dma_wait3A_1255 = tpu.memref_slice %arg4[%add3A_1128, %dma_wait3A_1254] : memref<100000x128xf32, #tpu.memory_space<hbm>> -> memref<125x128xf32, #tpu.memory_space<hbm>>
    %dma_wait3A_1256 = arith.constant 0 : i32
    %dma_wait3A_1257 = tpu.memref_slice %arg4[%add3A_1128, %dma_wait3A_1256] : memref<100000x128xf32, #tpu.memory_space<hbm>> -> memref<125x128xf32, #tpu.memory_space<hbm>>
    %dma_wait3A_1258 = arith.constant 0 : i32
    %dma_wait3A_1259 = arith.constant 0 : i32
    %dma_wait3A_1260 = tpu.memref_slice %arg6[%dma_wait3A_1249, %dma_wait3A_1258, %dma_wait3A_1259] : memref<6x125x128xf32, #tpu.memory_space<vmem>> -> memref<1x125x128xf32, #tpu.memory_space<vmem>>
    %dma_wait3A_1261 = tpu.memref_squeeze %dma_wait3A_1260 : memref<1x125x128xf32, #tpu.memory_space<vmem>> -> memref<125x128xf32, #tpu.memory_space<vmem>>
    tpu.wait_dma2 semaphore(%arg16 : memref<!tpu.dma_semaphore, #tpu.memory_space<semaphore_mem>>) src(%dma_wait3A_1261 : memref<125x128xf32, #tpu.memory_space<vmem>>) dst(%dma_wait3A_1257 : memref<125x128xf32, #tpu.memory_space<hbm>>)
    %dma_wait3A_1262 = arith.constant 4 : i32
    %dma_wait3A_1263 = arith.constant 0 : i32
    %dma_wait3A_1264 = arith.constant 0 : i32
    %dma_wait3A_1265 = tpu.memref_slice %arg6[%dma_wait3A_1262, %dma_wait3A_1263, %dma_wait3A_1264] : memref<6x125x128xf32, #tpu.memory_space<vmem>> -> memref<1x125x128xf32, #tpu.memory_space<vmem>>
    %dma_wait3A_1266 = tpu.memref_squeeze %dma_wait3A_1265 : memref<1x125x128xf32, #tpu.memory_space<vmem>> -> memref<125x128xf32, #tpu.memory_space<vmem>>
    %dma_wait3A_1267 = arith.constant 0 : i32
    %dma_wait3A_1268 = tpu.memref_slice %arg4[%add3A_1155, %dma_wait3A_1267] : memref<100000x128xf32, #tpu.memory_space<hbm>> -> memref<125x128xf32, #tpu.memory_space<hbm>>
    %dma_wait3A_1269 = arith.constant 0 : i32
    %dma_wait3A_1270 = tpu.memref_slice %arg4[%add3A_1155, %dma_wait3A_1269] : memref<100000x128xf32, #tpu.memory_space<hbm>> -> memref<125x128xf32, #tpu.memory_space<hbm>>
    %dma_wait3A_1271 = arith.constant 0 : i32
    %dma_wait3A_1272 = arith.constant 0 : i32
    %dma_wait3A_1273 = tpu.memref_slice %arg6[%dma_wait3A_1262, %dma_wait3A_1271, %dma_wait3A_1272] : memref<6x125x128xf32, #tpu.memory_space<vmem>> -> memref<1x125x128xf32, #tpu.memory_space<vmem>>
    %dma_wait3A_1274 = tpu.memref_squeeze %dma_wait3A_1273 : memref<1x125x128xf32, #tpu.memory_space<vmem>> -> memref<125x128xf32, #tpu.memory_space<vmem>>
    tpu.wait_dma2 semaphore(%arg17 : memref<!tpu.dma_semaphore, #tpu.memory_space<semaphore_mem>>) src(%dma_wait3A_1274 : memref<125x128xf32, #tpu.memory_space<vmem>>) dst(%dma_wait3A_1270 : memref<125x128xf32, #tpu.memory_space<hbm>>)
    %dma_wait3A_1275 = arith.constant 5 : i32
    %dma_wait3A_1276 = arith.constant 0 : i32
    %dma_wait3A_1277 = arith.constant 0 : i32
    %dma_wait3A_1278 = tpu.memref_slice %arg6[%dma_wait3A_1275, %dma_wait3A_1276, %dma_wait3A_1277] : memref<6x125x128xf32, #tpu.memory_space<vmem>> -> memref<1x125x128xf32, #tpu.memory_space<vmem>>
    %dma_wait3A_1279 = tpu.memref_squeeze %dma_wait3A_1278 : memref<1x125x128xf32, #tpu.memory_space<vmem>> -> memref<125x128xf32, #tpu.memory_space<vmem>>
    %dma_wait3A_1280 = arith.constant 0 : i32
    %dma_wait3A_1281 = tpu.memref_slice %arg4[%add3A_1182, %dma_wait3A_1280] : memref<100000x128xf32, #tpu.memory_space<hbm>> -> memref<125x128xf32, #tpu.memory_space<hbm>>
    %dma_wait3A_1282 = arith.constant 0 : i32
    %dma_wait3A_1283 = tpu.memref_slice %arg4[%add3A_1182, %dma_wait3A_1282] : memref<100000x128xf32, #tpu.memory_space<hbm>> -> memref<125x128xf32, #tpu.memory_space<hbm>>
    %dma_wait3A_1284 = arith.constant 0 : i32
    %dma_wait3A_1285 = arith.constant 0 : i32
    %dma_wait3A_1286 = tpu.memref_slice %arg6[%dma_wait3A_1275, %dma_wait3A_1284, %dma_wait3A_1285] : memref<6x125x128xf32, #tpu.memory_space<vmem>> -> memref<1x125x128xf32, #tpu.memory_space<vmem>>
    %dma_wait3A_1287 = tpu.memref_squeeze %dma_wait3A_1286 : memref<1x125x128xf32, #tpu.memory_space<vmem>> -> memref<125x128xf32, #tpu.memory_space<vmem>>
    tpu.wait_dma2 semaphore(%arg18 : memref<!tpu.dma_semaphore, #tpu.memory_space<semaphore_mem>>) src(%dma_wait3A_1287 : memref<125x128xf32, #tpu.memory_space<vmem>>) dst(%dma_wait3A_1283 : memref<125x128xf32, #tpu.memory_space<hbm>>)
    %dma_wait3A_1288 = arith.constant 0 : i32
    %dma_wait3A_1289 = arith.constant 0 : i32
    %dma_wait3A_1290 = arith.constant 0 : i32
    %dma_wait3A_1291 = tpu.memref_slice %arg6[%dma_wait3A_1288, %dma_wait3A_1289, %dma_wait3A_1290] : memref<6x125x128xf32, #tpu.memory_space<vmem>> -> memref<1x125x128xf32, #tpu.memory_space<vmem>>
    %dma_wait3A_1292 = tpu.memref_squeeze %dma_wait3A_1291 : memref<1x125x128xf32, #tpu.memory_space<vmem>> -> memref<125x128xf32, #tpu.memory_space<vmem>>
    %dma_wait3A_1293 = arith.constant 0 : i32
    %dma_wait3A_1294 = tpu.memref_slice %arg4[%add3A_1209, %dma_wait3A_1293] : memref<100000x128xf32, #tpu.memory_space<hbm>> -> memref<125x128xf32, #tpu.memory_space<hbm>>
    %dma_wait3A_1295 = arith.constant 0 : i32
    %dma_wait3A_1296 = tpu.memref_slice %arg4[%add3A_1209, %dma_wait3A_1295] : memref<100000x128xf32, #tpu.memory_space<hbm>> -> memref<125x128xf32, #tpu.memory_space<hbm>>
    %dma_wait3A_1297 = arith.constant 0 : i32
    %dma_wait3A_1298 = arith.constant 0 : i32
    %dma_wait3A_1299 = tpu.memref_slice %arg6[%dma_wait3A_1288, %dma_wait3A_1297, %dma_wait3A_1298] : memref<6x125x128xf32, #tpu.memory_space<vmem>> -> memref<1x125x128xf32, #tpu.memory_space<vmem>>
    %dma_wait3A_1300 = tpu.memref_squeeze %dma_wait3A_1299 : memref<1x125x128xf32, #tpu.memory_space<vmem>> -> memref<125x128xf32, #tpu.memory_space<vmem>>
    tpu.wait_dma2 semaphore(%arg13 : memref<!tpu.dma_semaphore, #tpu.memory_space<semaphore_mem>>) src(%dma_wait3A_1300 : memref<125x128xf32, #tpu.memory_space<vmem>>) dst(%dma_wait3A_1296 : memref<125x128xf32, #tpu.memory_space<hbm>>)
    return
  }
}

</mosaic_0001>

<sc_bundles>
// kernel: kernel.3.cloned.1.call-start
scs
__scs_entry_jumppad:
0x0: {  	(pc) =	sbr.rel $0x88, $3  }
0x1: {  	(tag) =	ssettag $0x0;
	lr =	simm.s32 $0x1  }
0x2: {  	[smem:$0x3F9F] =	sst lr;
	_ =	strace $0xD0000000  }
0x3: {  	_ = 	snop  }
0x4: {  	_ = 	snop  }
0x5: {  	_ = 	snop  }
0x6: {  	_ = 	snop  }
0x7: {  	_ = 	snop  }
__scs_overlays_trampoline_lowered:
0x8: {  	[smem:$0x3FAE] =	sst s0  }
0x9: {  	[smem:$0x3FAF] =	sst s1  }
0xa: {  	[smem:$0x3FB0] =	sst s2  }
0xb: {  	[smem:$0x3FB1] =	sst s3  }
0xc: {  	[smem:$0x3FB2] =	sst s4  }
0xd: {  	[smem:$0x3FB3] =	sst s5  }
0xe: {  	[smem:$0x3FB4] =	sst s6  }
0xf: {  	[smem:$0x3FB5] =	sst s7  }
0x10: {  	[smem:$0x3FB6] =	sst s8  }
0x11: {  	[smem:$0x3FB7] =	sst s9;
	s0 =	simm.s32 @!p0 $0x0  }
0x12: {  	s1 =	sld [smem:$0x3F9D];
	s0 =	simm.s32 @p0 $0x1  }
0x13: {  	[smem:$0x3FB8] =	sst s0;
	s0 =	simm.s32 @!p1 $0x0  }
0x14: {  	s2 =	sld [smem:$0x3F9C];
	s0 =	simm.s32 @p1 $0x1  }
0x15: {  	[smem:$0x3FB9] =	sst s0;
	s0 =	simm.s32 @!p2 $0x0  }
0x16: {  	s3 =	sld [smem:$0x3FDB];
	s0 =	simm.s32 @p2 $0x1  }
0x17: {  	s4 =	simm.s32 $0x1BF5;
	[smem:$0x3FBB] =	sst s0  }
0x18: {  	s0 =	sld [smem:$0x3F9E];
	_ =	swait.ge [sflag:s4], $0x0  }
0x19: {  	s7 =	sld [smem:$0x3F9F]  }
0x1a: {  	s8 =	sadd.s32 $0xFFFFE003, lr  }
0x1b: {  	s9 =	sadd.s32 $0xFFFFFEF7, lr;
	s5 =	simm.s32 $0xFFFFFFFF;
	p2 =	slt.u32 s8, $0xFFFFF086  }
0x1c: {  	p1 =	slt.u32 s9, $0xF7A;
	s5 =	simm.s32 @!p2 $0x0  }
0x1d: {  	s5 =	simm.s32 @p1 $0x1;
	p0 =	seq.s32 s7, s2  }
0x1e: {  	s7 =	smul.u32 @!p0 $0xF7A, s2;
	p2 =	seq.s32 @!p0 s5, $0x0  }
0x1f: {  	s9 =	smul.u32 $0xF7A, s1;
	s8 =	simm.s32 @!p0 $0x1BF5;
	p2 =	por !p2, p0  }
0x20: {  	[sflag:s8] =	ssyncset.s32 @!p0 $0xFFFFF086;
	s6 =	sadd.s32 @!p0 s3, s7;
	s7 =	simm.s32 @!p0 $0x108  }
0x21: {  	s3 =	sadd.s32 s3, s9;
	s6 =	sadd.s32 @!p0 $0x88, s6;
	s7 =	simm.s32 @p2 $0x1082  }
0x22: {  	[simem:s7], [sflag:s8] =	dma.local @!p0 [hbm:s6], $0xF7A  }
0x23: {  	s9 =	sor.u32 $0xD0000000, s2;
	s6 =	simm.s32 $0x108;
	_ =	swait.ge @!p0 [sflag:s8], $0x0  }
0x24: {  	s3 =	sadd.s32 $0x88, s3;
	s6 =	simm.s32 @!p1 $0x1082;
	[sflag:s4] =	ssyncset.s32 $0xFFFFF086  }
0x25: {  	[simem:s6], [sflag:s4] =	dma.local [hbm:s3], $0xF7A  }
0x26: {  	[smem:$0x3F9F] =	sst s1;
	(tag) =	ssettag s2;
	_ =	strace s9  }
0x27: {  	s1 =	sld [smem:$0x3FAF]  }
0x28: {  	s2 =	sld [smem:$0x3FB0]  }
0x29: {  	s4 =	sld [smem:$0x3FB2]  }
0x2a: {  	p0 =	seq.s32 s5, $0x0;
	s5 =	sld [smem:$0x3FB3]  }
0x2b: {  	s6 =	sld [smem:$0x3FB4]  }
0x2c: {  	s7 =	sld [smem:$0x3FB5]  }
0x2d: {  	s3 =	simm.s32 $0x108;
	s8 =	sld [smem:$0x3FB6]  }
0x2e: {  	s3 =	simm.s32 @!p0 $0x1082;
	s9 =	sld [smem:$0x3FB7]  }
0x2f: {  	lr =	sadd.s32 s0, s3;
	s0 =	sld [smem:$0x3FAE]  }
0x30: {  	s3 =	sld [smem:$0x3FB1]  }
0x31: {  	[smem:$0x3FBA] =	sst s10  }
0x32: {  	s10 =	sld [smem:$0x3FB8];
	_ =	sdelay $0x3  }
0x33: {  	p0 =	seq.s32 s10, $0x1;
	s10 =	sld [smem:$0x3FBA];
	_ =	sdelay $0x3  }
0x34: {  	[smem:$0x3FBA] =	sst s10  }
0x35: {  	s10 =	sld [smem:$0x3FB9];
	_ =	sdelay $0x3  }
0x36: {  	p1 =	seq.s32 s10, $0x1;
	s10 =	sld [smem:$0x3FBA];
	_ =	sdelay $0x3  }
0x37: {  	[smem:$0x3FBA] =	sst s10  }
0x38: {  	s10 =	sld [smem:$0x3FBB]  }
0x39: {  	_ = 	snop;
	(pc) =	sbr.ind lr, $3  }
0x3a: {  	_ = 	snop  }
0x3b: {  	_ = 	snop  }
0x3c: {  	p2 =	seq.s32 s10, $0x1;
	s10 =	sld [smem:$0x3FBA]  }
0x3d: {  	_ =	shalt  }
0x3e: {  	_ =	shalt  }
0x3f: {  	_ =	shalt  }
0x40: {  	_ =	shalt  }
0x41: {  	_ =	shalt  }
0x42: {  	_ =	shalt  }
0x43: {  	_ =	shalt  }
0x44: {  	_ =	shalt  }
0x45: {  	_ =	shalt  }
0x46: {  	_ =	shalt  }
0x47: {  	_ =	shalt  }
0x48: {  	_ =	shalt  }
0x49: {  	_ =	shalt  }
0x4a: {  	_ =	shalt  }
0x4b: {  	_ =	shalt  }
0x4c: {  	_ =	shalt  }
0x4d: {  	_ =	shalt  }
0x4e: {  	_ =	shalt  }
0x4f: {  	_ =	shalt  }
0x50: {  	_ =	shalt  }
0x51: {  	_ =	shalt  }
0x52: {  	_ =	shalt  }
0x53: {  	_ =	shalt  }
0x54: {  	_ =	shalt  }
0x55: {  	_ =	shalt  }
0x56: {  	_ =	shalt  }
0x57: {  	_ =	shalt  }
0x58: {  	_ =	shalt  }
0x59: {  	_ =	shalt  }
0x5a: {  	_ =	shalt  }
0x5b: {  	_ =	shalt  }
0x5c: {  	_ =	shalt  }
0x5d: {  	_ =	shalt  }
0x5e: {  	_ =	shalt  }
0x5f: {  	_ =	shalt  }
0x60: {  	_ =	shalt  }
0x61: {  	_ =	shalt  }
0x62: {  	_ =	shalt  }
0x63: {  	_ =	shalt  }
0x64: {  	_ =	shalt  }
0x65: {  	_ =	shalt  }
0x66: {  	_ =	shalt  }
0x67: {  	_ =	shalt  }
0x68: {  	_ =	shalt  }
0x69: {  	_ =	shalt  }
0x6a: {  	_ =	shalt  }
0x6b: {  	_ =	shalt  }
0x6c: {  	_ =	shalt  }
0x6d: {  	_ =	shalt  }
0x6e: {  	_ =	shalt  }
0x6f: {  	_ =	shalt  }
0x70: {  	_ =	shalt  }
0x71: {  	_ =	shalt  }
0x72: {  	_ =	shalt  }
0x73: {  	_ =	shalt  }
0x74: {  	_ =	shalt  }
0x75: {  	_ =	shalt  }
0x76: {  	_ =	shalt  }
0x77: {  	_ =	shalt  }
0x78: {  	_ =	shalt  }
0x79: {  	_ =	shalt  }
0x7a: {  	_ =	shalt  }
0x7b: {  	_ =	shalt  }
0x7c: {  	_ =	shalt  }
0x7d: {  	_ =	shalt  }
0x7e: {  	_ =	shalt  }
0x7f: {  	_ =	shalt  }
0x80: {  	_ =	shalt  }
0x81: {  	_ =	shalt  }
0x82: {  	_ =	shalt  }
0x83: {  	_ =	shalt  }
0x84: {  	_ =	shalt  }
0x85: {  	_ =	shalt  }
0x86: {  	_ =	shalt  }
0x87: {  	_ =	shalt  }
.Lfunc_end0:
.L_simem_size_0:
called_computation_lowered:
.L_overlay_start_0:
0x88: {  	s2 =	sld [smem:$0x3FD9]  }
0x89: {  	s3 =	sld [smem:$0x3FFE];
	_ =	sdelay $0x1  }
0x8a: {  	s1 =	srdreg.scid  }
0x8b: {  	s0 =	sand.u32 $0x1, s1  }
0x8c: {  	s17 =	sshll.u32 s0, $0xA;
	s2 =	sadd.s32 s3, s2  }
0x8d: {  	s2 =	sadd.s32 s2, s17  }
0x8e: {  	[smem:$0x3FC6] =	sst s2  }
0x8f: {  	_ = 	snop  }
0x90: {  	s2 =	sld [smem:$0x3FC8]  }
0x91: {  	s18 =	sld [smem:$0x3FD0];
	(tm) =	ssettm $0x1  }
0x92: {  	s4 =	sld [smem:$0x3FFB];
	_ =	sdelay $0x3  }
0x93: {  	_ =	strace s4  }
0x94: {  	s4 =	sld [smem:$0x3FFC];
	_ =	sdelay $0x3  }
0x95: {  	_ =	strace s4  }
0x96: {  	s4 =	sld [smem:$0x3FFD];
	_ =	sdelay $0x3  }
0x97: {  	_ =	strace s4  }
0x98: {  	_ =	strace $0x8FFFFFFF  }
0x99: {  	s19 =	sld [smem:$0x3FDB];
	_ =	sdelay $0x1  }
0x9a: {  	s5 =	simm.s32 $_scs_section_size  }
0x9b: {  	s6 =	simm.s32 $_size__tile_overlayer_lowered;
	s7 =	simm.s32 $_tile_overlayer_lowered  }
0x9c: {  	s22 =	simm.s32 $0x1BFF;
	s21 =	sshll.u32 s7, $0x1;
	s4 =	sadd.s32 s5, s19  }
0x9d: {  	s8 =	simm.s32 $0x0;
	s20 =	sshll.u32 s6, $0x1;
	s6 =	sadd.s32 s21, s4  }
0x9e: {  	[timem:s8], [sflag:s22] =	dma.local [hbm:s6], s20  }
0x9f: {  	_ =	swait.ge [sflag:s22], s20  }
0xa0: {  	s5 =	ssub.s32 $0x0, s20;
	[sflag:s22] =	ssyncset.done $0x0  }
0xa1: {  	[sflag:s22] =	ssyncadd.s32 s5;
	_ =	sdelay $0x1  }
0xa2: {  	s23 =	simm.s32 $0x1B8B  }
0xa3: {  	_ =	swait.ge [sflag:s23], $0x1  }
0xa4: {  	[sflag:s23] =	ssyncset.done $0x0  }
0xa5: {  	s25 =	simm.s32 $0x1B8E;
	s24 =	sld [smem:$0x3FFE];
	[sflag:s23] =	ssyncadd.s32 $0xFFFFFFFF  }
0xa6: {  	s26 =	simm.s32 $execute0_lowered;
	[smem:$0x3FD2] =	sst s25  }
0xa7: {  	s6 =	sshll.u32 s26, $0x1;
	_ =	strace $0x80000046;
	[dreg:$0x1] =	wrdreg $0xFFFFFFFF  }
0xa8: {  	s28 =	simm.s32 $_size_execute0_lowered;
	s4 =	sadd.s32 s4, s6;
	[dreg:$0x0] =	wrdreg $0x0  }
0xa9: {  	s6 =	sshll.u32 s28, $0x1;
	[dreg:$0x2] =	wrdreg s4  }
0xaa: {  	[dreg:$0x3] =	wrdreg s6  }
0xab: {  	[dreg:$0x4] =	wrdreg $0xC0  }
0xac: {  	_ =	task [dreg:s8], $0x5FFFF  }
0xad: {  	[dreg:$0x1] =	wrdreg $0xFFFFFFFF  }
0xae: {  	[dreg:$0x0] =	wrdreg $0x60  }
0xaf: {  	[dreg:$0x2] =	wrdreg s24  }
0xb0: {  	[dreg:$0x3] =	wrdreg s2  }
0xb1: {  	[dreg:$0x4] =	wrdreg s18  }
0xb2: {  	[dreg:$0x5] =	wrdreg $0x9  }
0xb3: {  	_ =	task.clear_ibuf [dreg:s8], $0x6FFFF;
	_ =	strace $0x90000046  }
0xb4: {  	s29 =	simm.s32 $0x9;
	_ =	strace $0x80000048  }
0xb5: {  	_ =	swait.ge [sflag:s29], $0x1  }
0xb6: {  	[sflag:s29] =	ssyncadd.s32 $0xFFFFFFFF  }
0xb7: {  	_ =	strace $0x90000048  }
0xb8: {  	_ =	sfence  }
0xb9: {  	s30 =	sld [smem:$0x0];
	_ =	sdelay $0x2  }
0xba: {  	s31 =	sshll.u32 s1, $0xD;
	s1 =	sshrl.u32 s1, $0x2  }
0xbb: {  	s3 =	sand.u32 $0x4000, s31;
	s1 =	sadd.s32 s1, s30  }
0xbc: {  	s0 =	sor.u32 s3, s0;
	s1 =	sshll.u32 s1, $0x11  }
0xbd: {  	s0 =	sor.u32 s1, s0  }
0xbe: {  	s0 =	sadd.s32 $0x8F2B, s0  }
0xbf: {  	[sflag:s0] =	ssyncadd.remote.s32 $0x1  }
0xc0: {  	_ =	sfence.sel $0xFFFF  }
0xc1: {  	[dreg:$0x0] =	wrdreg $0xFFFFFFFF;
	(pc) =	sbr.abs _section_cstart, $3  }
0xc2: {  	[dreg:$0x1] =	wrdreg $0xFFFFFFFF  }
0xc3: {  	_ =	task.clear_ibuf [dreg:s8], $0x2FFFF;
	_ =	strace $0x9FFFFFFF  }
0xc4: {  	(tm) =	ssettm $0x7FFFFFFF  }
0xc5: {  	_ =	shalt  }
tec
execute0_lowered:
.L_overlay_start_1:
0x0: {  	(tag) =	ssettag $0x1  }
0x1: {  	s0 =	srdreg.scid;
	s23 =	stileid.u32  }
0x2: {  	s1 =	sand.u32 $0x1, s0;
	s13 =	sshll.u32 s23, $0x1  }
0x3: {  	s0 =	sor.u32 s1, s13  }
0x4: {  	s4 =	rddreg [dreg:$0x0];
	s5 =	smul.u32 $0xC80, s0  }
0x5: {  	s3 =	rddreg [dreg:$0x1];
	s2 =	simm.s32 $0x0;
	s14 =	smul.u32 $0x61A80, s0  }
0x6: {  	[smem:$0x7FF] =	sst s2;
	s0 =	smul.u32 $0xC350, s0  }
0x7: {  	s6 =	rddreg [dreg:$0x2];
	_ =	strace $0x80000047;
	s5 =	sshrl.u32 s5, $0x3  }
0x8: {  	s0 =	sadd.s32 s6, s0;
	s4 =	sadd.s32 s5, s4;
	s5 =	sshrl.u32 s14, $0x3  }
0x9: {  	[dreg:$0x6] =	wrdreg s0;
	s7 =	sadd.s32 $0x400, s4;
	s4 =	sadd.s32 $0x450, s4  }
0xa: {  	[dreg:$0x5] =	wrdreg s4;
	s4 =	sadd.s32 s6, s5  }
0xb: {  	[dreg:$0x4] =	wrdreg s7;
	s15 =	sadd.s32 $0x7D0, s4  }
0xc: {  	s16 =	sadd.s32 $0xFA0, s4;
	[dreg:$0x7] =	wrdreg s15  }
0xd: {  	s17 =	sadd.s32 $0x1770, s4;
	[dreg:$0x8] =	wrdreg s16  }
0xe: {  	s18 =	sadd.s32 $0x1F40, s4;
	[dreg:$0x9] =	wrdreg s17  }
0xf: {  	s19 =	sadd.s32 $0x2710, s4;
	[dreg:$0xa] =	wrdreg s18  }
0x10: {  	s20 =	sadd.s32 $0x2EE0, s4;
	[dreg:$0xb] =	wrdreg s19  }
0x11: {  	s21 =	sadd.s32 $0x36B0, s4;
	[dreg:$0xc] =	wrdreg s20  }
0x12: {  	s22 =	sadd.s32 $0x3E80, s4;
	[dreg:$0xd] =	wrdreg s21  }
0x13: {  	s24 =	sadd.s32 $0x4650, s4;
	[dreg:$0xe] =	wrdreg s22  }
0x14: {  	s25 =	sadd.s32 $0x4E20, s4;
	[dreg:$0xf] =	wrdreg s24  }
0x15: {  	s26 =	sadd.s32 $0x55F0, s4;
	[dreg:$0x10] =	wrdreg s25  }
0x16: {  	s5 =	sadd.s32 $0x5DC0, s4;
	[dreg:$0x11] =	wrdreg s26  }
0x17: {  	s6 =	sadd.s32 $0x6590, s4;
	[dreg:$0x12] =	wrdreg s5  }
0x18: {  	s7 =	sadd.s32 $0x6D60, s4;
	[dreg:$0x13] =	wrdreg s6  }
0x19: {  	s8 =	sadd.s32 $0x7530, s4;
	[dreg:$0x14] =	wrdreg s7  }
0x1a: {  	s9 =	sadd.s32 $0x7D00, s4;
	[dreg:$0x15] =	wrdreg s8  }
0x1b: {  	s10 =	sadd.s32 $0x84D0, s4;
	[dreg:$0x16] =	wrdreg s9  }
0x1c: {  	s30 =	simm.s32 $0xD;
	s11 =	sadd.s32 $0x8CA0, s4;
	[dreg:$0x17] =	wrdreg s10  }
0x1d: {  	s31 =	simm.s32 $0x280;
	s12 =	sadd.s32 $0x9470, s4;
	[dreg:$0x18] =	wrdreg s11  }
0x1e: {  	p0 =	por $0x0, $0x0;
	s13 =	sadd.s32 $0x9C40, s4;
	[dreg:$0x19] =	wrdreg s12  }
0x1f: {  	s29 =	simm.s32 $0xA00;
	s14 =	sadd.s32 $0xA410, s4;
	[dreg:$0x1a] =	wrdreg s13  }
0x20: {  	s28 =	simm.s32 $0xA80;
	s1 =	ssub.s32 $0x2, s1;
	[dreg:$0x1b] =	wrdreg s14  }
0x21: {  	s15 =	sadd.s32 $0xABE0, s4;
	s16 =	sadd.s32 $0xB3B0, s4;
	s17 =	sshrl.u32 s1, $0x1  }
0x22: {  	s18 =	sadd.s32 $0xBB80, s4;
	s19 =	simm.s32 $0x80;
	[dreg:$0x1c] =	wrdreg s15  }
0x23: {  	s13 =	simm.s32 $0x7D;
	s20 =	simm.s32 $0x100;
	[dreg:$0x1d] =	wrdreg s16  }
0x24: {  	s4 =	simm.s32 $0xC80;
	s21 =	simm.s32 $0x180;
	[dreg:$0x1e] =	wrdreg s18  }
0x25: {  	s22 =	simm.s32 $0x200;
	s12 =	simm.s32 $0x8980;
	[dreg:$0x1f] =	wrdreg s19  }
0x26: {  	s10 =	simm.s32 $0xC800;
	s8 =	simm.s32 $0x10680;
	[smem:$0x7EE] =	sst s20  }
0x27: {  	s24 =	simm.s32 $0x300;
	s7 =	simm.s32 $0x14500;
	[smem:$0x7EF] =	sst s21  }
0x28: {  	s25 =	simm.s32 $0x380;
	s6 =	simm.s32 $0x1;
	[smem:$0x7F0] =	sst s22  }
0x29: {  	s26 =	simm.s32 $0x400;
	s5 =	simm.s32 $0x7;
	[smem:$0x7F1] =	sst s24  }
0x2a: {  	s9 =	simm.s32 $0x480;
	s11 =	simm.s32 $0x500;
	[smem:$0x7F2] =	sst s25  }
0x2b: {  	s14 =	simm.s32 $0x580;
	s1 =	ssub.s32 s1, s17;
	[smem:$0x7F3] =	sst s26  }
0x2c: {  	s15 =	simm.s32 $0x4B00;
	s18 =	simm.s32 $0x2;
	[smem:$0x7F4] =	sst s9  }
0x2d: {  	s9 =	simm.s32 $0x8;
	[smem:$0x7F5] =	sst s11;
	s19 =	simm.s32 $0x3  }
0x2e: {  	[smem:$0x7F6] =	sst s14;
	s16 =	simm.s32 $0x600;
	s11 =	simm.s32 $0x9  }
0x2f: {  	s17 =	simm.s32 $0x680;
	s20 =	simm.s32 $0x4;
	[smem:$0x7F7] =	sst s16  }
0x30: {  	s21 =	simm.s32 $0x700;
	s14 =	simm.s32 $0xA;
	[smem:$0x7F8] =	sst s17  }
0x31: {  	s22 =	simm.s32 $0x780;
	s0 =	smax.u32 s1, $0x1;
	[smem:$0x7F9] =	sst s21  }
0x32: {  	s24 =	simm.s32 $0x800;
	[smem:$0x7FA] =	sst s22;
	p1 =	sne.s32 s0, $0x1  }
.Ltmp0:
0x33: {  	s25 =	simm.s32 $0x880;
	[smem:$0x7FB] =	sst s24;
	(pc) =	sbr.rel @!p1 .LBB2_1-.Ltmp0, $4  }
0x34: {  	s26 =	simm.s32 $0x900;
	s21 =	simm.s32 $0x5;
	[smem:$0x7FC] =	sst s25  }
0x35: {  	s16 =	simm.s32 $0xB;
	s22 =	simm.s32 $0x6;
	[smem:$0x7FD] =	sst s26  }
0x36: {  	s17 =	simm.s32 $0xC;
	s26 =	simm.s32 $0xB00;
	s25 =	simm.s32 $0xB80  }
0x37: {  	s24 =	simm.s32 $0xC00;
	s1 =	sadd.s32 $0xFFFFFFFF, s0;
	s0 =	rddreg [dreg:$0x4]  }
0x38: {  	[tilespmem:s2], [sflag:$0xD] =	stream.linear.gather [hbm4b:s0+s2], $0x280, $0x38;
	[tilespmem:$0x18380] =	vst v63  }
0x39: {  	_ =	swait.ge [sflag:s30], $0x280  }
0x3a: {  	[sflag:s30] =	ssyncset.done $0x0  }
0x3b: {  	s0 =	rddreg [dreg:$0x1f];
	[sflag:s30] =	ssyncadd.s32 $0xFFFFFD80  }
0x3c: {  	[tilespmem:s4], [sflag:$0x1] =	stream.indirect.gather [hbm4b:s3+s13], $0x80, s2, s13, $0xb8;
	[tilespmem:$0x18380] =	vst v63  }
0x3d: {  	s23 =	smov.u32 s1;
	s1 =	sld [smem:$0x7EE]  }
0x3e: {  	[tilespmem:s15], [sflag:$0x2] =	stream.indirect.gather [hbm4b:s3+s13], $0x80, s0, s13, $0xb8;
	[tilespmem:$0x18380] =	vst v63  }
0x3f: {  	s0 =	sld [smem:$0x7EF]  }
0x40: {  	[tilespmem:s12], [sflag:$0x3] =	stream.indirect.gather [hbm4b:s3+s13], $0x80, s1, s13, $0xb8;
	[tilespmem:$0x18380] =	vst v63  }
0x41: {  	s1 =	sld [smem:$0x7F0]  }
0x42: {  	[tilespmem:s10], [sflag:$0x4] =	stream.indirect.gather [hbm4b:s3+s13], $0x80, s0, s13, $0xb8;
	[tilespmem:$0x18380] =	vst v63  }
0x43: {  	_ = 	snop  }
0x44: {  	[tilespmem:s8], [sflag:$0x5] =	stream.indirect.gather [hbm4b:s3+s13], $0x80, s1, s13, $0xb8;
	[tilespmem:$0x18380] =	vst v63  }
0x45: {  	s0 =	rddreg [dreg:$0x5]  }
0x46: {  	[tilespmem:s31], [sflag:$0xD] =	stream.linear.gather [hbm4b:s0+s2], $0xA00, $0x38;
	[tilespmem:$0x18380] =	vst v63  }
0x47: {  	_ =	swait.ge [sflag:s30], $0xA00  }
0x48: {  	[sflag:s30] =	ssyncset.done $0x0  }
0x49: {  	[sflag:s30] =	ssyncadd.s32 $0xFFFFF600  }
0x4a: {  	[tilespmem:s7], [sflag:$0x6] =	stream.indirect.gather [hbm4b:s3+s13], $0x80, s31, s13, $0xb8;
	[tilespmem:$0x18380] =	vst v63  }
0x4b: {  	_ =	swait.ge [sflag:s6], $0x3E80  }
0x4c: {  	[sflag:s6] =	ssyncset.done $0x0  }
0x4d: {  	s1 =	rddreg [dreg:$0x6];
	[sflag:s6] =	ssyncadd.s32 $0xFFFFC180  }
0x4e: {  	[hbm4b:s1+s2] =	stream.linear.scatter [tilespmem:s4], [sflag:$0x7], $0x3E80, $0x38;
	[tilespmem:$0x18380] =	vst v63  }
0x4f: {  	_ =	swait.ge [sflag:s5], $0x3E80  }
0x50: {  	s1 =	sld [smem:$0x7F1]  }
0x51: {  	[sflag:s5] =	ssyncset.done $0x0  }
0x52: {  	[sflag:s5] =	ssyncadd.s32 $0xFFFFC180  }
0x53: {  	[tilespmem:s4], [sflag:$0x1] =	stream.indirect.gather [hbm4b:s3+s13], $0x80, s1, s13, $0xb8;
	[tilespmem:$0x18380] =	vst v63  }
0x54: {  	_ =	swait.ge [sflag:s18], $0x3E80  }
0x55: {  	[sflag:s18] =	ssyncset.done $0x0  }
0x56: {  	s1 =	rddreg [dreg:$0x7];
	[sflag:s18] =	ssyncadd.s32 $0xFFFFC180  }
0x57: {  	[hbm4b:s1+s2] =	stream.linear.scatter [tilespmem:s15], [sflag:$0x8], $0x3E80, $0x38;
	[tilespmem:$0x18380] =	vst v63  }
0x58: {  	_ =	swait.ge [sflag:s9], $0x3E80  }
0x59: {  	s1 =	sld [smem:$0x7F2]  }
0x5a: {  	[sflag:s9] =	ssyncset.done $0x0  }
0x5b: {  	[sflag:s9] =	ssyncadd.s32 $0xFFFFC180  }
0x5c: {  	[tilespmem:s15], [sflag:$0x2] =	stream.indirect.gather [hbm4b:s3+s13], $0x80, s1, s13, $0xb8;
	[tilespmem:$0x18380] =	vst v63  }
0x5d: {  	_ =	swait.ge [sflag:s19], $0x3E80  }
0x5e: {  	[sflag:s19] =	ssyncset.done $0x0  }
0x5f: {  	s1 =	rddreg [dreg:$0x8];
	[sflag:s19] =	ssyncadd.s32 $0xFFFFC180  }
0x60: {  	[hbm4b:s1+s2] =	stream.linear.scatter [tilespmem:s12], [sflag:$0x9], $0x3E80, $0x38;
	[tilespmem:$0x18380] =	vst v63  }
0x61: {  	_ =	swait.ge [sflag:s11], $0x3E80  }
0x62: {  	s1 =	sld [smem:$0x7F3]  }
0x63: {  	[sflag:s11] =	ssyncset.done $0x0  }
0x64: {  	[sflag:s11] =	ssyncadd.s32 $0xFFFFC180  }
0x65: {  	[tilespmem:s12], [sflag:$0x3] =	stream.indirect.gather [hbm4b:s3+s13], $0x80, s1, s13, $0xb8;
	[tilespmem:$0x18380] =	vst v63  }
0x66: {  	_ =	swait.ge [sflag:s20], $0x3E80  }
0x67: {  	[sflag:s20] =	ssyncset.done $0x0  }
0x68: {  	s1 =	rddreg [dreg:$0x9];
	[sflag:s20] =	ssyncadd.s32 $0xFFFFC180  }
0x69: {  	[hbm4b:s1+s2] =	stream.linear.scatter [tilespmem:s10], [sflag:$0xA], $0x3E80, $0x38;
	[tilespmem:$0x18380] =	vst v63  }
0x6a: {  	_ =	swait.ge [sflag:s14], $0x3E80  }
0x6b: {  	s1 =	sld [smem:$0x7F4]  }
0x6c: {  	[sflag:s14] =	ssyncset.done $0x0  }
0x6d: {  	[sflag:s14] =	ssyncadd.s32 $0xFFFFC180  }
0x6e: {  	[tilespmem:s10], [sflag:$0x4] =	stream.indirect.gather [hbm4b:s3+s13], $0x80, s1, s13, $0xb8;
	[tilespmem:$0x18380] =	vst v63  }
0x6f: {  	_ =	swait.ge [sflag:s21], $0x3E80  }
0x70: {  	[sflag:s21] =	ssyncset.done $0x0  }
0x71: {  	s1 =	rddreg [dreg:$0xa];
	[sflag:s21] =	ssyncadd.s32 $0xFFFFC180  }
0x72: {  	[hbm4b:s1+s2] =	stream.linear.scatter [tilespmem:s8], [sflag:$0xB], $0x3E80, $0x38;
	[tilespmem:$0x18380] =	vst v63  }
0x73: {  	_ =	swait.ge [sflag:s16], $0x3E80  }
0x74: {  	s1 =	sld [smem:$0x7F5]  }
0x75: {  	[sflag:s16] =	ssyncset.done $0x0  }
0x76: {  	[sflag:s16] =	ssyncadd.s32 $0xFFFFC180  }
0x77: {  	[tilespmem:s8], [sflag:$0x5] =	stream.indirect.gather [hbm4b:s3+s13], $0x80, s1, s13, $0xb8;
	[tilespmem:$0x18380] =	vst v63  }
0x78: {  	_ =	swait.ge [sflag:s22], $0x3E80  }
0x79: {  	[sflag:s22] =	ssyncset.done $0x0  }
0x7a: {  	s1 =	rddreg [dreg:$0xb];
	[sflag:s22] =	ssyncadd.s32 $0xFFFFC180  }
0x7b: {  	[hbm4b:s1+s2] =	stream.linear.scatter [tilespmem:s7], [sflag:$0xC], $0x3E80, $0x38;
	[tilespmem:$0x18380] =	vst v63  }
0x7c: {  	_ =	swait.ge [sflag:s17], $0x3E80  }
0x7d: {  	s1 =	sld [smem:$0x7F6]  }
0x7e: {  	[sflag:s17] =	ssyncset.done $0x0  }
0x7f: {  	[sflag:s17] =	ssyncadd.s32 $0xFFFFC180  }
0x80: {  	[tilespmem:s7], [sflag:$0x6] =	stream.indirect.gather [hbm4b:s3+s13], $0x80, s1, s13, $0xb8;
	[tilespmem:$0x18380] =	vst v63  }
0x81: {  	_ =	swait.ge [sflag:s6], $0x3E80  }
0x82: {  	[sflag:s6] =	ssyncset.done $0x0  }
0x83: {  	s1 =	rddreg [dreg:$0xc];
	[sflag:s6] =	ssyncadd.s32 $0xFFFFC180  }
0x84: {  	[hbm4b:s1+s2] =	stream.linear.scatter [tilespmem:s4], [sflag:$0x7], $0x3E80, $0x38;
	[tilespmem:$0x18380] =	vst v63  }
0x85: {  	_ =	swait.ge [sflag:s5], $0x3E80  }
0x86: {  	s1 =	sld [smem:$0x7F7]  }
0x87: {  	[sflag:s5] =	ssyncset.done $0x0  }
0x88: {  	[sflag:s5] =	ssyncadd.s32 $0xFFFFC180  }
0x89: {  	[tilespmem:s4], [sflag:$0x1] =	stream.indirect.gather [hbm4b:s3+s13], $0x80, s1, s13, $0xb8;
	[tilespmem:$0x18380] =	vst v63  }
0x8a: {  	_ =	swait.ge [sflag:s18], $0x3E80  }
0x8b: {  	[sflag:s18] =	ssyncset.done $0x0  }
0x8c: {  	s1 =	rddreg [dreg:$0xd];
	[sflag:s18] =	ssyncadd.s32 $0xFFFFC180  }
0x8d: {  	[hbm4b:s1+s2] =	stream.linear.scatter [tilespmem:s15], [sflag:$0x8], $0x3E80, $0x38;
	[tilespmem:$0x18380] =	vst v63  }
0x8e: {  	_ =	swait.ge [sflag:s9], $0x3E80  }
0x8f: {  	s1 =	sld [smem:$0x7F8]  }
0x90: {  	[sflag:s9] =	ssyncset.done $0x0  }
0x91: {  	[sflag:s9] =	ssyncadd.s32 $0xFFFFC180  }
0x92: {  	[tilespmem:s15], [sflag:$0x2] =	stream.indirect.gather [hbm4b:s3+s13], $0x80, s1, s13, $0xb8;
	[tilespmem:$0x18380] =	vst v63  }
0x93: {  	_ =	swait.ge [sflag:s19], $0x3E80  }
0x94: {  	[sflag:s19] =	ssyncset.done $0x0  }
0x95: {  	s1 =	rddreg [dreg:$0xe];
	[sflag:s19] =	ssyncadd.s32 $0xFFFFC180  }
0x96: {  	[hbm4b:s1+s2] =	stream.linear.scatter [tilespmem:s12], [sflag:$0x9], $0x3E80, $0x38;
	[tilespmem:$0x18380] =	vst v63  }
0x97: {  	_ =	swait.ge [sflag:s11], $0x3E80  }
0x98: {  	s1 =	sld [smem:$0x7F9]  }
0x99: {  	[sflag:s11] =	ssyncset.done $0x0  }
0x9a: {  	[sflag:s11] =	ssyncadd.s32 $0xFFFFC180  }
0x9b: {  	[tilespmem:s12], [sflag:$0x3] =	stream.indirect.gather [hbm4b:s3+s13], $0x80, s1, s13, $0xb8;
	[tilespmem:$0x18380] =	vst v63  }
0x9c: {  	_ =	swait.ge [sflag:s20], $0x3E80  }
0x9d: {  	[sflag:s20] =	ssyncset.done $0x0  }
0x9e: {  	s1 =	rddreg [dreg:$0xf];
	[sflag:s20] =	ssyncadd.s32 $0xFFFFC180  }
0x9f: {  	[hbm4b:s1+s2] =	stream.linear.scatter [tilespmem:s10], [sflag:$0xA], $0x3E80, $0x38;
	[tilespmem:$0x18380] =	vst v63  }
0xa0: {  	_ =	swait.ge [sflag:s14], $0x3E80  }
0xa1: {  	s1 =	sld [smem:$0x7FA]  }
0xa2: {  	[sflag:s14] =	ssyncset.done $0x0  }
0xa3: {  	[sflag:s14] =	ssyncadd.s32 $0xFFFFC180  }
0xa4: {  	[tilespmem:s10], [sflag:$0x4] =	stream.indirect.gather [hbm4b:s3+s13], $0x80, s1, s13, $0xb8;
	[tilespmem:$0x18380] =	vst v63  }
0xa5: {  	_ =	swait.ge [sflag:s21], $0x3E80  }
0xa6: {  	[sflag:s21] =	ssyncset.done $0x0  }
0xa7: {  	s1 =	rddreg [dreg:$0x10];
	[sflag:s21] =	ssyncadd.s32 $0xFFFFC180  }
0xa8: {  	[hbm4b:s1+s2] =	stream.linear.scatter [tilespmem:s8], [sflag:$0xB], $0x3E80, $0x38;
	[tilespmem:$0x18380] =	vst v63  }
0xa9: {  	_ =	swait.ge [sflag:s16], $0x3E80  }
0xaa: {  	s1 =	sld [smem:$0x7FB]  }
0xab: {  	[sflag:s16] =	ssyncset.done $0x0  }
0xac: {  	[sflag:s16] =	ssyncadd.s32 $0xFFFFC180  }
0xad: {  	[tilespmem:s8], [sflag:$0x5] =	stream.indirect.gather [hbm4b:s3+s13], $0x80, s1, s13, $0xb8;
	[tilespmem:$0x18380] =	vst v63  }
0xae: {  	_ =	swait.ge [sflag:s22], $0x3E80  }
0xaf: {  	[sflag:s22] =	ssyncset.done $0x0  }
0xb0: {  	s1 =	rddreg [dreg:$0x11];
	[sflag:s22] =	ssyncadd.s32 $0xFFFFC180  }
0xb1: {  	[hbm4b:s1+s2] =	stream.linear.scatter [tilespmem:s7], [sflag:$0xC], $0x3E80, $0x38;
	[tilespmem:$0x18380] =	vst v63  }
0xb2: {  	_ =	swait.ge [sflag:s17], $0x3E80  }
0xb3: {  	s1 =	sld [smem:$0x7FC]  }
0xb4: {  	[sflag:s17] =	ssyncset.done $0x0  }
0xb5: {  	[sflag:s17] =	ssyncadd.s32 $0xFFFFC180  }
0xb6: {  	[tilespmem:s7], [sflag:$0x6] =	stream.indirect.gather [hbm4b:s3+s13], $0x80, s1, s13, $0xb8;
	[tilespmem:$0x18380] =	vst v63  }
0xb7: {  	_ =	swait.ge [sflag:s6], $0x3E80  }
0xb8: {  	[sflag:s6] =	ssyncset.done $0x0  }
0xb9: {  	s1 =	rddreg [dreg:$0x12];
	[sflag:s6] =	ssyncadd.s32 $0xFFFFC180  }
0xba: {  	[hbm4b:s1+s2] =	stream.linear.scatter [tilespmem:s4], [sflag:$0x7], $0x3E80, $0x38;
	[tilespmem:$0x18380] =	vst v63  }
0xbb: {  	_ =	swait.ge [sflag:s5], $0x3E80  }
0xbc: {  	s1 =	sld [smem:$0x7FD]  }
0xbd: {  	[sflag:s5] =	ssyncset.done $0x0  }
0xbe: {  	[sflag:s5] =	ssyncadd.s32 $0xFFFFC180  }
0xbf: {  	[tilespmem:s4], [sflag:$0x1] =	stream.indirect.gather [hbm4b:s3+s13], $0x80, s1, s13, $0xb8;
	[tilespmem:$0x18380] =	vst v63  }
0xc0: {  	_ =	swait.ge [sflag:s18], $0x3E80  }
0xc1: {  	[sflag:s18] =	ssyncset.done $0x0  }
0xc2: {  	s1 =	rddreg [dreg:$0x13];
	[sflag:s18] =	ssyncadd.s32 $0xFFFFC180  }
0xc3: {  	[hbm4b:s1+s2] =	stream.linear.scatter [tilespmem:s15], [sflag:$0x8], $0x3E80, $0x38;
	[tilespmem:$0x18380] =	vst v63  }
0xc4: {  	_ =	swait.ge [sflag:s9], $0x3E80  }
0xc5: {  	[sflag:s9] =	ssyncset.done $0x0  }
0xc6: {  	s1 =	simm.s32 $0x980;
	[sflag:s9] =	ssyncadd.s32 $0xFFFFC180  }
0xc7: {  	[tilespmem:s15], [sflag:$0x2] =	stream.indirect.gather [hbm4b:s3+s13], $0x80, s1, s13, $0xb8;
	[tilespmem:$0x18380] =	vst v63  }
0xc8: {  	_ =	swait.ge [sflag:s19], $0x3E80  }
0xc9: {  	[sflag:s19] =	ssyncset.done $0x0  }
0xca: {  	s1 =	rddreg [dreg:$0x14];
	[sflag:s19] =	ssyncadd.s32 $0xFFFFC180  }
0xcb: {  	[hbm4b:s1+s2] =	stream.linear.scatter [tilespmem:s12], [sflag:$0x9], $0x3E80, $0x38;
	[tilespmem:$0x18380] =	vst v63  }
0xcc: {  	_ =	swait.ge [sflag:s11], $0x3E80  }
0xcd: {  	[sflag:s11] =	ssyncset.done $0x0  }
0xce: {  	[sflag:s11] =	ssyncadd.s32 $0xFFFFC180  }
0xcf: {  	[tilespmem:s12], [sflag:$0x3] =	stream.indirect.gather [hbm4b:s3+s13], $0x80, s29, s13, $0xb8;
	[tilespmem:$0x18380] =	vst v63  }
0xd0: {  	_ =	swait.ge [sflag:s20], $0x3E80  }
0xd1: {  	[sflag:s20] =	ssyncset.done $0x0  }
0xd2: {  	s1 =	rddreg [dreg:$0x15];
	[sflag:s20] =	ssyncadd.s32 $0xFFFFC180  }
0xd3: {  	[hbm4b:s1+s2] =	stream.linear.scatter [tilespmem:s10], [sflag:$0xA], $0x3E80, $0x38;
	[tilespmem:$0x18380] =	vst v63  }
0xd4: {  	_ =	swait.ge [sflag:s14], $0x3E80  }
0xd5: {  	[sflag:s14] =	ssyncset.done $0x0  }
0xd6: {  	[sflag:s14] =	ssyncadd.s32 $0xFFFFC180  }
0xd7: {  	[tilespmem:s10], [sflag:$0x4] =	stream.indirect.gather [hbm4b:s3+s13], $0x80, s28, s13, $0xb8;
	[tilespmem:$0x18380] =	vst v63  }
0xd8: {  	_ =	swait.ge [sflag:s21], $0x3E80  }
0xd9: {  	[sflag:s21] =	ssyncset.done $0x0  }
0xda: {  	s1 =	rddreg [dreg:$0x16];
	[sflag:s21] =	ssyncadd.s32 $0xFFFFC180  }
0xdb: {  	[hbm4b:s1+s2] =	stream.linear.scatter [tilespmem:s8], [sflag:$0xB], $0x3E80, $0x38;
	[tilespmem:$0x18380] =	vst v63  }
0xdc: {  	_ =	swait.ge [sflag:s16], $0x3E80  }
0xdd: {  	[sflag:s16] =	ssyncset.done $0x0  }
0xde: {  	[sflag:s16] =	ssyncadd.s32 $0xFFFFC180  }
0xdf: {  	[tilespmem:s8], [sflag:$0x5] =	stream.indirect.gather [hbm4b:s3+s13], $0x80, s26, s13, $0xb8;
	[tilespmem:$0x18380] =	vst v63  }
0xe0: {  	_ =	swait.ge [sflag:s22], $0x3E80  }
0xe1: {  	[sflag:s22] =	ssyncset.done $0x0  }
0xe2: {  	s1 =	rddreg [dreg:$0x17];
	[sflag:s22] =	ssyncadd.s32 $0xFFFFC180  }
0xe3: {  	[hbm4b:s1+s2] =	stream.linear.scatter [tilespmem:s7], [sflag:$0xC], $0x3E80, $0x38;
	[tilespmem:$0x18380] =	vst v63  }
0xe4: {  	_ =	swait.ge [sflag:s17], $0x3E80  }
0xe5: {  	[sflag:s17] =	ssyncset.done $0x0  }
0xe6: {  	[sflag:s17] =	ssyncadd.s32 $0xFFFFC180  }
0xe7: {  	[tilespmem:s7], [sflag:$0x6] =	stream.indirect.gather [hbm4b:s3+s13], $0x80, s25, s13, $0xb8;
	[tilespmem:$0x18380] =	vst v63  }
0xe8: {  	_ =	swait.ge [sflag:s6], $0x3E80  }
0xe9: {  	[sflag:s6] =	ssyncset.done $0x0  }
0xea: {  	s1 =	rddreg [dreg:$0x18];
	[sflag:s6] =	ssyncadd.s32 $0xFFFFC180  }
0xeb: {  	[hbm4b:s1+s2] =	stream.linear.scatter [tilespmem:s4], [sflag:$0x7], $0x3E80, $0x38;
	[tilespmem:$0x18380] =	vst v63  }
0xec: {  	_ =	swait.ge [sflag:s5], $0x3E80  }
0xed: {  	[sflag:s5] =	ssyncset.done $0x0  }
0xee: {  	[sflag:s5] =	ssyncadd.s32 $0xFFFFC180  }
0xef: {  	[tilespmem:s4], [sflag:$0x1] =	stream.indirect.gather [hbm4b:s3+s13], $0x80, s24, s13, $0xb8;
	[tilespmem:$0x18380] =	vst v63  }
0xf0: {  	_ =	swait.ge [sflag:s18], $0x3E80  }
0xf1: {  	[sflag:s18] =	ssyncset.done $0x0  }
0xf2: {  	s1 =	rddreg [dreg:$0x19];
	[sflag:s18] =	ssyncadd.s32 $0xFFFFC180  }
0xf3: {  	[hbm4b:s1+s2] =	stream.linear.scatter [tilespmem:s15], [sflag:$0x8], $0x3E80, $0x38;
	[tilespmem:$0x18380] =	vst v63  }
0xf4: {  	_ =	swait.ge [sflag:s19], $0x3E80  }
0xf5: {  	[sflag:s19] =	ssyncset.done $0x0  }
0xf6: {  	s1 =	rddreg [dreg:$0x1a];
	[sflag:s19] =	ssyncadd.s32 $0xFFFFC180  }
0xf7: {  	[hbm4b:s1+s2] =	stream.linear.scatter [tilespmem:s12], [sflag:$0x9], $0x3E80, $0x38;
	[tilespmem:$0x18380] =	vst v63  }
0xf8: {  	_ =	swait.ge [sflag:s20], $0x3E80  }
0xf9: {  	[sflag:s20] =	ssyncset.done $0x0  }
0xfa: {  	s1 =	rddreg [dreg:$0x1b];
	[sflag:s20] =	ssyncadd.s32 $0xFFFFC180  }
0xfb: {  	[hbm4b:s1+s2] =	stream.linear.scatter [tilespmem:s10], [sflag:$0xA], $0x3E80, $0x38;
	[tilespmem:$0x18380] =	vst v63  }
0xfc: {  	_ =	swait.ge [sflag:s21], $0x3E80  }
0xfd: {  	[sflag:s21] =	ssyncset.done $0x0  }
0xfe: {  	s1 =	rddreg [dreg:$0x1c];
	[sflag:s21] =	ssyncadd.s32 $0xFFFFC180  }
0xff: {  	[hbm4b:s1+s2] =	stream.linear.scatter [tilespmem:s8], [sflag:$0xB], $0x3E80, $0x38;
	[tilespmem:$0x18380] =	vst v63  }
0x100: {  	_ =	swait.ge [sflag:s22], $0x3E80  }
0x101: {  	[sflag:s22] =	ssyncset.done $0x0  }
0x102: {  	s1 =	rddreg [dreg:$0x1d];
	[sflag:s22] =	ssyncadd.s32 $0xFFFFC180  }
0x103: {  	[hbm4b:s1+s2] =	stream.linear.scatter [tilespmem:s7], [sflag:$0xC], $0x3E80, $0x38;
	[tilespmem:$0x18380] =	vst v63  }
0x104: {  	_ =	swait.ge [sflag:s6], $0x3E80  }
0x105: {  	[sflag:s6] =	ssyncset.done $0x0  }
0x106: {  	s1 =	rddreg [dreg:$0x1e];
	[sflag:s6] =	ssyncadd.s32 $0xFFFFC180  }
0x107: {  	[hbm4b:s1+s2] =	stream.linear.scatter [tilespmem:s4], [sflag:$0x7], $0x3E80, $0x38;
	[tilespmem:$0x18380] =	vst v63  }
0x108: {  	_ =	swait.ge [sflag:s9], $0x3E80  }
0x109: {  	[sflag:s9] =	ssyncset.done $0x0  }
0x10a: {  	[sflag:s9] =	ssyncadd.s32 $0xFFFFC180  }
0x10b: {  	_ =	swait.ge [sflag:s11], $0x3E80  }
0x10c: {  	[sflag:s11] =	ssyncset.done $0x0  }
0x10d: {  	[sflag:s11] =	ssyncadd.s32 $0xFFFFC180  }
0x10e: {  	_ =	swait.ge [sflag:s14], $0x3E80  }
0x10f: {  	[sflag:s14] =	ssyncset.done $0x0  }
0x110: {  	[sflag:s14] =	ssyncadd.s32 $0xFFFFC180  }
0x111: {  	_ =	swait.ge [sflag:s16], $0x3E80  }
0x112: {  	[sflag:s16] =	ssyncset.done $0x0  }
0x113: {  	p1 =	sne.s32 s23, $0x1;
	[sflag:s16] =	ssyncadd.s32 $0xFFFFC180  }
.Ltmp1:
0x114: {  	_ =	swait.ge [sflag:s17], $0x3E80;
	(pc) =	sbr.rel @!p1 .LBB2_3-.Ltmp1, $4  }
0x115: {  	[sflag:s17] =	ssyncset.done $0x0  }
0x116: {  	[sflag:s17] =	ssyncadd.s32 $0xFFFFC180  }
0x117: {  	p0 =	por $0x1, $0x1;
	_ =	swait.ge [sflag:s5], $0x3E80  }
0x118: {  	s1 =	sadd.s32 $0xFFFFFFFF, s23;
	s0 =	rddreg [dreg:$0x4];
	[sflag:s5] =	ssyncset.done $0x0  }
.LBB2_4:
0x119: {  	[sflag:s5] =	ssyncadd.s32 $0xFFFFC180  }
0x11a: {  	[tilespmem:s2], [sflag:$0xD] =	stream.linear.gather [hbm4b:s0+s2], $0x280, $0x38;
	[tilespmem:$0x18380] =	vst v63  }
0x11b: {  	_ =	swait.ge [sflag:s30], $0x280  }
0x11c: {  	[sflag:s30] =	ssyncset.done $0x0  }
0x11d: {  	s0 =	rddreg [dreg:$0x1f];
	[sflag:s30] =	ssyncadd.s32 $0xFFFFFD80  }
0x11e: {  	[tilespmem:s4], [sflag:$0x1] =	stream.indirect.gather [hbm4b:s3+s13], $0x80, s2, s13, $0xb8;
	[tilespmem:$0x18380] =	vst v63  }
0x11f: {  	s23 =	sld [smem:$0x7EE]  }
0x120: {  	[tilespmem:s15], [sflag:$0x2] =	stream.indirect.gather [hbm4b:s3+s13], $0x80, s0, s13, $0xb8;
	[tilespmem:$0x18380] =	vst v63  }
0x121: {  	s0 =	sld [smem:$0x7EF]  }
0x122: {  	[tilespmem:s12], [sflag:$0x3] =	stream.indirect.gather [hbm4b:s3+s13], $0x80, s23, s13, $0xb8;
	[tilespmem:$0x18380] =	vst v63  }
0x123: {  	s23 =	sld [smem:$0x7F0]  }
0x124: {  	[tilespmem:s10], [sflag:$0x4] =	stream.indirect.gather [hbm4b:s3+s13], $0x80, s0, s13, $0xb8;
	[tilespmem:$0x18380] =	vst v63  }
0x125: {  	_ = 	snop  }
0x126: {  	[tilespmem:s8], [sflag:$0x5] =	stream.indirect.gather [hbm4b:s3+s13], $0x80, s23, s13, $0xb8;
	[tilespmem:$0x18380] =	vst v63  }
0x127: {  	s0 =	rddreg [dreg:$0x5]  }
0x128: {  	[tilespmem:s31], [sflag:$0xD] =	stream.linear.gather [hbm4b:s0+s2], $0xA00, $0x38;
	[tilespmem:$0x18380] =	vst v63  }
0x129: {  	_ =	swait.ge [sflag:s30], $0xA00  }
0x12a: {  	[sflag:s30] =	ssyncset.done $0x0  }
0x12b: {  	[sflag:s30] =	ssyncadd.s32 $0xFFFFF600  }
0x12c: {  	[tilespmem:s7], [sflag:$0x6] =	stream.indirect.gather [hbm4b:s3+s13], $0x80, s31, s13, $0xb8;
	[tilespmem:$0x18380] =	vst v63  }
0x12d: {  	_ =	swait.ge [sflag:s6], $0x3E80  }
0x12e: {  	[sflag:s6] =	ssyncset.done $0x0  }
0x12f: {  	s23 =	rddreg [dreg:$0x6];
	[sflag:s6] =	ssyncadd.s32 $0xFFFFC180  }
0x130: {  	[hbm4b:s23+s2] =	stream.linear.scatter [tilespmem:s4], [sflag:$0x7], $0x3E80, $0x38;
	[tilespmem:$0x18380] =	vst v63  }
0x131: {  	_ =	swait.ge [sflag:s5], $0x3E80  }
0x132: {  	s23 =	sld [smem:$0x7F1]  }
0x133: {  	[sflag:s5] =	ssyncset.done $0x0  }
0x134: {  	[sflag:s5] =	ssyncadd.s32 $0xFFFFC180  }
0x135: {  	[tilespmem:s4], [sflag:$0x1] =	stream.indirect.gather [hbm4b:s3+s13], $0x80, s23, s13, $0xb8;
	[tilespmem:$0x18380] =	vst v63  }
0x136: {  	_ =	swait.ge [sflag:s18], $0x3E80  }
0x137: {  	[sflag:s18] =	ssyncset.done $0x0  }
0x138: {  	s23 =	rddreg [dreg:$0x7];
	[sflag:s18] =	ssyncadd.s32 $0xFFFFC180  }
0x139: {  	[hbm4b:s23+s2] =	stream.linear.scatter [tilespmem:s15], [sflag:$0x8], $0x3E80, $0x38;
	[tilespmem:$0x18380] =	vst v63  }
0x13a: {  	_ =	swait.ge [sflag:s9], $0x3E80  }
0x13b: {  	s23 =	sld [smem:$0x7F2]  }
0x13c: {  	[sflag:s9] =	ssyncset.done $0x0  }
0x13d: {  	[sflag:s9] =	ssyncadd.s32 $0xFFFFC180  }
0x13e: {  	[tilespmem:s15], [sflag:$0x2] =	stream.indirect.gather [hbm4b:s3+s13], $0x80, s23, s13, $0xb8;
	[tilespmem:$0x18380] =	vst v63  }
0x13f: {  	_ =	swait.ge [sflag:s19], $0x3E80  }
0x140: {  	[sflag:s19] =	ssyncset.done $0x0  }
0x141: {  	s23 =	rddreg [dreg:$0x8];
	[sflag:s19] =	ssyncadd.s32 $0xFFFFC180  }
0x142: {  	[hbm4b:s23+s2] =	stream.linear.scatter [tilespmem:s12], [sflag:$0x9], $0x3E80, $0x38;
	[tilespmem:$0x18380] =	vst v63  }
0x143: {  	_ =	swait.ge [sflag:s11], $0x3E80  }
0x144: {  	s23 =	sld [smem:$0x7F3]  }
0x145: {  	[sflag:s11] =	ssyncset.done $0x0  }
0x146: {  	[sflag:s11] =	ssyncadd.s32 $0xFFFFC180  }
0x147: {  	[tilespmem:s12], [sflag:$0x3] =	stream.indirect.gather [hbm4b:s3+s13], $0x80, s23, s13, $0xb8;
	[tilespmem:$0x18380] =	vst v63  }
0x148: {  	_ =	swait.ge [sflag:s20], $0x3E80  }
0x149: {  	[sflag:s20] =	ssyncset.done $0x0  }
0x14a: {  	s23 =	rddreg [dreg:$0x9];
	[sflag:s20] =	ssyncadd.s32 $0xFFFFC180  }
0x14b: {  	[hbm4b:s23+s2] =	stream.linear.scatter [tilespmem:s10], [sflag:$0xA], $0x3E80, $0x38;
	[tilespmem:$0x18380] =	vst v63  }
0x14c: {  	_ =	swait.ge [sflag:s14], $0x3E80  }
0x14d: {  	s23 =	sld [smem:$0x7F4]  }
0x14e: {  	[sflag:s14] =	ssyncset.done $0x0  }
0x14f: {  	[sflag:s14] =	ssyncadd.s32 $0xFFFFC180  }
0x150: {  	[tilespmem:s10], [sflag:$0x4] =	stream.indirect.gather [hbm4b:s3+s13], $0x80, s23, s13, $0xb8;
	[tilespmem:$0x18380] =	vst v63  }
0x151: {  	_ =	swait.ge [sflag:s21], $0x3E80  }
0x152: {  	[sflag:s21] =	ssyncset.done $0x0  }
0x153: {  	s23 =	rddreg [dreg:$0xa];
	[sflag:s21] =	ssyncadd.s32 $0xFFFFC180  }
0x154: {  	[hbm4b:s23+s2] =	stream.linear.scatter [tilespmem:s8], [sflag:$0xB], $0x3E80, $0x38;
	[tilespmem:$0x18380] =	vst v63  }
0x155: {  	_ =	swait.ge [sflag:s16], $0x3E80  }
0x156: {  	s23 =	sld [smem:$0x7F5]  }
0x157: {  	[sflag:s16] =	ssyncset.done $0x0  }
0x158: {  	[sflag:s16] =	ssyncadd.s32 $0xFFFFC180  }
0x159: {  	[tilespmem:s8], [sflag:$0x5] =	stream.indirect.gather [hbm4b:s3+s13], $0x80, s23, s13, $0xb8;
	[tilespmem:$0x18380] =	vst v63  }
0x15a: {  	_ =	swait.ge [sflag:s22], $0x3E80  }
0x15b: {  	[sflag:s22] =	ssyncset.done $0x0  }
0x15c: {  	s23 =	rddreg [dreg:$0xb];
	[sflag:s22] =	ssyncadd.s32 $0xFFFFC180  }
0x15d: {  	[hbm4b:s23+s2] =	stream.linear.scatter [tilespmem:s7], [sflag:$0xC], $0x3E80, $0x38;
	[tilespmem:$0x18380] =	vst v63  }
0x15e: {  	_ =	swait.ge [sflag:s17], $0x3E80  }
0x15f: {  	s23 =	sld [smem:$0x7F6]  }
0x160: {  	[sflag:s17] =	ssyncset.done $0x0  }
0x161: {  	[sflag:s17] =	ssyncadd.s32 $0xFFFFC180  }
0x162: {  	[tilespmem:s7], [sflag:$0x6] =	stream.indirect.gather [hbm4b:s3+s13], $0x80, s23, s13, $0xb8;
	[tilespmem:$0x18380] =	vst v63  }
0x163: {  	_ =	swait.ge [sflag:s6], $0x3E80  }
0x164: {  	[sflag:s6] =	ssyncset.done $0x0  }
0x165: {  	s23 =	rddreg [dreg:$0xc];
	[sflag:s6] =	ssyncadd.s32 $0xFFFFC180  }
0x166: {  	[hbm4b:s23+s2] =	stream.linear.scatter [tilespmem:s4], [sflag:$0x7], $0x3E80, $0x38;
	[tilespmem:$0x18380] =	vst v63  }
0x167: {  	_ =	swait.ge [sflag:s5], $0x3E80  }
0x168: {  	s23 =	sld [smem:$0x7F7]  }
0x169: {  	[sflag:s5] =	ssyncset.done $0x0  }
0x16a: {  	[sflag:s5] =	ssyncadd.s32 $0xFFFFC180  }
0x16b: {  	[tilespmem:s4], [sflag:$0x1] =	stream.indirect.gather [hbm4b:s3+s13], $0x80, s23, s13, $0xb8;
	[tilespmem:$0x18380] =	vst v63  }
0x16c: {  	_ =	swait.ge [sflag:s18], $0x3E80  }
0x16d: {  	[sflag:s18] =	ssyncset.done $0x0  }
0x16e: {  	s23 =	rddreg [dreg:$0xd];
	[sflag:s18] =	ssyncadd.s32 $0xFFFFC180  }
0x16f: {  	[hbm4b:s23+s2] =	stream.linear.scatter [tilespmem:s15], [sflag:$0x8], $0x3E80, $0x38;
	[tilespmem:$0x18380] =	vst v63  }
0x170: {  	_ =	swait.ge [sflag:s9], $0x3E80  }
0x171: {  	s23 =	sld [smem:$0x7F8]  }
0x172: {  	[sflag:s9] =	ssyncset.done $0x0  }
0x173: {  	[sflag:s9] =	ssyncadd.s32 $0xFFFFC180  }
0x174: {  	[tilespmem:s15], [sflag:$0x2] =	stream.indirect.gather [hbm4b:s3+s13], $0x80, s23, s13, $0xb8;
	[tilespmem:$0x18380] =	vst v63  }
0x175: {  	_ =	swait.ge [sflag:s19], $0x3E80  }
0x176: {  	[sflag:s19] =	ssyncset.done $0x0  }
0x177: {  	s23 =	rddreg [dreg:$0xe];
	[sflag:s19] =	ssyncadd.s32 $0xFFFFC180  }
0x178: {  	[hbm4b:s23+s2] =	stream.linear.scatter [tilespmem:s12], [sflag:$0x9], $0x3E80, $0x38;
	[tilespmem:$0x18380] =	vst v63  }
0x179: {  	_ =	swait.ge [sflag:s11], $0x3E80  }
0x17a: {  	s23 =	sld [smem:$0x7F9]  }
0x17b: {  	[sflag:s11] =	ssyncset.done $0x0  }
0x17c: {  	[sflag:s11] =	ssyncadd.s32 $0xFFFFC180  }
0x17d: {  	[tilespmem:s12], [sflag:$0x3] =	stream.indirect.gather [hbm4b:s3+s13], $0x80, s23, s13, $0xb8;
	[tilespmem:$0x18380] =	vst v63  }
0x17e: {  	_ =	swait.ge [sflag:s20], $0x3E80  }
0x17f: {  	[sflag:s20] =	ssyncset.done $0x0  }
0x180: {  	s23 =	rddreg [dreg:$0xf];
	[sflag:s20] =	ssyncadd.s32 $0xFFFFC180  }
0x181: {  	[hbm4b:s23+s2] =	stream.linear.scatter [tilespmem:s10], [sflag:$0xA], $0x3E80, $0x38;
	[tilespmem:$0x18380] =	vst v63  }
0x182: {  	_ =	swait.ge [sflag:s14], $0x3E80  }
0x183: {  	s23 =	sld [smem:$0x7FA]  }
0x184: {  	[sflag:s14] =	ssyncset.done $0x0  }
0x185: {  	[sflag:s14] =	ssyncadd.s32 $0xFFFFC180  }
0x186: {  	[tilespmem:s10], [sflag:$0x4] =	stream.indirect.gather [hbm4b:s3+s13], $0x80, s23, s13, $0xb8;
	[tilespmem:$0x18380] =	vst v63  }
0x187: {  	_ =	swait.ge [sflag:s21], $0x3E80  }
0x188: {  	[sflag:s21] =	ssyncset.done $0x0  }
0x189: {  	s23 =	rddreg [dreg:$0x10];
	[sflag:s21] =	ssyncadd.s32 $0xFFFFC180  }
0x18a: {  	[hbm4b:s23+s2] =	stream.linear.scatter [tilespmem:s8], [sflag:$0xB], $0x3E80, $0x38;
	[tilespmem:$0x18380] =	vst v63  }
0x18b: {  	_ =	swait.ge [sflag:s16], $0x3E80  }
0x18c: {  	s23 =	sld [smem:$0x7FB]  }
0x18d: {  	[sflag:s16] =	ssyncset.done $0x0  }
0x18e: {  	[sflag:s16] =	ssyncadd.s32 $0xFFFFC180  }
0x18f: {  	[tilespmem:s8], [sflag:$0x5] =	stream.indirect.gather [hbm4b:s3+s13], $0x80, s23, s13, $0xb8;
	[tilespmem:$0x18380] =	vst v63  }
0x190: {  	_ =	swait.ge [sflag:s22], $0x3E80  }
0x191: {  	[sflag:s22] =	ssyncset.done $0x0  }
0x192: {  	s23 =	rddreg [dreg:$0x11];
	[sflag:s22] =	ssyncadd.s32 $0xFFFFC180  }
0x193: {  	[hbm4b:s23+s2] =	stream.linear.scatter [tilespmem:s7], [sflag:$0xC], $0x3E80, $0x38;
	[tilespmem:$0x18380] =	vst v63  }
0x194: {  	_ =	swait.ge [sflag:s17], $0x3E80  }
0x195: {  	s23 =	sld [smem:$0x7FC]  }
0x196: {  	[sflag:s17] =	ssyncset.done $0x0  }
0x197: {  	[sflag:s17] =	ssyncadd.s32 $0xFFFFC180  }
0x198: {  	[tilespmem:s7], [sflag:$0x6] =	stream.indirect.gather [hbm4b:s3+s13], $0x80, s23, s13, $0xb8;
	[tilespmem:$0x18380] =	vst v63  }
0x199: {  	_ =	swait.ge [sflag:s6], $0x3E80  }
0x19a: {  	[sflag:s6] =	ssyncset.done $0x0  }
0x19b: {  	s23 =	rddreg [dreg:$0x12];
	[sflag:s6] =	ssyncadd.s32 $0xFFFFC180  }
0x19c: {  	[hbm4b:s23+s2] =	stream.linear.scatter [tilespmem:s4], [sflag:$0x7], $0x3E80, $0x38;
	[tilespmem:$0x18380] =	vst v63  }
0x19d: {  	_ =	swait.ge [sflag:s5], $0x3E80  }
0x19e: {  	s23 =	sld [smem:$0x7FD]  }
0x19f: {  	[sflag:s5] =	ssyncset.done $0x0  }
0x1a0: {  	[sflag:s5] =	ssyncadd.s32 $0xFFFFC180  }
0x1a1: {  	[tilespmem:s4], [sflag:$0x1] =	stream.indirect.gather [hbm4b:s3+s13], $0x80, s23, s13, $0xb8;
	[tilespmem:$0x18380] =	vst v63  }
0x1a2: {  	_ =	swait.ge [sflag:s18], $0x3E80  }
0x1a3: {  	[sflag:s18] =	ssyncset.done $0x0  }
0x1a4: {  	s23 =	rddreg [dreg:$0x13];
	[sflag:s18] =	ssyncadd.s32 $0xFFFFC180  }
0x1a5: {  	[hbm4b:s23+s2] =	stream.linear.scatter [tilespmem:s15], [sflag:$0x8], $0x3E80, $0x38;
	[tilespmem:$0x18380] =	vst v63  }
0x1a6: {  	_ =	swait.ge [sflag:s9], $0x3E80  }
0x1a7: {  	[sflag:s9] =	ssyncset.done $0x0  }
0x1a8: {  	s23 =	simm.s32 $0x980;
	[sflag:s9] =	ssyncadd.s32 $0xFFFFC180  }
0x1a9: {  	[tilespmem:s15], [sflag:$0x2] =	stream.indirect.gather [hbm4b:s3+s13], $0x80, s23, s13, $0xb8;
	[tilespmem:$0x18380] =	vst v63  }
0x1aa: {  	_ =	swait.ge [sflag:s19], $0x3E80  }
0x1ab: {  	[sflag:s19] =	ssyncset.done $0x0  }
0x1ac: {  	s23 =	rddreg [dreg:$0x14];
	[sflag:s19] =	ssyncadd.s32 $0xFFFFC180  }
0x1ad: {  	[hbm4b:s23+s2] =	stream.linear.scatter [tilespmem:s12], [sflag:$0x9], $0x3E80, $0x38;
	[tilespmem:$0x18380] =	vst v63  }
0x1ae: {  	_ =	swait.ge [sflag:s11], $0x3E80  }
0x1af: {  	[sflag:s11] =	ssyncset.done $0x0  }
0x1b0: {  	[sflag:s11] =	ssyncadd.s32 $0xFFFFC180  }
0x1b1: {  	[tilespmem:s12], [sflag:$0x3] =	stream.indirect.gather [hbm4b:s3+s13], $0x80, s29, s13, $0xb8;
	[tilespmem:$0x18380] =	vst v63  }
0x1b2: {  	_ =	swait.ge [sflag:s20], $0x3E80  }
0x1b3: {  	[sflag:s20] =	ssyncset.done $0x0  }
0x1b4: {  	s23 =	rddreg [dreg:$0x15];
	[sflag:s20] =	ssyncadd.s32 $0xFFFFC180  }
0x1b5: {  	[hbm4b:s23+s2] =	stream.linear.scatter [tilespmem:s10], [sflag:$0xA], $0x3E80, $0x38;
	[tilespmem:$0x18380] =	vst v63  }
0x1b6: {  	_ =	swait.ge [sflag:s14], $0x3E80  }
0x1b7: {  	[sflag:s14] =	ssyncset.done $0x0  }
0x1b8: {  	[sflag:s14] =	ssyncadd.s32 $0xFFFFC180  }
0x1b9: {  	[tilespmem:s10], [sflag:$0x4] =	stream.indirect.gather [hbm4b:s3+s13], $0x80, s28, s13, $0xb8;
	[tilespmem:$0x18380] =	vst v63  }
0x1ba: {  	_ =	swait.ge [sflag:s21], $0x3E80  }
0x1bb: {  	[sflag:s21] =	ssyncset.done $0x0  }
0x1bc: {  	s23 =	rddreg [dreg:$0x16];
	[sflag:s21] =	ssyncadd.s32 $0xFFFFC180  }
0x1bd: {  	[hbm4b:s23+s2] =	stream.linear.scatter [tilespmem:s8], [sflag:$0xB], $0x3E80, $0x38;
	[tilespmem:$0x18380] =	vst v63  }
0x1be: {  	_ =	swait.ge [sflag:s16], $0x3E80  }
0x1bf: {  	[sflag:s16] =	ssyncset.done $0x0  }
0x1c0: {  	[sflag:s16] =	ssyncadd.s32 $0xFFFFC180  }
0x1c1: {  	[tilespmem:s8], [sflag:$0x5] =	stream.indirect.gather [hbm4b:s3+s13], $0x80, s26, s13, $0xb8;
	[tilespmem:$0x18380] =	vst v63  }
0x1c2: {  	_ =	swait.ge [sflag:s22], $0x3E80  }
0x1c3: {  	[sflag:s22] =	ssyncset.done $0x0  }
0x1c4: {  	s23 =	rddreg [dreg:$0x17];
	[sflag:s22] =	ssyncadd.s32 $0xFFFFC180  }
0x1c5: {  	[hbm4b:s23+s2] =	stream.linear.scatter [tilespmem:s7], [sflag:$0xC], $0x3E80, $0x38;
	[tilespmem:$0x18380] =	vst v63  }
0x1c6: {  	_ =	swait.ge [sflag:s17], $0x3E80  }
0x1c7: {  	[sflag:s17] =	ssyncset.done $0x0  }
0x1c8: {  	[sflag:s17] =	ssyncadd.s32 $0xFFFFC180  }
0x1c9: {  	[tilespmem:s7], [sflag:$0x6] =	stream.indirect.gather [hbm4b:s3+s13], $0x80, s25, s13, $0xb8;
	[tilespmem:$0x18380] =	vst v63  }
0x1ca: {  	_ =	swait.ge [sflag:s6], $0x3E80  }
0x1cb: {  	[sflag:s6] =	ssyncset.done $0x0  }
0x1cc: {  	s23 =	rddreg [dreg:$0x18];
	[sflag:s6] =	ssyncadd.s32 $0xFFFFC180  }
0x1cd: {  	[hbm4b:s23+s2] =	stream.linear.scatter [tilespmem:s4], [sflag:$0x7], $0x3E80, $0x38;
	[tilespmem:$0x18380] =	vst v63  }
0x1ce: {  	_ =	swait.ge [sflag:s5], $0x3E80  }
0x1cf: {  	[sflag:s5] =	ssyncset.done $0x0  }
0x1d0: {  	[sflag:s5] =	ssyncadd.s32 $0xFFFFC180  }
0x1d1: {  	[tilespmem:s4], [sflag:$0x1] =	stream.indirect.gather [hbm4b:s3+s13], $0x80, s24, s13, $0xb8;
	[tilespmem:$0x18380] =	vst v63  }
0x1d2: {  	_ =	swait.ge [sflag:s18], $0x3E80  }
0x1d3: {  	[sflag:s18] =	ssyncset.done $0x0  }
0x1d4: {  	s23 =	rddreg [dreg:$0x19];
	[sflag:s18] =	ssyncadd.s32 $0xFFFFC180  }
0x1d5: {  	[hbm4b:s23+s2] =	stream.linear.scatter [tilespmem:s15], [sflag:$0x8], $0x3E80, $0x38;
	[tilespmem:$0x18380] =	vst v63  }
0x1d6: {  	_ =	swait.ge [sflag:s19], $0x3E80  }
0x1d7: {  	[sflag:s19] =	ssyncset.done $0x0  }
0x1d8: {  	s23 =	rddreg [dreg:$0x1a];
	[sflag:s19] =	ssyncadd.s32 $0xFFFFC180  }
0x1d9: {  	[hbm4b:s23+s2] =	stream.linear.scatter [tilespmem:s12], [sflag:$0x9], $0x3E80, $0x38;
	[tilespmem:$0x18380] =	vst v63  }
0x1da: {  	_ =	swait.ge [sflag:s20], $0x3E80  }
0x1db: {  	[sflag:s20] =	ssyncset.done $0x0  }
0x1dc: {  	s23 =	rddreg [dreg:$0x1b];
	[sflag:s20] =	ssyncadd.s32 $0xFFFFC180  }
0x1dd: {  	[hbm4b:s23+s2] =	stream.linear.scatter [tilespmem:s10], [sflag:$0xA], $0x3E80, $0x38;
	[tilespmem:$0x18380] =	vst v63  }
0x1de: {  	_ =	swait.ge [sflag:s21], $0x3E80  }
0x1df: {  	[sflag:s21] =	ssyncset.done $0x0  }
0x1e0: {  	s23 =	rddreg [dreg:$0x1c];
	[sflag:s21] =	ssyncadd.s32 $0xFFFFC180  }
0x1e1: {  	[hbm4b:s23+s2] =	stream.linear.scatter [tilespmem:s8], [sflag:$0xB], $0x3E80, $0x38;
	[tilespmem:$0x18380] =	vst v63  }
0x1e2: {  	_ =	swait.ge [sflag:s22], $0x3E80  }
0x1e3: {  	[sflag:s22] =	ssyncset.done $0x0  }
0x1e4: {  	s23 =	rddreg [dreg:$0x1d];
	[sflag:s22] =	ssyncadd.s32 $0xFFFFC180  }
0x1e5: {  	[hbm4b:s23+s2] =	stream.linear.scatter [tilespmem:s7], [sflag:$0xC], $0x3E80, $0x38;
	[tilespmem:$0x18380] =	vst v63  }
0x1e6: {  	_ =	swait.ge [sflag:s6], $0x3E80  }
0x1e7: {  	[sflag:s6] =	ssyncset.done $0x0  }
0x1e8: {  	s23 =	rddreg [dreg:$0x1e];
	[sflag:s6] =	ssyncadd.s32 $0xFFFFC180  }
0x1e9: {  	[hbm4b:s23+s2] =	stream.linear.scatter [tilespmem:s4], [sflag:$0x7], $0x3E80, $0x38;
	[tilespmem:$0x18380] =	vst v63  }
0x1ea: {  	_ =	swait.ge [sflag:s9], $0x3E80  }
0x1eb: {  	[sflag:s9] =	ssyncset.done $0x0  }
0x1ec: {  	[sflag:s9] =	ssyncadd.s32 $0xFFFFC180  }
0x1ed: {  	_ =	swait.ge [sflag:s11], $0x3E80  }
0x1ee: {  	[sflag:s11] =	ssyncset.done $0x0  }
0x1ef: {  	[sflag:s11] =	ssyncadd.s32 $0xFFFFC180  }
0x1f0: {  	_ =	swait.ge [sflag:s14], $0x3E80  }
0x1f1: {  	[sflag:s14] =	ssyncset.done $0x0  }
0x1f2: {  	[sflag:s14] =	ssyncadd.s32 $0xFFFFC180  }
0x1f3: {  	_ =	swait.ge [sflag:s16], $0x3E80  }
0x1f4: {  	[sflag:s16] =	ssyncset.done $0x0  }
0x1f5: {  	p1 =	sne.s32 s1, $0x1;
	[sflag:s16] =	ssyncadd.s32 $0xFFFFC180  }
.Ltmp2:
0x1f6: {  	_ =	swait.ge [sflag:s17], $0x3E80;
	(pc) =	sbr.rel @p1 .LBB2_4-.Ltmp2, $4  }
0x1f7: {  	[sflag:s17] =	ssyncset.done $0x0  }
0x1f8: {  	[sflag:s17] =	ssyncadd.s32 $0xFFFFC180  }
0x1f9: {  	_ =	swait.ge [sflag:s5], $0x3E80  }
0x1fa: {  	s1 =	sadd.s32 $0xFFFFFFFF, s1;
	s0 =	rddreg [dreg:$0x4];
	[sflag:s5] =	ssyncset.done $0x0  }
0x1fb: {  	s24 =	simm.s32 $0x980;
	s29 =	simm.s32 $0xA00;
	s28 =	simm.s32 $0xA80  }
0x1fc: {  	s26 =	simm.s32 $0xB00;
	s25 =	simm.s32 $0xB80;
	s23 =	stileid.u32  }
.LBB2_6:
0x1fd: {  	[sflag:s5] =	ssyncadd.s32 @p0 $0xFFFFC180  }
0x1fe: {  	[tilespmem:s2], [sflag:$0xD] =	stream.linear.gather [hbm4b:s0+s2], $0x280, $0x38;
	[tilespmem:$0x18380] =	vst v63  }
0x1ff: {  	_ =	swait.ge [sflag:s30], $0x280  }
0x200: {  	[sflag:s30] =	ssyncset.done $0x0  }
0x201: {  	s0 =	rddreg [dreg:$0x1f];
	[sflag:s30] =	ssyncadd.s32 $0xFFFFFD80  }
0x202: {  	[tilespmem:s4], [sflag:$0x1] =	stream.indirect.gather [hbm4b:s3+s13], $0x80, s2, s13, $0xb8;
	[tilespmem:$0x18380] =	vst v63  }
0x203: {  	s1 =	sld [smem:$0x7EE]  }
0x204: {  	[tilespmem:s15], [sflag:$0x2] =	stream.indirect.gather [hbm4b:s3+s13], $0x80, s0, s13, $0xb8;
	[tilespmem:$0x18380] =	vst v63  }
0x205: {  	s0 =	sld [smem:$0x7EF]  }
0x206: {  	[tilespmem:s12], [sflag:$0x3] =	stream.indirect.gather [hbm4b:s3+s13], $0x80, s1, s13, $0xb8;
	[tilespmem:$0x18380] =	vst v63  }
0x207: {  	s1 =	sld [smem:$0x7F0]  }
0x208: {  	[tilespmem:s10], [sflag:$0x4] =	stream.indirect.gather [hbm4b:s3+s13], $0x80, s0, s13, $0xb8;
	[tilespmem:$0x18380] =	vst v63  }
0x209: {  	_ = 	snop  }
0x20a: {  	[tilespmem:s8], [sflag:$0x5] =	stream.indirect.gather [hbm4b:s3+s13], $0x80, s1, s13, $0xb8;
	[tilespmem:$0x18380] =	vst v63  }
0x20b: {  	s0 =	rddreg [dreg:$0x5]  }
0x20c: {  	[tilespmem:s31], [sflag:$0xD] =	stream.linear.gather [hbm4b:s0+s2], $0xA00, $0x38;
	[tilespmem:$0x18380] =	vst v63  }
0x20d: {  	_ =	swait.ge [sflag:s30], $0xA00  }
0x20e: {  	[sflag:s30] =	ssyncset.done $0x0  }
0x20f: {  	[sflag:s30] =	ssyncadd.s32 $0xFFFFF600  }
0x210: {  	[tilespmem:s7], [sflag:$0x6] =	stream.indirect.gather [hbm4b:s3+s13], $0x80, s31, s13, $0xb8;
	[tilespmem:$0x18380] =	vst v63  }
0x211: {  	_ =	swait.ge [sflag:s6], $0x3E80  }
0x212: {  	[sflag:s6] =	ssyncset.done $0x0  }
0x213: {  	s30 =	rddreg [dreg:$0x6];
	[sflag:s6] =	ssyncadd.s32 $0xFFFFC180  }
0x214: {  	[hbm4b:s30+s2] =	stream.linear.scatter [tilespmem:s4], [sflag:$0x7], $0x3E80, $0x38;
	[tilespmem:$0x18380] =	vst v63  }
0x215: {  	_ =	swait.ge [sflag:s5], $0x3E80  }
0x216: {  	s31 =	sld [smem:$0x7F1]  }
0x217: {  	[sflag:s5] =	ssyncset.done $0x0  }
0x218: {  	[sflag:s5] =	ssyncadd.s32 $0xFFFFC180  }
0x219: {  	[tilespmem:s4], [sflag:$0x1] =	stream.indirect.gather [hbm4b:s3+s13], $0x80, s31, s13, $0xb8;
	[tilespmem:$0x18380] =	vst v63  }
0x21a: {  	_ =	swait.ge [sflag:s18], $0x3E80  }
0x21b: {  	[sflag:s18] =	ssyncset.done $0x0  }
0x21c: {  	s1 =	rddreg [dreg:$0x7];
	[sflag:s18] =	ssyncadd.s32 $0xFFFFC180  }
0x21d: {  	[hbm4b:s1+s2] =	stream.linear.scatter [tilespmem:s15], [sflag:$0x8], $0x3E80, $0x38;
	[tilespmem:$0x18380] =	vst v63  }
0x21e: {  	_ =	swait.ge [sflag:s9], $0x3E80  }
0x21f: {  	s30 =	sld [smem:$0x7F2]  }
0x220: {  	[sflag:s9] =	ssyncset.done $0x0  }
0x221: {  	[sflag:s9] =	ssyncadd.s32 $0xFFFFC180  }
0x222: {  	[tilespmem:s15], [sflag:$0x2] =	stream.indirect.gather [hbm4b:s3+s13], $0x80, s30, s13, $0xb8;
	[tilespmem:$0x18380] =	vst v63  }
0x223: {  	_ =	swait.ge [sflag:s19], $0x3E80  }
0x224: {  	[sflag:s19] =	ssyncset.done $0x0  }
0x225: {  	s31 =	rddreg [dreg:$0x8];
	[sflag:s19] =	ssyncadd.s32 $0xFFFFC180  }
0x226: {  	[hbm4b:s31+s2] =	stream.linear.scatter [tilespmem:s12], [sflag:$0x9], $0x3E80, $0x38;
	[tilespmem:$0x18380] =	vst v63  }
0x227: {  	_ =	swait.ge [sflag:s11], $0x3E80  }
0x228: {  	s1 =	sld [smem:$0x7F3]  }
0x229: {  	[sflag:s11] =	ssyncset.done $0x0  }
0x22a: {  	[sflag:s11] =	ssyncadd.s32 $0xFFFFC180  }
0x22b: {  	[tilespmem:s12], [sflag:$0x3] =	stream.indirect.gather [hbm4b:s3+s13], $0x80, s1, s13, $0xb8;
	[tilespmem:$0x18380] =	vst v63  }
0x22c: {  	_ =	swait.ge [sflag:s20], $0x3E80  }
0x22d: {  	[sflag:s20] =	ssyncset.done $0x0  }
0x22e: {  	s30 =	rddreg [dreg:$0x9];
	[sflag:s20] =	ssyncadd.s32 $0xFFFFC180  }
0x22f: {  	[hbm4b:s30+s2] =	stream.linear.scatter [tilespmem:s10], [sflag:$0xA], $0x3E80, $0x38;
	[tilespmem:$0x18380] =	vst v63  }
0x230: {  	_ =	swait.ge [sflag:s14], $0x3E80  }
0x231: {  	s31 =	sld [smem:$0x7F4]  }
0x232: {  	[sflag:s14] =	ssyncset.done $0x0  }
0x233: {  	[sflag:s14] =	ssyncadd.s32 $0xFFFFC180  }
0x234: {  	[tilespmem:s10], [sflag:$0x4] =	stream.indirect.gather [hbm4b:s3+s13], $0x80, s31, s13, $0xb8;
	[tilespmem:$0x18380] =	vst v63  }
0x235: {  	_ =	swait.ge [sflag:s21], $0x3E80  }
0x236: {  	[sflag:s21] =	ssyncset.done $0x0  }
0x237: {  	s1 =	rddreg [dreg:$0xa];
	[sflag:s21] =	ssyncadd.s32 $0xFFFFC180  }
0x238: {  	[hbm4b:s1+s2] =	stream.linear.scatter [tilespmem:s8], [sflag:$0xB], $0x3E80, $0x38;
	[tilespmem:$0x18380] =	vst v63  }
0x239: {  	_ =	swait.ge [sflag:s16], $0x3E80  }
0x23a: {  	s30 =	sld [smem:$0x7F5]  }
0x23b: {  	[sflag:s16] =	ssyncset.done $0x0  }
0x23c: {  	[sflag:s16] =	ssyncadd.s32 $0xFFFFC180  }
0x23d: {  	[tilespmem:s8], [sflag:$0x5] =	stream.indirect.gather [hbm4b:s3+s13], $0x80, s30, s13, $0xb8;
	[tilespmem:$0x18380] =	vst v63  }
0x23e: {  	_ =	swait.ge [sflag:s22], $0x3E80  }
0x23f: {  	[sflag:s22] =	ssyncset.done $0x0  }
0x240: {  	s31 =	rddreg [dreg:$0xb];
	[sflag:s22] =	ssyncadd.s32 $0xFFFFC180  }
0x241: {  	[hbm4b:s31+s2] =	stream.linear.scatter [tilespmem:s7], [sflag:$0xC], $0x3E80, $0x38;
	[tilespmem:$0x18380] =	vst v63  }
0x242: {  	_ =	swait.ge [sflag:s17], $0x3E80  }
0x243: {  	s1 =	sld [smem:$0x7F6]  }
0x244: {  	[sflag:s17] =	ssyncset.done $0x0  }
0x245: {  	[sflag:s17] =	ssyncadd.s32 $0xFFFFC180  }
0x246: {  	[tilespmem:s7], [sflag:$0x6] =	stream.indirect.gather [hbm4b:s3+s13], $0x80, s1, s13, $0xb8;
	[tilespmem:$0x18380] =	vst v63  }
0x247: {  	_ =	swait.ge [sflag:s6], $0x3E80  }
0x248: {  	[sflag:s6] =	ssyncset.done $0x0  }
0x249: {  	s30 =	rddreg [dreg:$0xc];
	[sflag:s6] =	ssyncadd.s32 $0xFFFFC180  }
0x24a: {  	[hbm4b:s30+s2] =	stream.linear.scatter [tilespmem:s4], [sflag:$0x7], $0x3E80, $0x38;
	[tilespmem:$0x18380] =	vst v63  }
0x24b: {  	_ =	swait.ge [sflag:s5], $0x3E80  }
0x24c: {  	s31 =	sld [smem:$0x7F7]  }
0x24d: {  	[sflag:s5] =	ssyncset.done $0x0  }
0x24e: {  	[sflag:s5] =	ssyncadd.s32 $0xFFFFC180  }
0x24f: {  	[tilespmem:s4], [sflag:$0x1] =	stream.indirect.gather [hbm4b:s3+s13], $0x80, s31, s13, $0xb8;
	[tilespmem:$0x18380] =	vst v63  }
0x250: {  	_ =	swait.ge [sflag:s18], $0x3E80  }
0x251: {  	[sflag:s18] =	ssyncset.done $0x0  }
0x252: {  	s1 =	rddreg [dreg:$0xd];
	[sflag:s18] =	ssyncadd.s32 $0xFFFFC180  }
0x253: {  	[hbm4b:s1+s2] =	stream.linear.scatter [tilespmem:s15], [sflag:$0x8], $0x3E80, $0x38;
	[tilespmem:$0x18380] =	vst v63  }
0x254: {  	_ =	swait.ge [sflag:s9], $0x3E80  }
0x255: {  	s30 =	sld [smem:$0x7F8]  }
0x256: {  	[sflag:s9] =	ssyncset.done $0x0  }
0x257: {  	[sflag:s9] =	ssyncadd.s32 $0xFFFFC180  }
0x258: {  	[tilespmem:s15], [sflag:$0x2] =	stream.indirect.gather [hbm4b:s3+s13], $0x80, s30, s13, $0xb8;
	[tilespmem:$0x18380] =	vst v63  }
0x259: {  	_ =	swait.ge [sflag:s19], $0x3E80  }
0x25a: {  	[sflag:s19] =	ssyncset.done $0x0  }
0x25b: {  	s31 =	rddreg [dreg:$0xe];
	[sflag:s19] =	ssyncadd.s32 $0xFFFFC180  }
0x25c: {  	[hbm4b:s31+s2] =	stream.linear.scatter [tilespmem:s12], [sflag:$0x9], $0x3E80, $0x38;
	[tilespmem:$0x18380] =	vst v63  }
0x25d: {  	_ =	swait.ge [sflag:s11], $0x3E80  }
0x25e: {  	s1 =	sld [smem:$0x7F9]  }
0x25f: {  	[sflag:s11] =	ssyncset.done $0x0  }
0x260: {  	[sflag:s11] =	ssyncadd.s32 $0xFFFFC180  }
0x261: {  	[tilespmem:s12], [sflag:$0x3] =	stream.indirect.gather [hbm4b:s3+s13], $0x80, s1, s13, $0xb8;
	[tilespmem:$0x18380] =	vst v63  }
0x262: {  	_ =	swait.ge [sflag:s20], $0x3E80  }
0x263: {  	[sflag:s20] =	ssyncset.done $0x0  }
0x264: {  	s30 =	rddreg [dreg:$0xf];
	[sflag:s20] =	ssyncadd.s32 $0xFFFFC180  }
0x265: {  	[hbm4b:s30+s2] =	stream.linear.scatter [tilespmem:s10], [sflag:$0xA], $0x3E80, $0x38;
	[tilespmem:$0x18380] =	vst v63  }
0x266: {  	_ =	swait.ge [sflag:s14], $0x3E80  }
0x267: {  	s31 =	sld [smem:$0x7FA]  }
0x268: {  	[sflag:s14] =	ssyncset.done $0x0  }
0x269: {  	[sflag:s14] =	ssyncadd.s32 $0xFFFFC180  }
0x26a: {  	[tilespmem:s10], [sflag:$0x4] =	stream.indirect.gather [hbm4b:s3+s13], $0x80, s31, s13, $0xb8;
	[tilespmem:$0x18380] =	vst v63  }
0x26b: {  	_ =	swait.ge [sflag:s21], $0x3E80  }
0x26c: {  	[sflag:s21] =	ssyncset.done $0x0  }
0x26d: {  	s1 =	rddreg [dreg:$0x10];
	[sflag:s21] =	ssyncadd.s32 $0xFFFFC180  }
0x26e: {  	[hbm4b:s1+s2] =	stream.linear.scatter [tilespmem:s8], [sflag:$0xB], $0x3E80, $0x38;
	[tilespmem:$0x18380] =	vst v63  }
0x26f: {  	_ =	swait.ge [sflag:s16], $0x3E80  }
0x270: {  	s30 =	sld [smem:$0x7FB]  }
0x271: {  	[sflag:s16] =	ssyncset.done $0x0  }
0x272: {  	[sflag:s16] =	ssyncadd.s32 $0xFFFFC180  }
0x273: {  	[tilespmem:s8], [sflag:$0x5] =	stream.indirect.gather [hbm4b:s3+s13], $0x80, s30, s13, $0xb8;
	[tilespmem:$0x18380] =	vst v63  }
0x274: {  	_ =	swait.ge [sflag:s22], $0x3E80  }
0x275: {  	[sflag:s22] =	ssyncset.done $0x0  }
0x276: {  	s31 =	rddreg [dreg:$0x11];
	[sflag:s22] =	ssyncadd.s32 $0xFFFFC180  }
0x277: {  	[hbm4b:s31+s2] =	stream.linear.scatter [tilespmem:s7], [sflag:$0xC], $0x3E80, $0x38;
	[tilespmem:$0x18380] =	vst v63  }
0x278: {  	_ =	swait.ge [sflag:s17], $0x3E80  }
0x279: {  	s1 =	sld [smem:$0x7FC]  }
0x27a: {  	[sflag:s17] =	ssyncset.done $0x0  }
0x27b: {  	[sflag:s17] =	ssyncadd.s32 $0xFFFFC180  }
0x27c: {  	[tilespmem:s7], [sflag:$0x6] =	stream.indirect.gather [hbm4b:s3+s13], $0x80, s1, s13, $0xb8;
	[tilespmem:$0x18380] =	vst v63  }
0x27d: {  	_ =	swait.ge [sflag:s6], $0x3E80  }
0x27e: {  	[sflag:s6] =	ssyncset.done $0x0  }
0x27f: {  	s30 =	rddreg [dreg:$0x12];
	[sflag:s6] =	ssyncadd.s32 $0xFFFFC180  }
0x280: {  	[hbm4b:s30+s2] =	stream.linear.scatter [tilespmem:s4], [sflag:$0x7], $0x3E80, $0x38;
	[tilespmem:$0x18380] =	vst v63  }
0x281: {  	_ =	swait.ge [sflag:s5], $0x3E80  }
0x282: {  	s31 =	sld [smem:$0x7FD]  }
0x283: {  	[sflag:s5] =	ssyncset.done $0x0  }
0x284: {  	[sflag:s5] =	ssyncadd.s32 $0xFFFFC180  }
0x285: {  	[tilespmem:s4], [sflag:$0x1] =	stream.indirect.gather [hbm4b:s3+s13], $0x80, s31, s13, $0xb8;
	[tilespmem:$0x18380] =	vst v63  }
0x286: {  	_ =	swait.ge [sflag:s18], $0x3E80  }
0x287: {  	[sflag:s18] =	ssyncset.done $0x0  }
0x288: {  	s1 =	rddreg [dreg:$0x13];
	[sflag:s18] =	ssyncadd.s32 $0xFFFFC180  }
0x289: {  	[hbm4b:s1+s2] =	stream.linear.scatter [tilespmem:s15], [sflag:$0x8], $0x3E80, $0x38;
	[tilespmem:$0x18380] =	vst v63  }
0x28a: {  	_ =	swait.ge [sflag:s9], $0x3E80  }
0x28b: {  	[sflag:s9] =	ssyncset.done $0x0  }
0x28c: {  	[sflag:s9] =	ssyncadd.s32 $0xFFFFC180  }
0x28d: {  	[tilespmem:s15], [sflag:$0x2] =	stream.indirect.gather [hbm4b:s3+s13], $0x80, s24, s13, $0xb8;
	[tilespmem:$0x18380] =	vst v63  }
0x28e: {  	_ =	swait.ge [sflag:s19], $0x3E80  }
0x28f: {  	[sflag:s19] =	ssyncset.done $0x0  }
0x290: {  	s24 =	rddreg [dreg:$0x14];
	[sflag:s19] =	ssyncadd.s32 $0xFFFFC180  }
0x291: {  	[hbm4b:s24+s2] =	stream.linear.scatter [tilespmem:s12], [sflag:$0x9], $0x3E80, $0x38;
	[tilespmem:$0x18380] =	vst v63  }
0x292: {  	_ =	swait.ge [sflag:s11], $0x3E80  }
0x293: {  	[sflag:s11] =	ssyncset.done $0x0  }
0x294: {  	[sflag:s11] =	ssyncadd.s32 $0xFFFFC180  }
0x295: {  	[tilespmem:s12], [sflag:$0x3] =	stream.indirect.gather [hbm4b:s3+s13], $0x80, s29, s13, $0xb8;
	[tilespmem:$0x18380] =	vst v63  }
0x296: {  	_ =	swait.ge [sflag:s20], $0x3E80  }
0x297: {  	[sflag:s20] =	ssyncset.done $0x0  }
0x298: {  	s29 =	rddreg [dreg:$0x15];
	[sflag:s20] =	ssyncadd.s32 $0xFFFFC180  }
0x299: {  	[hbm4b:s29+s2] =	stream.linear.scatter [tilespmem:s10], [sflag:$0xA], $0x3E80, $0x38;
	[tilespmem:$0x18380] =	vst v63  }
0x29a: {  	_ =	swait.ge [sflag:s14], $0x3E80  }
0x29b: {  	[sflag:s14] =	ssyncset.done $0x0  }
0x29c: {  	[sflag:s14] =	ssyncadd.s32 $0xFFFFC180  }
0x29d: {  	[tilespmem:s10], [sflag:$0x4] =	stream.indirect.gather [hbm4b:s3+s13], $0x80, s28, s13, $0xb8;
	[tilespmem:$0x18380] =	vst v63  }
0x29e: {  	_ =	swait.ge [sflag:s21], $0x3E80  }
0x29f: {  	[sflag:s21] =	ssyncset.done $0x0  }
0x2a0: {  	s30 =	rddreg [dreg:$0x16];
	[sflag:s21] =	ssyncadd.s32 $0xFFFFC180  }
0x2a1: {  	[hbm4b:s30+s2] =	stream.linear.scatter [tilespmem:s8], [sflag:$0xB], $0x3E80, $0x38;
	[tilespmem:$0x18380] =	vst v63  }
0x2a2: {  	_ =	swait.ge [sflag:s16], $0x3E80  }
0x2a3: {  	[sflag:s16] =	ssyncset.done $0x0  }
0x2a4: {  	[sflag:s16] =	ssyncadd.s32 $0xFFFFC180  }
0x2a5: {  	[tilespmem:s8], [sflag:$0x5] =	stream.indirect.gather [hbm4b:s3+s13], $0x80, s26, s13, $0xb8;
	[tilespmem:$0x18380] =	vst v63  }
0x2a6: {  	_ =	swait.ge [sflag:s22], $0x3E80  }
0x2a7: {  	[sflag:s22] =	ssyncset.done $0x0  }
0x2a8: {  	s31 =	rddreg [dreg:$0x17];
	[sflag:s22] =	ssyncadd.s32 $0xFFFFC180  }
0x2a9: {  	[hbm4b:s31+s2] =	stream.linear.scatter [tilespmem:s7], [sflag:$0xC], $0x3E80, $0x38;
	[tilespmem:$0x18380] =	vst v63  }
0x2aa: {  	_ =	swait.ge [sflag:s17], $0x3E80  }
0x2ab: {  	[sflag:s17] =	ssyncset.done $0x0  }
0x2ac: {  	[sflag:s17] =	ssyncadd.s32 $0xFFFFC180  }
0x2ad: {  	[tilespmem:s7], [sflag:$0x6] =	stream.indirect.gather [hbm4b:s3+s13], $0x80, s25, s13, $0xb8;
	[tilespmem:$0x18380] =	vst v63  }
0x2ae: {  	_ =	swait.ge [sflag:s6], $0x3E80  }
0x2af: {  	[sflag:s6] =	ssyncset.done $0x0  }
0x2b0: {  	s1 =	rddreg [dreg:$0x18];
	[sflag:s6] =	ssyncadd.s32 $0xFFFFC180  }
0x2b1: {  	[hbm4b:s1+s2] =	stream.linear.scatter [tilespmem:s4], [sflag:$0x7], $0x3E80, $0x38;
	[tilespmem:$0x18380] =	vst v63  }
0x2b2: {  	_ =	swait.ge [sflag:s5], $0x3E80  }
0x2b3: {  	[sflag:s5] =	ssyncset.done $0x0  }
0x2b4: {  	s24 =	simm.s32 $0xC00;
	[sflag:s5] =	ssyncadd.s32 $0xFFFFC180  }
0x2b5: {  	[tilespmem:s4], [sflag:$0x1] =	stream.indirect.gather [hbm4b:s3+s13], $0x80, s24, s13, $0xb8;
	[tilespmem:$0x18380] =	vst v63  }
0x2b6: {  	_ =	swait.ge [sflag:s18], $0x3E80  }
0x2b7: {  	[sflag:s18] =	ssyncset.done $0x0  }
0x2b8: {  	s25 =	rddreg [dreg:$0x19];
	[sflag:s18] =	ssyncadd.s32 $0xFFFFC180  }
0x2b9: {  	[hbm4b:s25+s2] =	stream.linear.scatter [tilespmem:s15], [sflag:$0x8], $0x3E80, $0x38;
	[tilespmem:$0x18380] =	vst v63  }
0x2ba: {  	_ =	swait.ge [sflag:s19], $0x3E80  }
0x2bb: {  	[sflag:s19] =	ssyncset.done $0x0  }
0x2bc: {  	s26 =	rddreg [dreg:$0x1a];
	[sflag:s19] =	ssyncadd.s32 $0xFFFFC180  }
0x2bd: {  	[hbm4b:s26+s2] =	stream.linear.scatter [tilespmem:s12], [sflag:$0x9], $0x3E80, $0x38;
	[tilespmem:$0x18380] =	vst v63  }
0x2be: {  	_ =	swait.ge [sflag:s20], $0x3E80  }
0x2bf: {  	[sflag:s20] =	ssyncset.done $0x0  }
0x2c0: {  	s28 =	rddreg [dreg:$0x1b];
	[sflag:s20] =	ssyncadd.s32 $0xFFFFC180  }
0x2c1: {  	[hbm4b:s28+s2] =	stream.linear.scatter [tilespmem:s10], [sflag:$0xA], $0x3E80, $0x38;
	[tilespmem:$0x18380] =	vst v63  }
0x2c2: {  	_ =	swait.ge [sflag:s21], $0x3E80  }
0x2c3: {  	[sflag:s21] =	ssyncset.done $0x0  }
0x2c4: {  	s29 =	rddreg [dreg:$0x1c];
	[sflag:s21] =	ssyncadd.s32 $0xFFFFC180  }
0x2c5: {  	[hbm4b:s29+s2] =	stream.linear.scatter [tilespmem:s8], [sflag:$0xB], $0x3E80, $0x38;
	[tilespmem:$0x18380] =	vst v63  }
0x2c6: {  	_ =	swait.ge [sflag:s22], $0x3E80  }
0x2c7: {  	[sflag:s22] =	ssyncset.done $0x0  }
0x2c8: {  	s30 =	rddreg [dreg:$0x1d];
	[sflag:s22] =	ssyncadd.s32 $0xFFFFC180  }
0x2c9: {  	[hbm4b:s30+s2] =	stream.linear.scatter [tilespmem:s7], [sflag:$0xC], $0x3E80, $0x38;
	[tilespmem:$0x18380] =	vst v63  }
0x2ca: {  	_ =	swait.ge [sflag:s6], $0x3E80  }
0x2cb: {  	[sflag:s6] =	ssyncset.done $0x0  }
0x2cc: {  	s31 =	rddreg [dreg:$0x1e];
	[sflag:s6] =	ssyncadd.s32 $0xFFFFC180  }
0x2cd: {  	[hbm4b:s31+s2] =	stream.linear.scatter [tilespmem:s4], [sflag:$0x7], $0x3E80, $0x38;
	[tilespmem:$0x18380] =	vst v63  }
0x2ce: {  	_ =	swait.ge [sflag:s9], $0x3E80  }
0x2cf: {  	[sflag:s9] =	ssyncset.done $0x0  }
0x2d0: {  	[sflag:s9] =	ssyncadd.s32 $0xFFFFC180  }
0x2d1: {  	_ =	swait.ge [sflag:s11], $0x3E80  }
0x2d2: {  	[sflag:s11] =	ssyncset.done $0x0  }
0x2d3: {  	[sflag:s11] =	ssyncadd.s32 $0xFFFFC180  }
0x2d4: {  	_ =	swait.ge [sflag:s14], $0x3E80  }
0x2d5: {  	[sflag:s14] =	ssyncset.done $0x0  }
0x2d6: {  	[sflag:s14] =	ssyncadd.s32 $0xFFFFC180  }
0x2d7: {  	_ =	swait.ge [sflag:s16], $0x3E80  }
0x2d8: {  	[sflag:s16] =	ssyncset.done $0x0  }
0x2d9: {  	[sflag:s16] =	ssyncadd.s32 $0xFFFFC180  }
0x2da: {  	_ =	swait.ge [sflag:s17], $0x3E80  }
0x2db: {  	[sflag:s17] =	ssyncset.done $0x0  }
0x2dc: {  	[sflag:s17] =	ssyncadd.s32 $0xFFFFC180  }
0x2dd: {  	_ =	swait.ge [sflag:s5], $0x3E80  }
0x2de: {  	[sflag:s5] =	ssyncset.done $0x0  }
0x2df: {  	[sflag:s5] =	ssyncadd.s32 $0xFFFFC180  }
0x2e0: {  	_ =	sfence.sel $0x180000  }
0x2e1: {  	[bflag:$0x0] =	sbarrier.arrive $0xFFFF  }
0x2e2: {  	_ =	strace $0x90000047  }
0x2e3: {  	[bflag:$0x2] =	sbarrier.arrive $0xFFFF  }
0x2e4: {  	p0 =	sne.s32 s23, $0x0;
	s0 =	rddreg [dreg:$0x3]  }
0x2e5: {  	s0 =	sadd.s32 @!p0 $0x100000, s0  }
0x2e6: {  	[sflag:s0] =	ssyncadd.tile.s32 @!p0 $0x1;
	_ =	shalt  }
.LBB2_1:
.Ltmp3:
0x2e7: {  	(pc) =	sbr.rel .LBB2_6-.Ltmp3, $3  }
0x2e8: {  	_ =	sdelay $0x1  }
0x2e9: {  	s24 =	simm.s32 $0x980;
	s29 =	simm.s32 $0xA00  }
0x2ea: {  	s28 =	simm.s32 $0xA80;
	s26 =	simm.s32 $0xB00;
	s25 =	simm.s32 $0xB80  }
.LBB2_3:
.Ltmp4:
0x2eb: {  	(pc) =	sbr.rel .LBB2_6-.Ltmp4, $3  }
0x2ec: {  	_ =	sdelay $0x1  }
0x2ed: {  	s24 =	simm.s32 $0x980;
	s29 =	simm.s32 $0xA00;
	s28 =	simm.s32 $0xA80  }
0x2ee: {  	s26 =	simm.s32 $0xB00;
	s25 =	simm.s32 $0xB80;
	s23 =	stileid.u32  }
.Lfunc_end2:
_tile_overlayer_lowered:
.L_overlay_start_2:
0x2ef: {  	(tag) =	ssettag $0x2  }
0x2f0: {  	s0 =	rddreg [dreg:$0x0];
	s2 =	stileid.u32  }
0x2f1: {  	s1 =	rddreg [dreg:$0x1];
	p0 =	sne.s32 s2, $0x0  }
0x2f2: {  	s3 =	rddreg [dreg:$0x2];
	[bflag:$0x3] =	sbarrier.arrive $0xFFFF;
	s2 =	simm.s32 @!p0 $0x1C0D  }
0x2f3: {  	[timem:s3], [sflag:s2] =	dma.local @!p0 [hbm:s0], s1  }
0x2f4: {  	s0 =	simm.s32 @!p0 $0xD  }
0x2f5: {  	_ =	swait.ge @!p0 [sflag:s0], s1  }
0x2f6: {  	s1 =	ssub.s32 @!p0 $0x0, s1;
	[sflag:s0] =	ssyncset.done @!p0 $0x0  }
0x2f7: {  	[sflag:s0] =	ssyncadd.s32 @!p0 s1  }
0x2f8: {  	[bflag:$0x3] =	sbarrier.arrive $0xFFFF  }
0x2f9: {  	_ =	shalt  }

</sc_bundles>
